<compile_context>
chip_gen: v7x
topology: tpu7x:2x2x1
jax: 0.10.2.dev20260603
libtpu: 0.0.44.dev20260713+nightly
codegen_flags: <defaults>
</compile_context>

<pallas_src>
import functools

import jax
import jax.numpy as jnp
from jax import lax
from jax.experimental import pallas as pl
from jax.experimental.pallas import tpu as pltpu
from jax.experimental.pallas import tpu_sc as plsc

B = 16384
F = 26
VEC = 32
OUT = 16
N = B * F

NC = 2
NS = 16
NW = NC * NS
PER_W = N // NW
CHUNK = 1024
ROWS_PER_DMA = 128
DMAS_PER_CHUNK = CHUNK // ROWS_PER_DMA
STEPS = PER_W // CHUNK

TOK_BLK = 13312
GRID = N // TOK_BLK


def _sc_gather(table, idx2d):
    mesh = plsc.VectorSubcoreMesh(core_axis_name="c", subcore_axis_name="s")

    @functools.partial(
        pl.kernel,
        out_type=(
            jax.ShapeDtypeStruct((N, VEC), jnp.float32),
            jax.ShapeDtypeStruct((N // ROWS_PER_DMA, ROWS_PER_DMA),
                                 jnp.float32),
        ),
        mesh=mesh,
        scratch_types=[
            pltpu.VMEM((DMAS_PER_CHUNK, ROWS_PER_DMA), jnp.int32),
            pltpu.VMEM((DMAS_PER_CHUNK, ROWS_PER_DMA), jnp.float32),
            pltpu.VMEM((CHUNK, VEC), jnp.float32),
            pltpu.SemaphoreType.DMA,
        ],
        compiler_params=pltpu.CompilerParams(use_tc_tiling_on_sc=False),
    )
    def gather_kernel(table_hbm, idx_hbm, out_hbm, msk_hbm, idx_v, msk_v,
                      rows_v, sem):
        wid = lax.axis_index("s") * NC + lax.axis_index("c")

        def step(s, _):
            row_base = wid * (PER_W // ROWS_PER_DMA) + s * DMAS_PER_CHUNK
            base = wid * PER_W + s * CHUNK
            pltpu.sync_copy(idx_hbm.at[pl.ds(row_base, DMAS_PER_CHUNK)], idx_v)
            for r in range(DMAS_PER_CHUNK):
                for c in range(ROWS_PER_DMA // 16):
                    v = idx_v[r, pl.ds(c * 16, 16)]
                    msk_v[r, pl.ds(c * 16, 16)] = jnp.where(
                        v < 1, 1.0, 0.0).astype(jnp.float32)
                    idx_v[r, pl.ds(c * 16, 16)] = jnp.maximum(v - 1, 0)
            handles = []
            for j in range(DMAS_PER_CHUNK):
                handles.append(pltpu.async_copy(
                    table_hbm.at[idx_v.at[j]],
                    rows_v.at[pl.ds(j * ROWS_PER_DMA, ROWS_PER_DMA)],
                    sem,
                ))
            for h in handles:
                h.wait()
            pltpu.sync_copy(rows_v, out_hbm.at[pl.ds(base, CHUNK)])
            pltpu.sync_copy(msk_v, msk_hbm.at[pl.ds(row_base, DMAS_PER_CHUNK)])
            return ()

        lax.fori_loop(0, STEPS, step, (), unroll=False)

    return gather_kernel(table, idx2d)


def _mlp_body(x_ref, m_ref, u_ref, w1_ref, b1_ref, w2_ref, b2_ref,
              w3_ref, b3_ref, o_ref):
    x = x_ref[...]
    h = jnp.dot(x.astype(jnp.bfloat16), w1_ref[...],
                preferred_element_type=jnp.float32) + b1_ref[...]
    h = jnp.maximum(h, 0.0)
    h = jnp.dot(h.astype(jnp.bfloat16), w2_ref[...],
                preferred_element_type=jnp.float32) + b2_ref[...]
    h = jnp.maximum(h, 0.0)
    o = jnp.dot(h.astype(jnp.bfloat16), w3_ref[...],
                preferred_element_type=jnp.float32) + b3_ref[...]
    nr = TOK_BLK // 128
    m = m_ref[...]
    mb = lax.broadcast_in_dim(m.reshape(nr, 1, 128), (nr, 32, 128),
                              (0, 1, 2))
    lm = mb.reshape(TOK_BLK // 4, 128)
    row = lax.broadcasted_iota(jnp.int32, (TOK_BLK // 4, 128), 0)
    lane = lax.broadcasted_iota(jnp.int32, (TOK_BLK // 4, 128), 1)
    lane64 = lax.broadcasted_iota(jnp.int32, (1, 64), 1)
    mrep = jnp.zeros((TOK_BLK // 4, 64), jnp.float32)
    for b in range(4):
        sel = lane == (4 * (row & 31) + b)
        rs = jnp.sum(jnp.where(sel, lm, 0.0), axis=1, keepdims=True)
        band = jnp.where((lane64 >= 16 * b) & (lane64 < 16 * (b + 1)),
                         1.0, 0.0)
        mrep = mrep + rs * band
    o = jnp.where(mrep > 0.5, u_ref[...], o)
    o_ref[...] = o


def _tc_mlp(x4, msk, u64, W1b, b1b, W2b, b2b, W3b, b3b):
    return pl.pallas_call(
        _mlp_body,
        grid=(GRID,),
        in_specs=[
            pl.BlockSpec((TOK_BLK // 4, 128), lambda i: (i, 0)),
            pl.BlockSpec((TOK_BLK // 128, 128), lambda i: (i, 0)),
            pl.BlockSpec((1, 64), lambda i: (0, 0)),
            pl.BlockSpec((128, 128), lambda i: (0, 0)),
            pl.BlockSpec((1, 128), lambda i: (0, 0)),
            pl.BlockSpec((128, 128), lambda i: (0, 0)),
            pl.BlockSpec((1, 128), lambda i: (0, 0)),
            pl.BlockSpec((128, 64), lambda i: (0, 0)),
            pl.BlockSpec((1, 64), lambda i: (0, 0)),
        ],
        out_specs=pl.BlockSpec((TOK_BLK // 4, 64), lambda i: (i, 0)),
        out_shape=jax.ShapeDtypeStruct((N // 4, 64), jnp.float32),
    )(x4, msk, u64, W1b, b1b, W2b, b2b, W3b, b3b)


def _block_diag4(W, rows, cols):
    h, w = W.shape
    out = jnp.zeros((4, rows, 4, cols), jnp.float32)
    pad = jnp.zeros((rows, cols), jnp.float32).at[:h, :w].set(W)
    for g in range(4):
        out = out.at[g, :, g, :].set(pad)
    return out.reshape(4 * rows, 4 * cols)


def kernel(indices, unknown, table, W1, b1, W2, b2, W3, b3):
    idx_flat = indices.reshape(N)
    idx2d = idx_flat.reshape(N // ROWS_PER_DMA, ROWS_PER_DMA)
    gathered, msk = _sc_gather(table, idx2d)
    x4 = gathered.reshape(N // 4, 128)

    h1, h2 = W1.shape[1], W2.shape[1]
    W1b = _block_diag4(W1, VEC, VEC).astype(jnp.bfloat16)
    W2b = _block_diag4(W2, VEC, VEC).astype(jnp.bfloat16)
    W3b = _block_diag4(W3, VEC, OUT).astype(jnp.bfloat16)
    b1b = jnp.tile(jnp.zeros((VEC,), jnp.float32).at[:h1].set(b1),
                   4).reshape(1, 128)
    b2b = jnp.tile(jnp.zeros((VEC,), jnp.float32).at[:h2].set(b2),
                   4).reshape(1, 128)
    b3b = jnp.tile(b3, 4).reshape(1, 64)
    u64 = jnp.tile(unknown.reshape(OUT), 4).reshape(1, 64)

    out4 = _tc_mlp(x4, msk, u64, W1b, b1b, W2b, b2b, W3b, b3b)
    return out4.reshape(B, F, OUT)

# --- scband reference (transcript-rebuilt; emitter-appended) ---
"""Pipeline reference for scband-component-embedding-71339406787029 (READ-ONLY COPY).

The authoritative reference and input builder live on the scoring server;
editing this copy changes nothing except your own understanding.
"""

import jax, jax.numpy as jnp
import numpy as np

VOCAB = 1000000
VEC = 32
OUT = 16
B = 16384
F = 26


def _mlp_sizes():
    # mirrors make_mlp: np.linspace(input_size, output_size, n_layers+1).astype(int)
    return np.linspace(VEC, OUT, 4).astype(int)  # [32, 26, 21, 16]


def setup_inputs(seed: int = 0) -> dict:
    key = jax.random.key(seed)
    ks = jax.random.split(key, 10)
    indices = jax.random.randint(ks[0], (B, F), 0, VOCAB)
    sizes = _mlp_sizes()
    unknown = jax.random.normal(ks[1], (1, OUT), dtype=jnp.float32)
    # placeholder table: mask = arange(VOCAB) so placeholder[mask] = vectors -> dense table
    table = jax.random.normal(ks[2], (VOCAB, VEC), dtype=jnp.float32)
    W1 = jax.random.normal(ks[3], (int(sizes[0]), int(sizes[1])), dtype=jnp.float32) / np.sqrt(sizes[0])
    b1 = jnp.zeros((int(sizes[1]),), dtype=jnp.float32)
    W2 = jax.random.normal(ks[4], (int(sizes[1]), int(sizes[2])), dtype=jnp.float32) / np.sqrt(sizes[1])
    b2 = jnp.zeros((int(sizes[2]),), dtype=jnp.float32)
    W3 = jax.random.normal(ks[5], (int(sizes[2]), int(sizes[3])), dtype=jnp.float32) / np.sqrt(sizes[2])
    b3 = jnp.zeros((int(sizes[3]),), dtype=jnp.float32)
    return {"indices": indices, "unknown": unknown, "table": table,
            "W1": W1, "b1": b1, "W2": W2, "b2": b2, "W3": W3, "b3": b3}


def reference(indices, unknown, table, W1, b1, W2, b2, W3, b3):
    # unknown(indices.clamp(0, num_unknown-1)) with num_unknown=1 -> always row 0
    u = jnp.take(unknown, jnp.clip(indices, 0, 0), axis=0)
    # data((indices - 1).clamp(min=0)) -> frozen pretrained table gather
    g = jnp.take(table, jnp.maximum(indices - 1, 0), axis=0)
    # mlp: Linear+ReLU, Linear+ReLU, Linear (use_layer_norm=False)
    h = jax.nn.relu(g @ W1 + b1)
    h = jax.nn.relu(h @ W2 + b2)
    o = h @ W3 + b3
    return jnp.where((indices < 1)[..., None], u, o)

if __name__ == "__main__":
    import jax
    _d = setup_inputs()
    print(jax.jit(kernel)(*tuple(_d.values())))

</pallas_src>

<mosaic_0001>
#map = affine_map<(d0, d1) -> (0, 0)>
module attributes {stable_mosaic.version = 14 : i64} {
  func.func @gather_kernel(%arg0: i32, %arg1: i32, %arg2: memref<1000000x32xf32, #tpu.memory_space<hbm>>, %arg3: memref<3328x128xi32, #tpu.memory_space<hbm>>, %arg4: memref<425984x32xf32, #tpu.memory_space<hbm>>, %arg5: memref<3328x128xf32, #tpu.memory_space<hbm>>, %arg6: memref<8x128xi32, #tpu.memory_space<vmem>>, %arg7: memref<8x128xf32, #tpu.memory_space<vmem>>, %arg8: memref<1024x32xf32, #tpu.memory_space<vmem>>, %arg9: memref<!tpu.dma_semaphore, #tpu.memory_space<semaphore_mem>>) attributes {dimension_semantics = [#tpu.dimension_semantics<core_parallel>, #tpu.dimension_semantics<subcore_parallel>], iteration_bounds = array<i64: 2, 16>, scalar_prefetch = 0 : i64, scratch_operands = 4 : i64, tpu.core_type = #tpu.core_type<sc_vector_subcore>, window_params = [{transform_indices = #map}, {transform_indices = #map}, {transform_indices = #map}, {transform_indices = #map}]} {
    %mul3A = arith.constant 2 : i32
    %mul3A_0 = arith.muli %arg1, %mul3A : i32
    %add3A = arith.addi %mul3A_0, %arg0 : i32
    %scan3A = arith.constant 0 : i32
    %scan3A_1 = arith.constant 13 : i32
    %scan3A_2 = arith.addi %scan3A, %scan3A_1 : i32
    %scan3A_3 = arith.constant 1 : i32
    scf.for %scan3A_5 = %scan3A to %scan3A_2 step %scan3A_3  : i32 {
      %mul3A_6 = arith.constant 104 : i32
      %mul3A_7 = arith.muli %add3A, %mul3A_6 : i32
      %mul3A_8 = arith.constant 8 : i32
      %mul3A_9 = arith.muli %scan3A_5, %mul3A_8 : i32
      %add3A_10 = arith.addi %mul3A_7, %mul3A_9 : i32
      %mul3A_11 = arith.constant 13312 : i32
      %mul3A_12 = arith.muli %add3A, %mul3A_11 : i32
      %mul3A_13 = arith.constant 1024 : i32
      %mul3A_14 = arith.muli %scan3A_5, %mul3A_13 : i32
      %add3A_15 = arith.addi %mul3A_12, %mul3A_14 : i32
      "tpu.region"() ({
        %run_scoped3A = tpu.sem_alloc : memref<!tpu.dma_semaphore, #tpu.memory_space<semaphore_mem>>
        %dma_start3A_2150 = arith.constant 0 : i32
        %dma_start3A_2151 = tpu.memref_slice %arg3[%add3A_10, %dma_start3A_2150] : memref<3328x128xi32, #tpu.memory_space<hbm>> -> memref<8x128xi32, #tpu.memory_space<hbm>>
        %dma_start3A_2152 = arith.constant 0 : i32
        %dma_start3A_2153 = tpu.memref_slice %arg3[%add3A_10, %dma_start3A_2152] : memref<3328x128xi32, #tpu.memory_space<hbm>> -> memref<8x128xi32, #tpu.memory_space<hbm>>
        tpu.enqueue_dma source(%dma_start3A_2153 : memref<8x128xi32, #tpu.memory_space<hbm>>) target(%arg6 : memref<8x128xi32, #tpu.memory_space<vmem>>) target_semaphore(%run_scoped3A : memref<!tpu.dma_semaphore, #tpu.memory_space<semaphore_mem>>)
        %dma_wait3A_2154 = arith.constant 0 : i32
        %dma_wait3A_2155 = tpu.memref_slice %arg3[%add3A_10, %dma_wait3A_2154] : memref<3328x128xi32, #tpu.memory_space<hbm>> -> memref<8x128xi32, #tpu.memory_space<hbm>>
        %dma_wait3A_2156 = arith.constant 0 : i32
        %dma_wait3A_2157 = tpu.memref_slice %arg3[%add3A_10, %dma_wait3A_2156] : memref<3328x128xi32, #tpu.memory_space<hbm>> -> memref<8x128xi32, #tpu.memory_space<hbm>>
        tpu.wait_dma2 semaphore(%run_scoped3A : memref<!tpu.dma_semaphore, #tpu.memory_space<semaphore_mem>>) src(%dma_wait3A_2157 : memref<8x128xi32, #tpu.memory_space<hbm>>) dst(%arg6 : memref<8x128xi32, #tpu.memory_space<vmem>>)
        tpu.yield
      }) : () -> ()
      %get3A = arith.constant 0 : i32
      %get3A_16 = arith.index_cast %get3A : i32 to index
      %get3A_17 = arith.constant 0 : index
      %get3A_18 = tpu.vector_load %arg6[%get3A_16, %get3A_17] {strides = array<i32>} : memref<8x128xi32, #tpu.memory_space<vmem>>, vector<1x16xi32>,
      %get3A_19 = vector.shape_cast %get3A_18 : vector<1x16xi32> to vector<16xi32>
      %lt3A = arith.constant 1 : i32
      %lt3A_20 = vector.broadcast %lt3A : i32 to vector<16xi32>
      %lt3A_21 = arith.cmpi slt, %get3A_19, %lt3A_20 : vector<16xi32>
      %jit3A = arith.constant 1.000000e+00 : f32
      %jit3A_22 = arith.constant 0.000000e+00 : f32
      %broadcast_in_dim3A = vector.broadcast %jit3A : f32 to vector<16xf32>
      %broadcast_in_dim3A_23 = vector.broadcast %jit3A_22 : f32 to vector<16xf32>
      %select_n3A = arith.select %lt3A_21, %broadcast_in_dim3A, %broadcast_in_dim3A_23 : vector<16xi1>, vector<16xf32>
      %swap3A = arith.constant 0 : i32
      %swap3A_24 = arith.index_cast %swap3A : i32 to index
      %swap3A_25 = arith.constant 0 : index
      %swap3A_26 = tpu.vector_load %arg7[%swap3A_24, %swap3A_25] {strides = array<i32>} : memref<8x128xf32, #tpu.memory_space<vmem>>, vector<1x16xf32>,
      %swap3A_27 = vector.shape_cast %swap3A_26 : vector<1x16xf32> to vector<16xf32>
      %swap3A_28 = vector.shape_cast %select_n3A : vector<16xf32> to vector<1x16xf32>
      tpu.vector_store %arg7[%swap3A_24, %swap3A_25], %swap3A_28 {strides = array<i32>} : memref<8x128xf32, #tpu.memory_space<vmem>>, vector<1x16xf32>,
      %sub3A = arith.constant 1 : i32
      %sub3A_29 = vector.broadcast %sub3A : i32 to vector<16xi32>
      %sub3A_30 = arith.subi %get3A_19, %sub3A_29 : vector<16xi32>
      %max3A = arith.constant 0 : i32
      %max3A_31 = vector.broadcast %max3A : i32 to vector<16xi32>
      %max3A_32 = arith.maxsi %sub3A_30, %max3A_31 : vector<16xi32>
      %swap3A_33 = arith.constant 0 : i32
      %swap3A_34 = arith.index_cast %swap3A_33 : i32 to index
      %swap3A_35 = arith.constant 0 : index
      %swap3A_36 = tpu.vector_load %arg6[%swap3A_34, %swap3A_35] {strides = array<i32>} : memref<8x128xi32, #tpu.memory_space<vmem>>, vector<1x16xi32>,
      %swap3A_37 = vector.shape_cast %swap3A_36 : vector<1x16xi32> to vector<16xi32>
      %swap3A_38 = vector.shape_cast %max3A_32 : vector<16xi32> to vector<1x16xi32>
      tpu.vector_store %arg6[%swap3A_34, %swap3A_35], %swap3A_38 {strides = array<i32>} : memref<8x128xi32, #tpu.memory_space<vmem>>, vector<1x16xi32>,
      %get3A_39 = arith.constant 0 : i32
      %get3A_40 = arith.index_cast %get3A_39 : i32 to index
      %get3A_41 = arith.constant 16 : index
      %get3A_42 = tpu.vector_load %arg6[%get3A_40, %get3A_41] {strides = array<i32>} : memref<8x128xi32, #tpu.memory_space<vmem>>, vector<1x16xi32>,
      %get3A_43 = vector.shape_cast %get3A_42 : vector<1x16xi32> to vector<16xi32>
      %lt3A_44 = arith.constant 1 : i32
      %lt3A_45 = vector.broadcast %lt3A_44 : i32 to vector<16xi32>
      %lt3A_46 = arith.cmpi slt, %get3A_43, %lt3A_45 : vector<16xi32>
      %jit3A_47 = arith.constant 1.000000e+00 : f32
      %jit3A_48 = arith.constant 0.000000e+00 : f32
      %broadcast_in_dim3A_49 = vector.broadcast %jit3A_47 : f32 to vector<16xf32>
      %broadcast_in_dim3A_50 = vector.broadcast %jit3A_48 : f32 to vector<16xf32>
      %select_n3A_51 = arith.select %lt3A_46, %broadcast_in_dim3A_49, %broadcast_in_dim3A_50 : vector<16xi1>, vector<16xf32>
      %swap3A_52 = arith.constant 0 : i32
      %swap3A_53 = arith.index_cast %swap3A_52 : i32 to index
      %swap3A_54 = arith.constant 16 : index
      %swap3A_55 = tpu.vector_load %arg7[%swap3A_53, %swap3A_54] {strides = array<i32>} : memref<8x128xf32, #tpu.memory_space<vmem>>, vector<1x16xf32>,
      %swap3A_56 = vector.shape_cast %swap3A_55 : vector<1x16xf32> to vector<16xf32>
      %swap3A_57 = vector.shape_cast %select_n3A_51 : vector<16xf32> to vector<1x16xf32>
      tpu.vector_store %arg7[%swap3A_53, %swap3A_54], %swap3A_57 {strides = array<i32>} : memref<8x128xf32, #tpu.memory_space<vmem>>, vector<1x16xf32>,
      %sub3A_58 = arith.constant 1 : i32
      %sub3A_59 = vector.broadcast %sub3A_58 : i32 to vector<16xi32>
      %sub3A_60 = arith.subi %get3A_43, %sub3A_59 : vector<16xi32>
      %max3A_61 = arith.constant 0 : i32
      %max3A_62 = vector.broadcast %max3A_61 : i32 to vector<16xi32>
      %max3A_63 = arith.maxsi %sub3A_60, %max3A_62 : vector<16xi32>
      %swap3A_64 = arith.constant 0 : i32
      %swap3A_65 = arith.index_cast %swap3A_64 : i32 to index
      %swap3A_66 = arith.constant 16 : index
      %swap3A_67 = tpu.vector_load %arg6[%swap3A_65, %swap3A_66] {strides = array<i32>} : memref<8x128xi32, #tpu.memory_space<vmem>>, vector<1x16xi32>,
      %swap3A_68 = vector.shape_cast %swap3A_67 : vector<1x16xi32> to vector<16xi32>
      %swap3A_69 = vector.shape_cast %max3A_63 : vector<16xi32> to vector<1x16xi32>
      tpu.vector_store %arg6[%swap3A_65, %swap3A_66], %swap3A_69 {strides = array<i32>} : memref<8x128xi32, #tpu.memory_space<vmem>>, vector<1x16xi32>,
      %get3A_70 = arith.constant 0 : i32
      %get3A_71 = arith.index_cast %get3A_70 : i32 to index
      %get3A_72 = arith.constant 32 : index
      %get3A_73 = tpu.vector_load %arg6[%get3A_71, %get3A_72] {strides = array<i32>} : memref<8x128xi32, #tpu.memory_space<vmem>>, vector<1x16xi32>,
      %get3A_74 = vector.shape_cast %get3A_73 : vector<1x16xi32> to vector<16xi32>
      %lt3A_75 = arith.constant 1 : i32
      %lt3A_76 = vector.broadcast %lt3A_75 : i32 to vector<16xi32>
      %lt3A_77 = arith.cmpi slt, %get3A_74, %lt3A_76 : vector<16xi32>
      %jit3A_78 = arith.constant 1.000000e+00 : f32
      %jit3A_79 = arith.constant 0.000000e+00 : f32
      %broadcast_in_dim3A_80 = vector.broadcast %jit3A_78 : f32 to vector<16xf32>
      %broadcast_in_dim3A_81 = vector.broadcast %jit3A_79 : f32 to vector<16xf32>
      %select_n3A_82 = arith.select %lt3A_77, %broadcast_in_dim3A_80, %broadcast_in_dim3A_81 : vector<16xi1>, vector<16xf32>
      %swap3A_83 = arith.constant 0 : i32
      %swap3A_84 = arith.index_cast %swap3A_83 : i32 to index
      %swap3A_85 = arith.constant 32 : index
      %swap3A_86 = tpu.vector_load %arg7[%swap3A_84, %swap3A_85] {strides = array<i32>} : memref<8x128xf32, #tpu.memory_space<vmem>>, vector<1x16xf32>,
      %swap3A_87 = vector.shape_cast %swap3A_86 : vector<1x16xf32> to vector<16xf32>
      %swap3A_88 = vector.shape_cast %select_n3A_82 : vector<16xf32> to vector<1x16xf32>
      tpu.vector_store %arg7[%swap3A_84, %swap3A_85], %swap3A_88 {strides = array<i32>} : memref<8x128xf32, #tpu.memory_space<vmem>>, vector<1x16xf32>,
      %sub3A_89 = arith.constant 1 : i32
      %sub3A_90 = vector.broadcast %sub3A_89 : i32 to vector<16xi32>
      %sub3A_91 = arith.subi %get3A_74, %sub3A_90 : vector<16xi32>
      %max3A_92 = arith.constant 0 : i32
      %max3A_93 = vector.broadcast %max3A_92 : i32 to vector<16xi32>
      %max3A_94 = arith.maxsi %sub3A_91, %max3A_93 : vector<16xi32>
      %swap3A_95 = arith.constant 0 : i32
      %swap3A_96 = arith.index_cast %swap3A_95 : i32 to index
      %swap3A_97 = arith.constant 32 : index
      %swap3A_98 = tpu.vector_load %arg6[%swap3A_96, %swap3A_97] {strides = array<i32>} : memref<8x128xi32, #tpu.memory_space<vmem>>, vector<1x16xi32>,
      %swap3A_99 = vector.shape_cast %swap3A_98 : vector<1x16xi32> to vector<16xi32>
      %swap3A_100 = vector.shape_cast %max3A_94 : vector<16xi32> to vector<1x16xi32>
      tpu.vector_store %arg6[%swap3A_96, %swap3A_97], %swap3A_100 {strides = array<i32>} : memref<8x128xi32, #tpu.memory_space<vmem>>, vector<1x16xi32>,
      %get3A_101 = arith.constant 0 : i32
      %get3A_102 = arith.index_cast %get3A_101 : i32 to index
      %get3A_103 = arith.constant 48 : index
      %get3A_104 = tpu.vector_load %arg6[%get3A_102, %get3A_103] {strides = array<i32>} : memref<8x128xi32, #tpu.memory_space<vmem>>, vector<1x16xi32>,
      %get3A_105 = vector.shape_cast %get3A_104 : vector<1x16xi32> to vector<16xi32>
      %lt3A_106 = arith.constant 1 : i32
      %lt3A_107 = vector.broadcast %lt3A_106 : i32 to vector<16xi32>
      %lt3A_108 = arith.cmpi slt, %get3A_105, %lt3A_107 : vector<16xi32>
      %jit3A_109 = arith.constant 1.000000e+00 : f32
      %jit3A_110 = arith.constant 0.000000e+00 : f32
      %broadcast_in_dim3A_111 = vector.broadcast %jit3A_109 : f32 to vector<16xf32>
      %broadcast_in_dim3A_112 = vector.broadcast %jit3A_110 : f32 to vector<16xf32>
      %select_n3A_113 = arith.select %lt3A_108, %broadcast_in_dim3A_111, %broadcast_in_dim3A_112 : vector<16xi1>, vector<16xf32>
      %swap3A_114 = arith.constant 0 : i32
      %swap3A_115 = arith.index_cast %swap3A_114 : i32 to index
      %swap3A_116 = arith.constant 48 : index
      %swap3A_117 = tpu.vector_load %arg7[%swap3A_115, %swap3A_116] {strides = array<i32>} : memref<8x128xf32, #tpu.memory_space<vmem>>, vector<1x16xf32>,
      %swap3A_118 = vector.shape_cast %swap3A_117 : vector<1x16xf32> to vector<16xf32>
      %swap3A_119 = vector.shape_cast %select_n3A_113 : vector<16xf32> to vector<1x16xf32>
      tpu.vector_store %arg7[%swap3A_115, %swap3A_116], %swap3A_119 {strides = array<i32>} : memref<8x128xf32, #tpu.memory_space<vmem>>, vector<1x16xf32>,
      %sub3A_120 = arith.constant 1 : i32
      %sub3A_121 = vector.broadcast %sub3A_120 : i32 to vector<16xi32>
      %sub3A_122 = arith.subi %get3A_105, %sub3A_121 : vector<16xi32>
      %max3A_123 = arith.constant 0 : i32
      %max3A_124 = vector.broadcast %max3A_123 : i32 to vector<16xi32>
      %max3A_125 = arith.maxsi %sub3A_122, %max3A_124 : vector<16xi32>
      %swap3A_126 = arith.constant 0 : i32
      %swap3A_127 = arith.index_cast %swap3A_126 : i32 to index
      %swap3A_128 = arith.constant 48 : index
      %swap3A_129 = tpu.vector_load %arg6[%swap3A_127, %swap3A_128] {strides = array<i32>} : memref<8x128xi32, #tpu.memory_space<vmem>>, vector<1x16xi32>,
      %swap3A_130 = vector.shape_cast %swap3A_129 : vector<1x16xi32> to vector<16xi32>
      %swap3A_131 = vector.shape_cast %max3A_125 : vector<16xi32> to vector<1x16xi32>
      tpu.vector_store %arg6[%swap3A_127, %swap3A_128], %swap3A_131 {strides = array<i32>} : memref<8x128xi32, #tpu.memory_space<vmem>>, vector<1x16xi32>,
      %get3A_132 = arith.constant 0 : i32
      %get3A_133 = arith.index_cast %get3A_132 : i32 to index
      %get3A_134 = arith.constant 64 : index
      %get3A_135 = tpu.vector_load %arg6[%get3A_133, %get3A_134] {strides = array<i32>} : memref<8x128xi32, #tpu.memory_space<vmem>>, vector<1x16xi32>,
      %get3A_136 = vector.shape_cast %get3A_135 : vector<1x16xi32> to vector<16xi32>
      %lt3A_137 = arith.constant 1 : i32
      %lt3A_138 = vector.broadcast %lt3A_137 : i32 to vector<16xi32>
      %lt3A_139 = arith.cmpi slt, %get3A_136, %lt3A_138 : vector<16xi32>
      %jit3A_140 = arith.constant 1.000000e+00 : f32
      %jit3A_141 = arith.constant 0.000000e+00 : f32
      %broadcast_in_dim3A_142 = vector.broadcast %jit3A_140 : f32 to vector<16xf32>
      %broadcast_in_dim3A_143 = vector.broadcast %jit3A_141 : f32 to vector<16xf32>
      %select_n3A_144 = arith.select %lt3A_139, %broadcast_in_dim3A_142, %broadcast_in_dim3A_143 : vector<16xi1>, vector<16xf32>
      %swap3A_145 = arith.constant 0 : i32
      %swap3A_146 = arith.index_cast %swap3A_145 : i32 to index
      %swap3A_147 = arith.constant 64 : index
      %swap3A_148 = tpu.vector_load %arg7[%swap3A_146, %swap3A_147] {strides = array<i32>} : memref<8x128xf32, #tpu.memory_space<vmem>>, vector<1x16xf32>,
      %swap3A_149 = vector.shape_cast %swap3A_148 : vector<1x16xf32> to vector<16xf32>
      %swap3A_150 = vector.shape_cast %select_n3A_144 : vector<16xf32> to vector<1x16xf32>
      tpu.vector_store %arg7[%swap3A_146, %swap3A_147], %swap3A_150 {strides = array<i32>} : memref<8x128xf32, #tpu.memory_space<vmem>>, vector<1x16xf32>,
      %sub3A_151 = arith.constant 1 : i32
      %sub3A_152 = vector.broadcast %sub3A_151 : i32 to vector<16xi32>
      %sub3A_153 = arith.subi %get3A_136, %sub3A_152 : vector<16xi32>
      %max3A_154 = arith.constant 0 : i32
      %max3A_155 = vector.broadcast %max3A_154 : i32 to vector<16xi32>
      %max3A_156 = arith.maxsi %sub3A_153, %max3A_155 : vector<16xi32>
      %swap3A_157 = arith.constant 0 : i32
      %swap3A_158 = arith.index_cast %swap3A_157 : i32 to index
      %swap3A_159 = arith.constant 64 : index
      %swap3A_160 = tpu.vector_load %arg6[%swap3A_158, %swap3A_159] {strides = array<i32>} : memref<8x128xi32, #tpu.memory_space<vmem>>, vector<1x16xi32>,
      %swap3A_161 = vector.shape_cast %swap3A_160 : vector<1x16xi32> to vector<16xi32>
      %swap3A_162 = vector.shape_cast %max3A_156 : vector<16xi32> to vector<1x16xi32>
      tpu.vector_store %arg6[%swap3A_158, %swap3A_159], %swap3A_162 {strides = array<i32>} : memref<8x128xi32, #tpu.memory_space<vmem>>, vector<1x16xi32>,
      %get3A_163 = arith.constant 0 : i32
      %get3A_164 = arith.index_cast %get3A_163 : i32 to index
      %get3A_165 = arith.constant 80 : index
      %get3A_166 = tpu.vector_load %arg6[%get3A_164, %get3A_165] {strides = array<i32>} : memref<8x128xi32, #tpu.memory_space<vmem>>, vector<1x16xi32>,
      %get3A_167 = vector.shape_cast %get3A_166 : vector<1x16xi32> to vector<16xi32>
      %lt3A_168 = arith.constant 1 : i32
      %lt3A_169 = vector.broadcast %lt3A_168 : i32 to vector<16xi32>
      %lt3A_170 = arith.cmpi slt, %get3A_167, %lt3A_169 : vector<16xi32>
      %jit3A_171 = arith.constant 1.000000e+00 : f32
      %jit3A_172 = arith.constant 0.000000e+00 : f32
      %broadcast_in_dim3A_173 = vector.broadcast %jit3A_171 : f32 to vector<16xf32>
      %broadcast_in_dim3A_174 = vector.broadcast %jit3A_172 : f32 to vector<16xf32>
      %select_n3A_175 = arith.select %lt3A_170, %broadcast_in_dim3A_173, %broadcast_in_dim3A_174 : vector<16xi1>, vector<16xf32>
      %swap3A_176 = arith.constant 0 : i32
      %swap3A_177 = arith.index_cast %swap3A_176 : i32 to index
      %swap3A_178 = arith.constant 80 : index
      %swap3A_179 = tpu.vector_load %arg7[%swap3A_177, %swap3A_178] {strides = array<i32>} : memref<8x128xf32, #tpu.memory_space<vmem>>, vector<1x16xf32>,
      %swap3A_180 = vector.shape_cast %swap3A_179 : vector<1x16xf32> to vector<16xf32>
      %swap3A_181 = vector.shape_cast %select_n3A_175 : vector<16xf32> to vector<1x16xf32>
      tpu.vector_store %arg7[%swap3A_177, %swap3A_178], %swap3A_181 {strides = array<i32>} : memref<8x128xf32, #tpu.memory_space<vmem>>, vector<1x16xf32>,
      %sub3A_182 = arith.constant 1 : i32
      %sub3A_183 = vector.broadcast %sub3A_182 : i32 to vector<16xi32>
      %sub3A_184 = arith.subi %get3A_167, %sub3A_183 : vector<16xi32>
      %max3A_185 = arith.constant 0 : i32
      %max3A_186 = vector.broadcast %max3A_185 : i32 to vector<16xi32>
      %max3A_187 = arith.maxsi %sub3A_184, %max3A_186 : vector<16xi32>
      %swap3A_188 = arith.constant 0 : i32
      %swap3A_189 = arith.index_cast %swap3A_188 : i32 to index
      %swap3A_190 = arith.constant 80 : index
      %swap3A_191 = tpu.vector_load %arg6[%swap3A_189, %swap3A_190] {strides = array<i32>} : memref<8x128xi32, #tpu.memory_space<vmem>>, vector<1x16xi32>,
      %swap3A_192 = vector.shape_cast %swap3A_191 : vector<1x16xi32> to vector<16xi32>
      %swap3A_193 = vector.shape_cast %max3A_187 : vector<16xi32> to vector<1x16xi32>
      tpu.vector_store %arg6[%swap3A_189, %swap3A_190], %swap3A_193 {strides = array<i32>} : memref<8x128xi32, #tpu.memory_space<vmem>>, vector<1x16xi32>,
      %get3A_194 = arith.constant 0 : i32
      %get3A_195 = arith.index_cast %get3A_194 : i32 to index
      %get3A_196 = arith.constant 96 : index
      %get3A_197 = tpu.vector_load %arg6[%get3A_195, %get3A_196] {strides = array<i32>} : memref<8x128xi32, #tpu.memory_space<vmem>>, vector<1x16xi32>,
      %get3A_198 = vector.shape_cast %get3A_197 : vector<1x16xi32> to vector<16xi32>
      %lt3A_199 = arith.constant 1 : i32
      %lt3A_200 = vector.broadcast %lt3A_199 : i32 to vector<16xi32>
      %lt3A_201 = arith.cmpi slt, %get3A_198, %lt3A_200 : vector<16xi32>
      %jit3A_202 = arith.constant 1.000000e+00 : f32
      %jit3A_203 = arith.constant 0.000000e+00 : f32
      %broadcast_in_dim3A_204 = vector.broadcast %jit3A_202 : f32 to vector<16xf32>
      %broadcast_in_dim3A_205 = vector.broadcast %jit3A_203 : f32 to vector<16xf32>
      %select_n3A_206 = arith.select %lt3A_201, %broadcast_in_dim3A_204, %broadcast_in_dim3A_205 : vector<16xi1>, vector<16xf32>
      %swap3A_207 = arith.constant 0 : i32
      %swap3A_208 = arith.index_cast %swap3A_207 : i32 to index
      %swap3A_209 = arith.constant 96 : index
      %swap3A_210 = tpu.vector_load %arg7[%swap3A_208, %swap3A_209] {strides = array<i32>} : memref<8x128xf32, #tpu.memory_space<vmem>>, vector<1x16xf32>,
      %swap3A_211 = vector.shape_cast %swap3A_210 : vector<1x16xf32> to vector<16xf32>
      %swap3A_212 = vector.shape_cast %select_n3A_206 : vector<16xf32> to vector<1x16xf32>
      tpu.vector_store %arg7[%swap3A_208, %swap3A_209], %swap3A_212 {strides = array<i32>} : memref<8x128xf32, #tpu.memory_space<vmem>>, vector<1x16xf32>,
      %sub3A_213 = arith.constant 1 : i32
      %sub3A_214 = vector.broadcast %sub3A_213 : i32 to vector<16xi32>
      %sub3A_215 = arith.subi %get3A_198, %sub3A_214 : vector<16xi32>
      %max3A_216 = arith.constant 0 : i32
      %max3A_217 = vector.broadcast %max3A_216 : i32 to vector<16xi32>
      %max3A_218 = arith.maxsi %sub3A_215, %max3A_217 : vector<16xi32>
      %swap3A_219 = arith.constant 0 : i32
      %swap3A_220 = arith.index_cast %swap3A_219 : i32 to index
      %swap3A_221 = arith.constant 96 : index
      %swap3A_222 = tpu.vector_load %arg6[%swap3A_220, %swap3A_221] {strides = array<i32>} : memref<8x128xi32, #tpu.memory_space<vmem>>, vector<1x16xi32>,
      %swap3A_223 = vector.shape_cast %swap3A_222 : vector<1x16xi32> to vector<16xi32>
      %swap3A_224 = vector.shape_cast %max3A_218 : vector<16xi32> to vector<1x16xi32>
      tpu.vector_store %arg6[%swap3A_220, %swap3A_221], %swap3A_224 {strides = array<i32>} : memref<8x128xi32, #tpu.memory_space<vmem>>, vector<1x16xi32>,
      %get3A_225 = arith.constant 0 : i32
      %get3A_226 = arith.index_cast %get3A_225 : i32 to index
      %get3A_227 = arith.constant 112 : index
      %get3A_228 = tpu.vector_load %arg6[%get3A_226, %get3A_227] {strides = array<i32>} : memref<8x128xi32, #tpu.memory_space<vmem>>, vector<1x16xi32>,
      %get3A_229 = vector.shape_cast %get3A_228 : vector<1x16xi32> to vector<16xi32>
      %lt3A_230 = arith.constant 1 : i32
      %lt3A_231 = vector.broadcast %lt3A_230 : i32 to vector<16xi32>
      %lt3A_232 = arith.cmpi slt, %get3A_229, %lt3A_231 : vector<16xi32>
      %jit3A_233 = arith.constant 1.000000e+00 : f32
      %jit3A_234 = arith.constant 0.000000e+00 : f32
      %broadcast_in_dim3A_235 = vector.broadcast %jit3A_233 : f32 to vector<16xf32>
      %broadcast_in_dim3A_236 = vector.broadcast %jit3A_234 : f32 to vector<16xf32>
      %select_n3A_237 = arith.select %lt3A_232, %broadcast_in_dim3A_235, %broadcast_in_dim3A_236 : vector<16xi1>, vector<16xf32>
      %swap3A_238 = arith.constant 0 : i32
      %swap3A_239 = arith.index_cast %swap3A_238 : i32 to index
      %swap3A_240 = arith.constant 112 : index
      %swap3A_241 = tpu.vector_load %arg7[%swap3A_239, %swap3A_240] {strides = array<i32>} : memref<8x128xf32, #tpu.memory_space<vmem>>, vector<1x16xf32>,
      %swap3A_242 = vector.shape_cast %swap3A_241 : vector<1x16xf32> to vector<16xf32>
      %swap3A_243 = vector.shape_cast %select_n3A_237 : vector<16xf32> to vector<1x16xf32>
      tpu.vector_store %arg7[%swap3A_239, %swap3A_240], %swap3A_243 {strides = array<i32>} : memref<8x128xf32, #tpu.memory_space<vmem>>, vector<1x16xf32>,
      %sub3A_244 = arith.constant 1 : i32
      %sub3A_245 = vector.broadcast %sub3A_244 : i32 to vector<16xi32>
      %sub3A_246 = arith.subi %get3A_229, %sub3A_245 : vector<16xi32>
      %max3A_247 = arith.constant 0 : i32
      %max3A_248 = vector.broadcast %max3A_247 : i32 to vector<16xi32>
      %max3A_249 = arith.maxsi %sub3A_246, %max3A_248 : vector<16xi32>
      %swap3A_250 = arith.constant 0 : i32
      %swap3A_251 = arith.index_cast %swap3A_250 : i32 to index
      %swap3A_252 = arith.constant 112 : index
      %swap3A_253 = tpu.vector_load %arg6[%swap3A_251, %swap3A_252] {strides = array<i32>} : memref<8x128xi32, #tpu.memory_space<vmem>>, vector<1x16xi32>,
      %swap3A_254 = vector.shape_cast %swap3A_253 : vector<1x16xi32> to vector<16xi32>
      %swap3A_255 = vector.shape_cast %max3A_249 : vector<16xi32> to vector<1x16xi32>
      tpu.vector_store %arg6[%swap3A_251, %swap3A_252], %swap3A_255 {strides = array<i32>} : memref<8x128xi32, #tpu.memory_space<vmem>>, vector<1x16xi32>,
      %get3A_256 = arith.constant 1 : i32
      %get3A_257 = arith.index_cast %get3A_256 : i32 to index
      %get3A_258 = arith.constant 0 : index
      %get3A_259 = tpu.vector_load %arg6[%get3A_257, %get3A_258] {strides = array<i32>} : memref<8x128xi32, #tpu.memory_space<vmem>>, vector<1x16xi32>,
      %get3A_260 = vector.shape_cast %get3A_259 : vector<1x16xi32> to vector<16xi32>
      %lt3A_261 = arith.constant 1 : i32
      %lt3A_262 = vector.broadcast %lt3A_261 : i32 to vector<16xi32>
      %lt3A_263 = arith.cmpi slt, %get3A_260, %lt3A_262 : vector<16xi32>
      %jit3A_264 = arith.constant 1.000000e+00 : f32
      %jit3A_265 = arith.constant 0.000000e+00 : f32
      %broadcast_in_dim3A_266 = vector.broadcast %jit3A_264 : f32 to vector<16xf32>
      %broadcast_in_dim3A_267 = vector.broadcast %jit3A_265 : f32 to vector<16xf32>
      %select_n3A_268 = arith.select %lt3A_263, %broadcast_in_dim3A_266, %broadcast_in_dim3A_267 : vector<16xi1>, vector<16xf32>
      %swap3A_269 = arith.constant 1 : i32
      %swap3A_270 = arith.index_cast %swap3A_269 : i32 to index
      %swap3A_271 = arith.constant 0 : index
      %swap3A_272 = tpu.vector_load %arg7[%swap3A_270, %swap3A_271] {strides = array<i32>} : memref<8x128xf32, #tpu.memory_space<vmem>>, vector<1x16xf32>,
      %swap3A_273 = vector.shape_cast %swap3A_272 : vector<1x16xf32> to vector<16xf32>
      %swap3A_274 = vector.shape_cast %select_n3A_268 : vector<16xf32> to vector<1x16xf32>
      tpu.vector_store %arg7[%swap3A_270, %swap3A_271], %swap3A_274 {strides = array<i32>} : memref<8x128xf32, #tpu.memory_space<vmem>>, vector<1x16xf32>,
      %sub3A_275 = arith.constant 1 : i32
      %sub3A_276 = vector.broadcast %sub3A_275 : i32 to vector<16xi32>
      %sub3A_277 = arith.subi %get3A_260, %sub3A_276 : vector<16xi32>
      %max3A_278 = arith.constant 0 : i32
      %max3A_279 = vector.broadcast %max3A_278 : i32 to vector<16xi32>
      %max3A_280 = arith.maxsi %sub3A_277, %max3A_279 : vector<16xi32>
      %swap3A_281 = arith.constant 1 : i32
      %swap3A_282 = arith.index_cast %swap3A_281 : i32 to index
      %swap3A_283 = arith.constant 0 : index
      %swap3A_284 = tpu.vector_load %arg6[%swap3A_282, %swap3A_283] {strides = array<i32>} : memref<8x128xi32, #tpu.memory_space<vmem>>, vector<1x16xi32>,
      %swap3A_285 = vector.shape_cast %swap3A_284 : vector<1x16xi32> to vector<16xi32>
      %swap3A_286 = vector.shape_cast %max3A_280 : vector<16xi32> to vector<1x16xi32>
      tpu.vector_store %arg6[%swap3A_282, %swap3A_283], %swap3A_286 {strides = array<i32>} : memref<8x128xi32, #tpu.memory_space<vmem>>, vector<1x16xi32>,
      %get3A_287 = arith.constant 1 : i32
      %get3A_288 = arith.index_cast %get3A_287 : i32 to index
      %get3A_289 = arith.constant 16 : index
      %get3A_290 = tpu.vector_load %arg6[%get3A_288, %get3A_289] {strides = array<i32>} : memref<8x128xi32, #tpu.memory_space<vmem>>, vector<1x16xi32>,
      %get3A_291 = vector.shape_cast %get3A_290 : vector<1x16xi32> to vector<16xi32>
      %lt3A_292 = arith.constant 1 : i32
      %lt3A_293 = vector.broadcast %lt3A_292 : i32 to vector<16xi32>
      %lt3A_294 = arith.cmpi slt, %get3A_291, %lt3A_293 : vector<16xi32>
      %jit3A_295 = arith.constant 1.000000e+00 : f32
      %jit3A_296 = arith.constant 0.000000e+00 : f32
      %broadcast_in_dim3A_297 = vector.broadcast %jit3A_295 : f32 to vector<16xf32>
      %broadcast_in_dim3A_298 = vector.broadcast %jit3A_296 : f32 to vector<16xf32>
      %select_n3A_299 = arith.select %lt3A_294, %broadcast_in_dim3A_297, %broadcast_in_dim3A_298 : vector<16xi1>, vector<16xf32>
      %swap3A_300 = arith.constant 1 : i32
      %swap3A_301 = arith.index_cast %swap3A_300 : i32 to index
      %swap3A_302 = arith.constant 16 : index
      %swap3A_303 = tpu.vector_load %arg7[%swap3A_301, %swap3A_302] {strides = array<i32>} : memref<8x128xf32, #tpu.memory_space<vmem>>, vector<1x16xf32>,
      %swap3A_304 = vector.shape_cast %swap3A_303 : vector<1x16xf32> to vector<16xf32>
      %swap3A_305 = vector.shape_cast %select_n3A_299 : vector<16xf32> to vector<1x16xf32>
      tpu.vector_store %arg7[%swap3A_301, %swap3A_302], %swap3A_305 {strides = array<i32>} : memref<8x128xf32, #tpu.memory_space<vmem>>, vector<1x16xf32>,
      %sub3A_306 = arith.constant 1 : i32
      %sub3A_307 = vector.broadcast %sub3A_306 : i32 to vector<16xi32>
      %sub3A_308 = arith.subi %get3A_291, %sub3A_307 : vector<16xi32>
      %max3A_309 = arith.constant 0 : i32
      %max3A_310 = vector.broadcast %max3A_309 : i32 to vector<16xi32>
      %max3A_311 = arith.maxsi %sub3A_308, %max3A_310 : vector<16xi32>
      %swap3A_312 = arith.constant 1 : i32
      %swap3A_313 = arith.index_cast %swap3A_312 : i32 to index
      %swap3A_314 = arith.constant 16 : index
      %swap3A_315 = tpu.vector_load %arg6[%swap3A_313, %swap3A_314] {strides = array<i32>} : memref<8x128xi32, #tpu.memory_space<vmem>>, vector<1x16xi32>,
      %swap3A_316 = vector.shape_cast %swap3A_315 : vector<1x16xi32> to vector<16xi32>
      %swap3A_317 = vector.shape_cast %max3A_311 : vector<16xi32> to vector<1x16xi32>
      tpu.vector_store %arg6[%swap3A_313, %swap3A_314], %swap3A_317 {strides = array<i32>} : memref<8x128xi32, #tpu.memory_space<vmem>>, vector<1x16xi32>,
      %get3A_318 = arith.constant 1 : i32
      %get3A_319 = arith.index_cast %get3A_318 : i32 to index
      %get3A_320 = arith.constant 32 : index
      %get3A_321 = tpu.vector_load %arg6[%get3A_319, %get3A_320] {strides = array<i32>} : memref<8x128xi32, #tpu.memory_space<vmem>>, vector<1x16xi32>,
      %get3A_322 = vector.shape_cast %get3A_321 : vector<1x16xi32> to vector<16xi32>
      %lt3A_323 = arith.constant 1 : i32
      %lt3A_324 = vector.broadcast %lt3A_323 : i32 to vector<16xi32>
      %lt3A_325 = arith.cmpi slt, %get3A_322, %lt3A_324 : vector<16xi32>
      %jit3A_326 = arith.constant 1.000000e+00 : f32
      %jit3A_327 = arith.constant 0.000000e+00 : f32
      %broadcast_in_dim3A_328 = vector.broadcast %jit3A_326 : f32 to vector<16xf32>
      %broadcast_in_dim3A_329 = vector.broadcast %jit3A_327 : f32 to vector<16xf32>
      %select_n3A_330 = arith.select %lt3A_325, %broadcast_in_dim3A_328, %broadcast_in_dim3A_329 : vector<16xi1>, vector<16xf32>
      %swap3A_331 = arith.constant 1 : i32
      %swap3A_332 = arith.index_cast %swap3A_331 : i32 to index
      %swap3A_333 = arith.constant 32 : index
      %swap3A_334 = tpu.vector_load %arg7[%swap3A_332, %swap3A_333] {strides = array<i32>} : memref<8x128xf32, #tpu.memory_space<vmem>>, vector<1x16xf32>,
      %swap3A_335 = vector.shape_cast %swap3A_334 : vector<1x16xf32> to vector<16xf32>
      %swap3A_336 = vector.shape_cast %select_n3A_330 : vector<16xf32> to vector<1x16xf32>
      tpu.vector_store %arg7[%swap3A_332, %swap3A_333], %swap3A_336 {strides = array<i32>} : memref<8x128xf32, #tpu.memory_space<vmem>>, vector<1x16xf32>,
      %sub3A_337 = arith.constant 1 : i32
      %sub3A_338 = vector.broadcast %sub3A_337 : i32 to vector<16xi32>
      %sub3A_339 = arith.subi %get3A_322, %sub3A_338 : vector<16xi32>
      %max3A_340 = arith.constant 0 : i32
      %max3A_341 = vector.broadcast %max3A_340 : i32 to vector<16xi32>
      %max3A_342 = arith.maxsi %sub3A_339, %max3A_341 : vector<16xi32>
      %swap3A_343 = arith.constant 1 : i32
      %swap3A_344 = arith.index_cast %swap3A_343 : i32 to index
      %swap3A_345 = arith.constant 32 : index
      %swap3A_346 = tpu.vector_load %arg6[%swap3A_344, %swap3A_345] {strides = array<i32>} : memref<8x128xi32, #tpu.memory_space<vmem>>, vector<1x16xi32>,
      %swap3A_347 = vector.shape_cast %swap3A_346 : vector<1x16xi32> to vector<16xi32>
      %swap3A_348 = vector.shape_cast %max3A_342 : vector<16xi32> to vector<1x16xi32>
      tpu.vector_store %arg6[%swap3A_344, %swap3A_345], %swap3A_348 {strides = array<i32>} : memref<8x128xi32, #tpu.memory_space<vmem>>, vector<1x16xi32>,
      %get3A_349 = arith.constant 1 : i32
      %get3A_350 = arith.index_cast %get3A_349 : i32 to index
      %get3A_351 = arith.constant 48 : index
      %get3A_352 = tpu.vector_load %arg6[%get3A_350, %get3A_351] {strides = array<i32>} : memref<8x128xi32, #tpu.memory_space<vmem>>, vector<1x16xi32>,
      %get3A_353 = vector.shape_cast %get3A_352 : vector<1x16xi32> to vector<16xi32>
      %lt3A_354 = arith.constant 1 : i32
      %lt3A_355 = vector.broadcast %lt3A_354 : i32 to vector<16xi32>
      %lt3A_356 = arith.cmpi slt, %get3A_353, %lt3A_355 : vector<16xi32>
      %jit3A_357 = arith.constant 1.000000e+00 : f32
      %jit3A_358 = arith.constant 0.000000e+00 : f32
      %broadcast_in_dim3A_359 = vector.broadcast %jit3A_357 : f32 to vector<16xf32>
      %broadcast_in_dim3A_360 = vector.broadcast %jit3A_358 : f32 to vector<16xf32>
      %select_n3A_361 = arith.select %lt3A_356, %broadcast_in_dim3A_359, %broadcast_in_dim3A_360 : vector<16xi1>, vector<16xf32>
      %swap3A_362 = arith.constant 1 : i32
      %swap3A_363 = arith.index_cast %swap3A_362 : i32 to index
      %swap3A_364 = arith.constant 48 : index
      %swap3A_365 = tpu.vector_load %arg7[%swap3A_363, %swap3A_364] {strides = array<i32>} : memref<8x128xf32, #tpu.memory_space<vmem>>, vector<1x16xf32>,
      %swap3A_366 = vector.shape_cast %swap3A_365 : vector<1x16xf32> to vector<16xf32>
      %swap3A_367 = vector.shape_cast %select_n3A_361 : vector<16xf32> to vector<1x16xf32>
      tpu.vector_store %arg7[%swap3A_363, %swap3A_364], %swap3A_367 {strides = array<i32>} : memref<8x128xf32, #tpu.memory_space<vmem>>, vector<1x16xf32>,
      %sub3A_368 = arith.constant 1 : i32
      %sub3A_369 = vector.broadcast %sub3A_368 : i32 to vector<16xi32>
      %sub3A_370 = arith.subi %get3A_353, %sub3A_369 : vector<16xi32>
      %max3A_371 = arith.constant 0 : i32
      %max3A_372 = vector.broadcast %max3A_371 : i32 to vector<16xi32>
      %max3A_373 = arith.maxsi %sub3A_370, %max3A_372 : vector<16xi32>
      %swap3A_374 = arith.constant 1 : i32
      %swap3A_375 = arith.index_cast %swap3A_374 : i32 to index
      %swap3A_376 = arith.constant 48 : index
      %swap3A_377 = tpu.vector_load %arg6[%swap3A_375, %swap3A_376] {strides = array<i32>} : memref<8x128xi32, #tpu.memory_space<vmem>>, vector<1x16xi32>,
      %swap3A_378 = vector.shape_cast %swap3A_377 : vector<1x16xi32> to vector<16xi32>
      %swap3A_379 = vector.shape_cast %max3A_373 : vector<16xi32> to vector<1x16xi32>
      tpu.vector_store %arg6[%swap3A_375, %swap3A_376], %swap3A_379 {strides = array<i32>} : memref<8x128xi32, #tpu.memory_space<vmem>>, vector<1x16xi32>,
      %get3A_380 = arith.constant 1 : i32
      %get3A_381 = arith.index_cast %get3A_380 : i32 to index
      %get3A_382 = arith.constant 64 : index
      %get3A_383 = tpu.vector_load %arg6[%get3A_381, %get3A_382] {strides = array<i32>} : memref<8x128xi32, #tpu.memory_space<vmem>>, vector<1x16xi32>,
      %get3A_384 = vector.shape_cast %get3A_383 : vector<1x16xi32> to vector<16xi32>
      %lt3A_385 = arith.constant 1 : i32
      %lt3A_386 = vector.broadcast %lt3A_385 : i32 to vector<16xi32>
      %lt3A_387 = arith.cmpi slt, %get3A_384, %lt3A_386 : vector<16xi32>
      %jit3A_388 = arith.constant 1.000000e+00 : f32
      %jit3A_389 = arith.constant 0.000000e+00 : f32
      %broadcast_in_dim3A_390 = vector.broadcast %jit3A_388 : f32 to vector<16xf32>
      %broadcast_in_dim3A_391 = vector.broadcast %jit3A_389 : f32 to vector<16xf32>
      %select_n3A_392 = arith.select %lt3A_387, %broadcast_in_dim3A_390, %broadcast_in_dim3A_391 : vector<16xi1>, vector<16xf32>
      %swap3A_393 = arith.constant 1 : i32
      %swap3A_394 = arith.index_cast %swap3A_393 : i32 to index
      %swap3A_395 = arith.constant 64 : index
      %swap3A_396 = tpu.vector_load %arg7[%swap3A_394, %swap3A_395] {strides = array<i32>} : memref<8x128xf32, #tpu.memory_space<vmem>>, vector<1x16xf32>,
      %swap3A_397 = vector.shape_cast %swap3A_396 : vector<1x16xf32> to vector<16xf32>
      %swap3A_398 = vector.shape_cast %select_n3A_392 : vector<16xf32> to vector<1x16xf32>
      tpu.vector_store %arg7[%swap3A_394, %swap3A_395], %swap3A_398 {strides = array<i32>} : memref<8x128xf32, #tpu.memory_space<vmem>>, vector<1x16xf32>,
      %sub3A_399 = arith.constant 1 : i32
      %sub3A_400 = vector.broadcast %sub3A_399 : i32 to vector<16xi32>
      %sub3A_401 = arith.subi %get3A_384, %sub3A_400 : vector<16xi32>
      %max3A_402 = arith.constant 0 : i32
      %max3A_403 = vector.broadcast %max3A_402 : i32 to vector<16xi32>
      %max3A_404 = arith.maxsi %sub3A_401, %max3A_403 : vector<16xi32>
      %swap3A_405 = arith.constant 1 : i32
      %swap3A_406 = arith.index_cast %swap3A_405 : i32 to index
      %swap3A_407 = arith.constant 64 : index
      %swap3A_408 = tpu.vector_load %arg6[%swap3A_406, %swap3A_407] {strides = array<i32>} : memref<8x128xi32, #tpu.memory_space<vmem>>, vector<1x16xi32>,
      %swap3A_409 = vector.shape_cast %swap3A_408 : vector<1x16xi32> to vector<16xi32>
      %swap3A_410 = vector.shape_cast %max3A_404 : vector<16xi32> to vector<1x16xi32>
      tpu.vector_store %arg6[%swap3A_406, %swap3A_407], %swap3A_410 {strides = array<i32>} : memref<8x128xi32, #tpu.memory_space<vmem>>, vector<1x16xi32>,
      %get3A_411 = arith.constant 1 : i32
      %get3A_412 = arith.index_cast %get3A_411 : i32 to index
      %get3A_413 = arith.constant 80 : index
      %get3A_414 = tpu.vector_load %arg6[%get3A_412, %get3A_413] {strides = array<i32>} : memref<8x128xi32, #tpu.memory_space<vmem>>, vector<1x16xi32>,
      %get3A_415 = vector.shape_cast %get3A_414 : vector<1x16xi32> to vector<16xi32>
      %lt3A_416 = arith.constant 1 : i32
      %lt3A_417 = vector.broadcast %lt3A_416 : i32 to vector<16xi32>
      %lt3A_418 = arith.cmpi slt, %get3A_415, %lt3A_417 : vector<16xi32>
      %jit3A_419 = arith.constant 1.000000e+00 : f32
      %jit3A_420 = arith.constant 0.000000e+00 : f32
      %broadcast_in_dim3A_421 = vector.broadcast %jit3A_419 : f32 to vector<16xf32>
      %broadcast_in_dim3A_422 = vector.broadcast %jit3A_420 : f32 to vector<16xf32>
      %select_n3A_423 = arith.select %lt3A_418, %broadcast_in_dim3A_421, %broadcast_in_dim3A_422 : vector<16xi1>, vector<16xf32>
      %swap3A_424 = arith.constant 1 : i32
      %swap3A_425 = arith.index_cast %swap3A_424 : i32 to index
      %swap3A_426 = arith.constant 80 : index
      %swap3A_427 = tpu.vector_load %arg7[%swap3A_425, %swap3A_426] {strides = array<i32>} : memref<8x128xf32, #tpu.memory_space<vmem>>, vector<1x16xf32>,
      %swap3A_428 = vector.shape_cast %swap3A_427 : vector<1x16xf32> to vector<16xf32>
      %swap3A_429 = vector.shape_cast %select_n3A_423 : vector<16xf32> to vector<1x16xf32>
      tpu.vector_store %arg7[%swap3A_425, %swap3A_426], %swap3A_429 {strides = array<i32>} : memref<8x128xf32, #tpu.memory_space<vmem>>, vector<1x16xf32>,
      %sub3A_430 = arith.constant 1 : i32
      %sub3A_431 = vector.broadcast %sub3A_430 : i32 to vector<16xi32>
      %sub3A_432 = arith.subi %get3A_415, %sub3A_431 : vector<16xi32>
      %max3A_433 = arith.constant 0 : i32
      %max3A_434 = vector.broadcast %max3A_433 : i32 to vector<16xi32>
      %max3A_435 = arith.maxsi %sub3A_432, %max3A_434 : vector<16xi32>
      %swap3A_436 = arith.constant 1 : i32
      %swap3A_437 = arith.index_cast %swap3A_436 : i32 to index
      %swap3A_438 = arith.constant 80 : index
      %swap3A_439 = tpu.vector_load %arg6[%swap3A_437, %swap3A_438] {strides = array<i32>} : memref<8x128xi32, #tpu.memory_space<vmem>>, vector<1x16xi32>,
      %swap3A_440 = vector.shape_cast %swap3A_439 : vector<1x16xi32> to vector<16xi32>
      %swap3A_441 = vector.shape_cast %max3A_435 : vector<16xi32> to vector<1x16xi32>
      tpu.vector_store %arg6[%swap3A_437, %swap3A_438], %swap3A_441 {strides = array<i32>} : memref<8x128xi32, #tpu.memory_space<vmem>>, vector<1x16xi32>,
      %get3A_442 = arith.constant 1 : i32
      %get3A_443 = arith.index_cast %get3A_442 : i32 to index
      %get3A_444 = arith.constant 96 : index
      %get3A_445 = tpu.vector_load %arg6[%get3A_443, %get3A_444] {strides = array<i32>} : memref<8x128xi32, #tpu.memory_space<vmem>>, vector<1x16xi32>,
      %get3A_446 = vector.shape_cast %get3A_445 : vector<1x16xi32> to vector<16xi32>
      %lt3A_447 = arith.constant 1 : i32
      %lt3A_448 = vector.broadcast %lt3A_447 : i32 to vector<16xi32>
      %lt3A_449 = arith.cmpi slt, %get3A_446, %lt3A_448 : vector<16xi32>
      %jit3A_450 = arith.constant 1.000000e+00 : f32
      %jit3A_451 = arith.constant 0.000000e+00 : f32
      %broadcast_in_dim3A_452 = vector.broadcast %jit3A_450 : f32 to vector<16xf32>
      %broadcast_in_dim3A_453 = vector.broadcast %jit3A_451 : f32 to vector<16xf32>
      %select_n3A_454 = arith.select %lt3A_449, %broadcast_in_dim3A_452, %broadcast_in_dim3A_453 : vector<16xi1>, vector<16xf32>
      %swap3A_455 = arith.constant 1 : i32
      %swap3A_456 = arith.index_cast %swap3A_455 : i32 to index
      %swap3A_457 = arith.constant 96 : index
      %swap3A_458 = tpu.vector_load %arg7[%swap3A_456, %swap3A_457] {strides = array<i32>} : memref<8x128xf32, #tpu.memory_space<vmem>>, vector<1x16xf32>,
      %swap3A_459 = vector.shape_cast %swap3A_458 : vector<1x16xf32> to vector<16xf32>
      %swap3A_460 = vector.shape_cast %select_n3A_454 : vector<16xf32> to vector<1x16xf32>
      tpu.vector_store %arg7[%swap3A_456, %swap3A_457], %swap3A_460 {strides = array<i32>} : memref<8x128xf32, #tpu.memory_space<vmem>>, vector<1x16xf32>,
      %sub3A_461 = arith.constant 1 : i32
      %sub3A_462 = vector.broadcast %sub3A_461 : i32 to vector<16xi32>
      %sub3A_463 = arith.subi %get3A_446, %sub3A_462 : vector<16xi32>
      %max3A_464 = arith.constant 0 : i32
      %max3A_465 = vector.broadcast %max3A_464 : i32 to vector<16xi32>
      %max3A_466 = arith.maxsi %sub3A_463, %max3A_465 : vector<16xi32>
      %swap3A_467 = arith.constant 1 : i32
      %swap3A_468 = arith.index_cast %swap3A_467 : i32 to index
      %swap3A_469 = arith.constant 96 : index
      %swap3A_470 = tpu.vector_load %arg6[%swap3A_468, %swap3A_469] {strides = array<i32>} : memref<8x128xi32, #tpu.memory_space<vmem>>, vector<1x16xi32>,
      %swap3A_471 = vector.shape_cast %swap3A_470 : vector<1x16xi32> to vector<16xi32>
      %swap3A_472 = vector.shape_cast %max3A_466 : vector<16xi32> to vector<1x16xi32>
      tpu.vector_store %arg6[%swap3A_468, %swap3A_469], %swap3A_472 {strides = array<i32>} : memref<8x128xi32, #tpu.memory_space<vmem>>, vector<1x16xi32>,
      %get3A_473 = arith.constant 1 : i32
      %get3A_474 = arith.index_cast %get3A_473 : i32 to index
      %get3A_475 = arith.constant 112 : index
      %get3A_476 = tpu.vector_load %arg6[%get3A_474, %get3A_475] {strides = array<i32>} : memref<8x128xi32, #tpu.memory_space<vmem>>, vector<1x16xi32>,
      %get3A_477 = vector.shape_cast %get3A_476 : vector<1x16xi32> to vector<16xi32>
      %lt3A_478 = arith.constant 1 : i32
      %lt3A_479 = vector.broadcast %lt3A_478 : i32 to vector<16xi32>
      %lt3A_480 = arith.cmpi slt, %get3A_477, %lt3A_479 : vector<16xi32>
      %jit3A_481 = arith.constant 1.000000e+00 : f32
      %jit3A_482 = arith.constant 0.000000e+00 : f32
      %broadcast_in_dim3A_483 = vector.broadcast %jit3A_481 : f32 to vector<16xf32>
      %broadcast_in_dim3A_484 = vector.broadcast %jit3A_482 : f32 to vector<16xf32>
      %select_n3A_485 = arith.select %lt3A_480, %broadcast_in_dim3A_483, %broadcast_in_dim3A_484 : vector<16xi1>, vector<16xf32>
      %swap3A_486 = arith.constant 1 : i32
      %swap3A_487 = arith.index_cast %swap3A_486 : i32 to index
      %swap3A_488 = arith.constant 112 : index
      %swap3A_489 = tpu.vector_load %arg7[%swap3A_487, %swap3A_488] {strides = array<i32>} : memref<8x128xf32, #tpu.memory_space<vmem>>, vector<1x16xf32>,
      %swap3A_490 = vector.shape_cast %swap3A_489 : vector<1x16xf32> to vector<16xf32>
      %swap3A_491 = vector.shape_cast %select_n3A_485 : vector<16xf32> to vector<1x16xf32>
      tpu.vector_store %arg7[%swap3A_487, %swap3A_488], %swap3A_491 {strides = array<i32>} : memref<8x128xf32, #tpu.memory_space<vmem>>, vector<1x16xf32>,
      %sub3A_492 = arith.constant 1 : i32
      %sub3A_493 = vector.broadcast %sub3A_492 : i32 to vector<16xi32>
      %sub3A_494 = arith.subi %get3A_477, %sub3A_493 : vector<16xi32>
      %max3A_495 = arith.constant 0 : i32
      %max3A_496 = vector.broadcast %max3A_495 : i32 to vector<16xi32>
      %max3A_497 = arith.maxsi %sub3A_494, %max3A_496 : vector<16xi32>
      %swap3A_498 = arith.constant 1 : i32
      %swap3A_499 = arith.index_cast %swap3A_498 : i32 to index
      %swap3A_500 = arith.constant 112 : index
      %swap3A_501 = tpu.vector_load %arg6[%swap3A_499, %swap3A_500] {strides = array<i32>} : memref<8x128xi32, #tpu.memory_space<vmem>>, vector<1x16xi32>,
      %swap3A_502 = vector.shape_cast %swap3A_501 : vector<1x16xi32> to vector<16xi32>
      %swap3A_503 = vector.shape_cast %max3A_497 : vector<16xi32> to vector<1x16xi32>
      tpu.vector_store %arg6[%swap3A_499, %swap3A_500], %swap3A_503 {strides = array<i32>} : memref<8x128xi32, #tpu.memory_space<vmem>>, vector<1x16xi32>,
      %get3A_504 = arith.constant 2 : i32
      %get3A_505 = arith.index_cast %get3A_504 : i32 to index
      %get3A_506 = arith.constant 0 : index
      %get3A_507 = tpu.vector_load %arg6[%get3A_505, %get3A_506] {strides = array<i32>} : memref<8x128xi32, #tpu.memory_space<vmem>>, vector<1x16xi32>,
      %get3A_508 = vector.shape_cast %get3A_507 : vector<1x16xi32> to vector<16xi32>
      %lt3A_509 = arith.constant 1 : i32
      %lt3A_510 = vector.broadcast %lt3A_509 : i32 to vector<16xi32>
      %lt3A_511 = arith.cmpi slt, %get3A_508, %lt3A_510 : vector<16xi32>
      %jit3A_512 = arith.constant 1.000000e+00 : f32
      %jit3A_513 = arith.constant 0.000000e+00 : f32
      %broadcast_in_dim3A_514 = vector.broadcast %jit3A_512 : f32 to vector<16xf32>
      %broadcast_in_dim3A_515 = vector.broadcast %jit3A_513 : f32 to vector<16xf32>
      %select_n3A_516 = arith.select %lt3A_511, %broadcast_in_dim3A_514, %broadcast_in_dim3A_515 : vector<16xi1>, vector<16xf32>
      %swap3A_517 = arith.constant 2 : i32
      %swap3A_518 = arith.index_cast %swap3A_517 : i32 to index
      %swap3A_519 = arith.constant 0 : index
      %swap3A_520 = tpu.vector_load %arg7[%swap3A_518, %swap3A_519] {strides = array<i32>} : memref<8x128xf32, #tpu.memory_space<vmem>>, vector<1x16xf32>,
      %swap3A_521 = vector.shape_cast %swap3A_520 : vector<1x16xf32> to vector<16xf32>
      %swap3A_522 = vector.shape_cast %select_n3A_516 : vector<16xf32> to vector<1x16xf32>
      tpu.vector_store %arg7[%swap3A_518, %swap3A_519], %swap3A_522 {strides = array<i32>} : memref<8x128xf32, #tpu.memory_space<vmem>>, vector<1x16xf32>,
      %sub3A_523 = arith.constant 1 : i32
      %sub3A_524 = vector.broadcast %sub3A_523 : i32 to vector<16xi32>
      %sub3A_525 = arith.subi %get3A_508, %sub3A_524 : vector<16xi32>
      %max3A_526 = arith.constant 0 : i32
      %max3A_527 = vector.broadcast %max3A_526 : i32 to vector<16xi32>
      %max3A_528 = arith.maxsi %sub3A_525, %max3A_527 : vector<16xi32>
      %swap3A_529 = arith.constant 2 : i32
      %swap3A_530 = arith.index_cast %swap3A_529 : i32 to index
      %swap3A_531 = arith.constant 0 : index
      %swap3A_532 = tpu.vector_load %arg6[%swap3A_530, %swap3A_531] {strides = array<i32>} : memref<8x128xi32, #tpu.memory_space<vmem>>, vector<1x16xi32>,
      %swap3A_533 = vector.shape_cast %swap3A_532 : vector<1x16xi32> to vector<16xi32>
      %swap3A_534 = vector.shape_cast %max3A_528 : vector<16xi32> to vector<1x16xi32>
      tpu.vector_store %arg6[%swap3A_530, %swap3A_531], %swap3A_534 {strides = array<i32>} : memref<8x128xi32, #tpu.memory_space<vmem>>, vector<1x16xi32>,
      %get3A_535 = arith.constant 2 : i32
      %get3A_536 = arith.index_cast %get3A_535 : i32 to index
      %get3A_537 = arith.constant 16 : index
      %get3A_538 = tpu.vector_load %arg6[%get3A_536, %get3A_537] {strides = array<i32>} : memref<8x128xi32, #tpu.memory_space<vmem>>, vector<1x16xi32>,
      %get3A_539 = vector.shape_cast %get3A_538 : vector<1x16xi32> to vector<16xi32>
      %lt3A_540 = arith.constant 1 : i32
      %lt3A_541 = vector.broadcast %lt3A_540 : i32 to vector<16xi32>
      %lt3A_542 = arith.cmpi slt, %get3A_539, %lt3A_541 : vector<16xi32>
      %jit3A_543 = arith.constant 1.000000e+00 : f32
      %jit3A_544 = arith.constant 0.000000e+00 : f32
      %broadcast_in_dim3A_545 = vector.broadcast %jit3A_543 : f32 to vector<16xf32>
      %broadcast_in_dim3A_546 = vector.broadcast %jit3A_544 : f32 to vector<16xf32>
      %select_n3A_547 = arith.select %lt3A_542, %broadcast_in_dim3A_545, %broadcast_in_dim3A_546 : vector<16xi1>, vector<16xf32>
      %swap3A_548 = arith.constant 2 : i32
      %swap3A_549 = arith.index_cast %swap3A_548 : i32 to index
      %swap3A_550 = arith.constant 16 : index
      %swap3A_551 = tpu.vector_load %arg7[%swap3A_549, %swap3A_550] {strides = array<i32>} : memref<8x128xf32, #tpu.memory_space<vmem>>, vector<1x16xf32>,
      %swap3A_552 = vector.shape_cast %swap3A_551 : vector<1x16xf32> to vector<16xf32>
      %swap3A_553 = vector.shape_cast %select_n3A_547 : vector<16xf32> to vector<1x16xf32>
      tpu.vector_store %arg7[%swap3A_549, %swap3A_550], %swap3A_553 {strides = array<i32>} : memref<8x128xf32, #tpu.memory_space<vmem>>, vector<1x16xf32>,
      %sub3A_554 = arith.constant 1 : i32
      %sub3A_555 = vector.broadcast %sub3A_554 : i32 to vector<16xi32>
      %sub3A_556 = arith.subi %get3A_539, %sub3A_555 : vector<16xi32>
      %max3A_557 = arith.constant 0 : i32
      %max3A_558 = vector.broadcast %max3A_557 : i32 to vector<16xi32>
      %max3A_559 = arith.maxsi %sub3A_556, %max3A_558 : vector<16xi32>
      %swap3A_560 = arith.constant 2 : i32
      %swap3A_561 = arith.index_cast %swap3A_560 : i32 to index
      %swap3A_562 = arith.constant 16 : index
      %swap3A_563 = tpu.vector_load %arg6[%swap3A_561, %swap3A_562] {strides = array<i32>} : memref<8x128xi32, #tpu.memory_space<vmem>>, vector<1x16xi32>,
      %swap3A_564 = vector.shape_cast %swap3A_563 : vector<1x16xi32> to vector<16xi32>
      %swap3A_565 = vector.shape_cast %max3A_559 : vector<16xi32> to vector<1x16xi32>
      tpu.vector_store %arg6[%swap3A_561, %swap3A_562], %swap3A_565 {strides = array<i32>} : memref<8x128xi32, #tpu.memory_space<vmem>>, vector<1x16xi32>,
      %get3A_566 = arith.constant 2 : i32
      %get3A_567 = arith.index_cast %get3A_566 : i32 to index
      %get3A_568 = arith.constant 32 : index
      %get3A_569 = tpu.vector_load %arg6[%get3A_567, %get3A_568] {strides = array<i32>} : memref<8x128xi32, #tpu.memory_space<vmem>>, vector<1x16xi32>,
      %get3A_570 = vector.shape_cast %get3A_569 : vector<1x16xi32> to vector<16xi32>
      %lt3A_571 = arith.constant 1 : i32
      %lt3A_572 = vector.broadcast %lt3A_571 : i32 to vector<16xi32>
      %lt3A_573 = arith.cmpi slt, %get3A_570, %lt3A_572 : vector<16xi32>
      %jit3A_574 = arith.constant 1.000000e+00 : f32
      %jit3A_575 = arith.constant 0.000000e+00 : f32
      %broadcast_in_dim3A_576 = vector.broadcast %jit3A_574 : f32 to vector<16xf32>
      %broadcast_in_dim3A_577 = vector.broadcast %jit3A_575 : f32 to vector<16xf32>
      %select_n3A_578 = arith.select %lt3A_573, %broadcast_in_dim3A_576, %broadcast_in_dim3A_577 : vector<16xi1>, vector<16xf32>
      %swap3A_579 = arith.constant 2 : i32
      %swap3A_580 = arith.index_cast %swap3A_579 : i32 to index
      %swap3A_581 = arith.constant 32 : index
      %swap3A_582 = tpu.vector_load %arg7[%swap3A_580, %swap3A_581] {strides = array<i32>} : memref<8x128xf32, #tpu.memory_space<vmem>>, vector<1x16xf32>,
      %swap3A_583 = vector.shape_cast %swap3A_582 : vector<1x16xf32> to vector<16xf32>
      %swap3A_584 = vector.shape_cast %select_n3A_578 : vector<16xf32> to vector<1x16xf32>
      tpu.vector_store %arg7[%swap3A_580, %swap3A_581], %swap3A_584 {strides = array<i32>} : memref<8x128xf32, #tpu.memory_space<vmem>>, vector<1x16xf32>,
      %sub3A_585 = arith.constant 1 : i32
      %sub3A_586 = vector.broadcast %sub3A_585 : i32 to vector<16xi32>
      %sub3A_587 = arith.subi %get3A_570, %sub3A_586 : vector<16xi32>
      %max3A_588 = arith.constant 0 : i32
      %max3A_589 = vector.broadcast %max3A_588 : i32 to vector<16xi32>
      %max3A_590 = arith.maxsi %sub3A_587, %max3A_589 : vector<16xi32>
      %swap3A_591 = arith.constant 2 : i32
      %swap3A_592 = arith.index_cast %swap3A_591 : i32 to index
      %swap3A_593 = arith.constant 32 : index
      %swap3A_594 = tpu.vector_load %arg6[%swap3A_592, %swap3A_593] {strides = array<i32>} : memref<8x128xi32, #tpu.memory_space<vmem>>, vector<1x16xi32>,
      %swap3A_595 = vector.shape_cast %swap3A_594 : vector<1x16xi32> to vector<16xi32>
      %swap3A_596 = vector.shape_cast %max3A_590 : vector<16xi32> to vector<1x16xi32>
      tpu.vector_store %arg6[%swap3A_592, %swap3A_593], %swap3A_596 {strides = array<i32>} : memref<8x128xi32, #tpu.memory_space<vmem>>, vector<1x16xi32>,
      %get3A_597 = arith.constant 2 : i32
      %get3A_598 = arith.index_cast %get3A_597 : i32 to index
      %get3A_599 = arith.constant 48 : index
      %get3A_600 = tpu.vector_load %arg6[%get3A_598, %get3A_599] {strides = array<i32>} : memref<8x128xi32, #tpu.memory_space<vmem>>, vector<1x16xi32>,
      %get3A_601 = vector.shape_cast %get3A_600 : vector<1x16xi32> to vector<16xi32>
      %lt3A_602 = arith.constant 1 : i32
      %lt3A_603 = vector.broadcast %lt3A_602 : i32 to vector<16xi32>
      %lt3A_604 = arith.cmpi slt, %get3A_601, %lt3A_603 : vector<16xi32>
      %jit3A_605 = arith.constant 1.000000e+00 : f32
      %jit3A_606 = arith.constant 0.000000e+00 : f32
      %broadcast_in_dim3A_607 = vector.broadcast %jit3A_605 : f32 to vector<16xf32>
      %broadcast_in_dim3A_608 = vector.broadcast %jit3A_606 : f32 to vector<16xf32>
      %select_n3A_609 = arith.select %lt3A_604, %broadcast_in_dim3A_607, %broadcast_in_dim3A_608 : vector<16xi1>, vector<16xf32>
      %swap3A_610 = arith.constant 2 : i32
      %swap3A_611 = arith.index_cast %swap3A_610 : i32 to index
      %swap3A_612 = arith.constant 48 : index
      %swap3A_613 = tpu.vector_load %arg7[%swap3A_611, %swap3A_612] {strides = array<i32>} : memref<8x128xf32, #tpu.memory_space<vmem>>, vector<1x16xf32>,
      %swap3A_614 = vector.shape_cast %swap3A_613 : vector<1x16xf32> to vector<16xf32>
      %swap3A_615 = vector.shape_cast %select_n3A_609 : vector<16xf32> to vector<1x16xf32>
      tpu.vector_store %arg7[%swap3A_611, %swap3A_612], %swap3A_615 {strides = array<i32>} : memref<8x128xf32, #tpu.memory_space<vmem>>, vector<1x16xf32>,
      %sub3A_616 = arith.constant 1 : i32
      %sub3A_617 = vector.broadcast %sub3A_616 : i32 to vector<16xi32>
      %sub3A_618 = arith.subi %get3A_601, %sub3A_617 : vector<16xi32>
      %max3A_619 = arith.constant 0 : i32
      %max3A_620 = vector.broadcast %max3A_619 : i32 to vector<16xi32>
      %max3A_621 = arith.maxsi %sub3A_618, %max3A_620 : vector<16xi32>
      %swap3A_622 = arith.constant 2 : i32
      %swap3A_623 = arith.index_cast %swap3A_622 : i32 to index
      %swap3A_624 = arith.constant 48 : index
      %swap3A_625 = tpu.vector_load %arg6[%swap3A_623, %swap3A_624] {strides = array<i32>} : memref<8x128xi32, #tpu.memory_space<vmem>>, vector<1x16xi32>,
      %swap3A_626 = vector.shape_cast %swap3A_625 : vector<1x16xi32> to vector<16xi32>
      %swap3A_627 = vector.shape_cast %max3A_621 : vector<16xi32> to vector<1x16xi32>
      tpu.vector_store %arg6[%swap3A_623, %swap3A_624], %swap3A_627 {strides = array<i32>} : memref<8x128xi32, #tpu.memory_space<vmem>>, vector<1x16xi32>,
      %get3A_628 = arith.constant 2 : i32
      %get3A_629 = arith.index_cast %get3A_628 : i32 to index
      %get3A_630 = arith.constant 64 : index
      %get3A_631 = tpu.vector_load %arg6[%get3A_629, %get3A_630] {strides = array<i32>} : memref<8x128xi32, #tpu.memory_space<vmem>>, vector<1x16xi32>,
      %get3A_632 = vector.shape_cast %get3A_631 : vector<1x16xi32> to vector<16xi32>
      %lt3A_633 = arith.constant 1 : i32
      %lt3A_634 = vector.broadcast %lt3A_633 : i32 to vector<16xi32>
      %lt3A_635 = arith.cmpi slt, %get3A_632, %lt3A_634 : vector<16xi32>
      %jit3A_636 = arith.constant 1.000000e+00 : f32
      %jit3A_637 = arith.constant 0.000000e+00 : f32
      %broadcast_in_dim3A_638 = vector.broadcast %jit3A_636 : f32 to vector<16xf32>
      %broadcast_in_dim3A_639 = vector.broadcast %jit3A_637 : f32 to vector<16xf32>
      %select_n3A_640 = arith.select %lt3A_635, %broadcast_in_dim3A_638, %broadcast_in_dim3A_639 : vector<16xi1>, vector<16xf32>
      %swap3A_641 = arith.constant 2 : i32
      %swap3A_642 = arith.index_cast %swap3A_641 : i32 to index
      %swap3A_643 = arith.constant 64 : index
      %swap3A_644 = tpu.vector_load %arg7[%swap3A_642, %swap3A_643] {strides = array<i32>} : memref<8x128xf32, #tpu.memory_space<vmem>>, vector<1x16xf32>,
      %swap3A_645 = vector.shape_cast %swap3A_644 : vector<1x16xf32> to vector<16xf32>
      %swap3A_646 = vector.shape_cast %select_n3A_640 : vector<16xf32> to vector<1x16xf32>
      tpu.vector_store %arg7[%swap3A_642, %swap3A_643], %swap3A_646 {strides = array<i32>} : memref<8x128xf32, #tpu.memory_space<vmem>>, vector<1x16xf32>,
      %sub3A_647 = arith.constant 1 : i32
      %sub3A_648 = vector.broadcast %sub3A_647 : i32 to vector<16xi32>
      %sub3A_649 = arith.subi %get3A_632, %sub3A_648 : vector<16xi32>
      %max3A_650 = arith.constant 0 : i32
      %max3A_651 = vector.broadcast %max3A_650 : i32 to vector<16xi32>
      %max3A_652 = arith.maxsi %sub3A_649, %max3A_651 : vector<16xi32>
      %swap3A_653 = arith.constant 2 : i32
      %swap3A_654 = arith.index_cast %swap3A_653 : i32 to index
      %swap3A_655 = arith.constant 64 : index
      %swap3A_656 = tpu.vector_load %arg6[%swap3A_654, %swap3A_655] {strides = array<i32>} : memref<8x128xi32, #tpu.memory_space<vmem>>, vector<1x16xi32>,
      %swap3A_657 = vector.shape_cast %swap3A_656 : vector<1x16xi32> to vector<16xi32>
      %swap3A_658 = vector.shape_cast %max3A_652 : vector<16xi32> to vector<1x16xi32>
      tpu.vector_store %arg6[%swap3A_654, %swap3A_655], %swap3A_658 {strides = array<i32>} : memref<8x128xi32, #tpu.memory_space<vmem>>, vector<1x16xi32>,
      %get3A_659 = arith.constant 2 : i32
      %get3A_660 = arith.index_cast %get3A_659 : i32 to index
      %get3A_661 = arith.constant 80 : index
      %get3A_662 = tpu.vector_load %arg6[%get3A_660, %get3A_661] {strides = array<i32>} : memref<8x128xi32, #tpu.memory_space<vmem>>, vector<1x16xi32>,
      %get3A_663 = vector.shape_cast %get3A_662 : vector<1x16xi32> to vector<16xi32>
      %lt3A_664 = arith.constant 1 : i32
      %lt3A_665 = vector.broadcast %lt3A_664 : i32 to vector<16xi32>
      %lt3A_666 = arith.cmpi slt, %get3A_663, %lt3A_665 : vector<16xi32>
      %jit3A_667 = arith.constant 1.000000e+00 : f32
      %jit3A_668 = arith.constant 0.000000e+00 : f32
      %broadcast_in_dim3A_669 = vector.broadcast %jit3A_667 : f32 to vector<16xf32>
      %broadcast_in_dim3A_670 = vector.broadcast %jit3A_668 : f32 to vector<16xf32>
      %select_n3A_671 = arith.select %lt3A_666, %broadcast_in_dim3A_669, %broadcast_in_dim3A_670 : vector<16xi1>, vector<16xf32>
      %swap3A_672 = arith.constant 2 : i32
      %swap3A_673 = arith.index_cast %swap3A_672 : i32 to index
      %swap3A_674 = arith.constant 80 : index
      %swap3A_675 = tpu.vector_load %arg7[%swap3A_673, %swap3A_674] {strides = array<i32>} : memref<8x128xf32, #tpu.memory_space<vmem>>, vector<1x16xf32>,
      %swap3A_676 = vector.shape_cast %swap3A_675 : vector<1x16xf32> to vector<16xf32>
      %swap3A_677 = vector.shape_cast %select_n3A_671 : vector<16xf32> to vector<1x16xf32>
      tpu.vector_store %arg7[%swap3A_673, %swap3A_674], %swap3A_677 {strides = array<i32>} : memref<8x128xf32, #tpu.memory_space<vmem>>, vector<1x16xf32>,
      %sub3A_678 = arith.constant 1 : i32
      %sub3A_679 = vector.broadcast %sub3A_678 : i32 to vector<16xi32>
      %sub3A_680 = arith.subi %get3A_663, %sub3A_679 : vector<16xi32>
      %max3A_681 = arith.constant 0 : i32
      %max3A_682 = vector.broadcast %max3A_681 : i32 to vector<16xi32>
      %max3A_683 = arith.maxsi %sub3A_680, %max3A_682 : vector<16xi32>
      %swap3A_684 = arith.constant 2 : i32
      %swap3A_685 = arith.index_cast %swap3A_684 : i32 to index
      %swap3A_686 = arith.constant 80 : index
      %swap3A_687 = tpu.vector_load %arg6[%swap3A_685, %swap3A_686] {strides = array<i32>} : memref<8x128xi32, #tpu.memory_space<vmem>>, vector<1x16xi32>,
      %swap3A_688 = vector.shape_cast %swap3A_687 : vector<1x16xi32> to vector<16xi32>
      %swap3A_689 = vector.shape_cast %max3A_683 : vector<16xi32> to vector<1x16xi32>
      tpu.vector_store %arg6[%swap3A_685, %swap3A_686], %swap3A_689 {strides = array<i32>} : memref<8x128xi32, #tpu.memory_space<vmem>>, vector<1x16xi32>,
      %get3A_690 = arith.constant 2 : i32
      %get3A_691 = arith.index_cast %get3A_690 : i32 to index
      %get3A_692 = arith.constant 96 : index
      %get3A_693 = tpu.vector_load %arg6[%get3A_691, %get3A_692] {strides = array<i32>} : memref<8x128xi32, #tpu.memory_space<vmem>>, vector<1x16xi32>,
      %get3A_694 = vector.shape_cast %get3A_693 : vector<1x16xi32> to vector<16xi32>
      %lt3A_695 = arith.constant 1 : i32
      %lt3A_696 = vector.broadcast %lt3A_695 : i32 to vector<16xi32>
      %lt3A_697 = arith.cmpi slt, %get3A_694, %lt3A_696 : vector<16xi32>
      %jit3A_698 = arith.constant 1.000000e+00 : f32
      %jit3A_699 = arith.constant 0.000000e+00 : f32
      %broadcast_in_dim3A_700 = vector.broadcast %jit3A_698 : f32 to vector<16xf32>
      %broadcast_in_dim3A_701 = vector.broadcast %jit3A_699 : f32 to vector<16xf32>
      %select_n3A_702 = arith.select %lt3A_697, %broadcast_in_dim3A_700, %broadcast_in_dim3A_701 : vector<16xi1>, vector<16xf32>
      %swap3A_703 = arith.constant 2 : i32
      %swap3A_704 = arith.index_cast %swap3A_703 : i32 to index
      %swap3A_705 = arith.constant 96 : index
      %swap3A_706 = tpu.vector_load %arg7[%swap3A_704, %swap3A_705] {strides = array<i32>} : memref<8x128xf32, #tpu.memory_space<vmem>>, vector<1x16xf32>,
      %swap3A_707 = vector.shape_cast %swap3A_706 : vector<1x16xf32> to vector<16xf32>
      %swap3A_708 = vector.shape_cast %select_n3A_702 : vector<16xf32> to vector<1x16xf32>
      tpu.vector_store %arg7[%swap3A_704, %swap3A_705], %swap3A_708 {strides = array<i32>} : memref<8x128xf32, #tpu.memory_space<vmem>>, vector<1x16xf32>,
      %sub3A_709 = arith.constant 1 : i32
      %sub3A_710 = vector.broadcast %sub3A_709 : i32 to vector<16xi32>
      %sub3A_711 = arith.subi %get3A_694, %sub3A_710 : vector<16xi32>
      %max3A_712 = arith.constant 0 : i32
      %max3A_713 = vector.broadcast %max3A_712 : i32 to vector<16xi32>
      %max3A_714 = arith.maxsi %sub3A_711, %max3A_713 : vector<16xi32>
      %swap3A_715 = arith.constant 2 : i32
      %swap3A_716 = arith.index_cast %swap3A_715 : i32 to index
      %swap3A_717 = arith.constant 96 : index
      %swap3A_718 = tpu.vector_load %arg6[%swap3A_716, %swap3A_717] {strides = array<i32>} : memref<8x128xi32, #tpu.memory_space<vmem>>, vector<1x16xi32>,
      %swap3A_719 = vector.shape_cast %swap3A_718 : vector<1x16xi32> to vector<16xi32>
      %swap3A_720 = vector.shape_cast %max3A_714 : vector<16xi32> to vector<1x16xi32>
      tpu.vector_store %arg6[%swap3A_716, %swap3A_717], %swap3A_720 {strides = array<i32>} : memref<8x128xi32, #tpu.memory_space<vmem>>, vector<1x16xi32>,
      %get3A_721 = arith.constant 2 : i32
      %get3A_722 = arith.index_cast %get3A_721 : i32 to index
      %get3A_723 = arith.constant 112 : index
      %get3A_724 = tpu.vector_load %arg6[%get3A_722, %get3A_723] {strides = array<i32>} : memref<8x128xi32, #tpu.memory_space<vmem>>, vector<1x16xi32>,
      %get3A_725 = vector.shape_cast %get3A_724 : vector<1x16xi32> to vector<16xi32>
      %lt3A_726 = arith.constant 1 : i32
      %lt3A_727 = vector.broadcast %lt3A_726 : i32 to vector<16xi32>
      %lt3A_728 = arith.cmpi slt, %get3A_725, %lt3A_727 : vector<16xi32>
      %jit3A_729 = arith.constant 1.000000e+00 : f32
      %jit3A_730 = arith.constant 0.000000e+00 : f32
      %broadcast_in_dim3A_731 = vector.broadcast %jit3A_729 : f32 to vector<16xf32>
      %broadcast_in_dim3A_732 = vector.broadcast %jit3A_730 : f32 to vector<16xf32>
      %select_n3A_733 = arith.select %lt3A_728, %broadcast_in_dim3A_731, %broadcast_in_dim3A_732 : vector<16xi1>, vector<16xf32>
      %swap3A_734 = arith.constant 2 : i32
      %swap3A_735 = arith.index_cast %swap3A_734 : i32 to index
      %swap3A_736 = arith.constant 112 : index
      %swap3A_737 = tpu.vector_load %arg7[%swap3A_735, %swap3A_736] {strides = array<i32>} : memref<8x128xf32, #tpu.memory_space<vmem>>, vector<1x16xf32>,
      %swap3A_738 = vector.shape_cast %swap3A_737 : vector<1x16xf32> to vector<16xf32>
      %swap3A_739 = vector.shape_cast %select_n3A_733 : vector<16xf32> to vector<1x16xf32>
      tpu.vector_store %arg7[%swap3A_735, %swap3A_736], %swap3A_739 {strides = array<i32>} : memref<8x128xf32, #tpu.memory_space<vmem>>, vector<1x16xf32>,
      %sub3A_740 = arith.constant 1 : i32
      %sub3A_741 = vector.broadcast %sub3A_740 : i32 to vector<16xi32>
      %sub3A_742 = arith.subi %get3A_725, %sub3A_741 : vector<16xi32>
      %max3A_743 = arith.constant 0 : i32
      %max3A_744 = vector.broadcast %max3A_743 : i32 to vector<16xi32>
      %max3A_745 = arith.maxsi %sub3A_742, %max3A_744 : vector<16xi32>
      %swap3A_746 = arith.constant 2 : i32
      %swap3A_747 = arith.index_cast %swap3A_746 : i32 to index
      %swap3A_748 = arith.constant 112 : index
      %swap3A_749 = tpu.vector_load %arg6[%swap3A_747, %swap3A_748] {strides = array<i32>} : memref<8x128xi32, #tpu.memory_space<vmem>>, vector<1x16xi32>,
      %swap3A_750 = vector.shape_cast %swap3A_749 : vector<1x16xi32> to vector<16xi32>
      %swap3A_751 = vector.shape_cast %max3A_745 : vector<16xi32> to vector<1x16xi32>
      tpu.vector_store %arg6[%swap3A_747, %swap3A_748], %swap3A_751 {strides = array<i32>} : memref<8x128xi32, #tpu.memory_space<vmem>>, vector<1x16xi32>,
      %get3A_752 = arith.constant 3 : i32
      %get3A_753 = arith.index_cast %get3A_752 : i32 to index
      %get3A_754 = arith.constant 0 : index
      %get3A_755 = tpu.vector_load %arg6[%get3A_753, %get3A_754] {strides = array<i32>} : memref<8x128xi32, #tpu.memory_space<vmem>>, vector<1x16xi32>,
      %get3A_756 = vector.shape_cast %get3A_755 : vector<1x16xi32> to vector<16xi32>
      %lt3A_757 = arith.constant 1 : i32
      %lt3A_758 = vector.broadcast %lt3A_757 : i32 to vector<16xi32>
      %lt3A_759 = arith.cmpi slt, %get3A_756, %lt3A_758 : vector<16xi32>
      %jit3A_760 = arith.constant 1.000000e+00 : f32
      %jit3A_761 = arith.constant 0.000000e+00 : f32
      %broadcast_in_dim3A_762 = vector.broadcast %jit3A_760 : f32 to vector<16xf32>
      %broadcast_in_dim3A_763 = vector.broadcast %jit3A_761 : f32 to vector<16xf32>
      %select_n3A_764 = arith.select %lt3A_759, %broadcast_in_dim3A_762, %broadcast_in_dim3A_763 : vector<16xi1>, vector<16xf32>
      %swap3A_765 = arith.constant 3 : i32
      %swap3A_766 = arith.index_cast %swap3A_765 : i32 to index
      %swap3A_767 = arith.constant 0 : index
      %swap3A_768 = tpu.vector_load %arg7[%swap3A_766, %swap3A_767] {strides = array<i32>} : memref<8x128xf32, #tpu.memory_space<vmem>>, vector<1x16xf32>,
      %swap3A_769 = vector.shape_cast %swap3A_768 : vector<1x16xf32> to vector<16xf32>
      %swap3A_770 = vector.shape_cast %select_n3A_764 : vector<16xf32> to vector<1x16xf32>
      tpu.vector_store %arg7[%swap3A_766, %swap3A_767], %swap3A_770 {strides = array<i32>} : memref<8x128xf32, #tpu.memory_space<vmem>>, vector<1x16xf32>,
      %sub3A_771 = arith.constant 1 : i32
      %sub3A_772 = vector.broadcast %sub3A_771 : i32 to vector<16xi32>
      %sub3A_773 = arith.subi %get3A_756, %sub3A_772 : vector<16xi32>
      %max3A_774 = arith.constant 0 : i32
      %max3A_775 = vector.broadcast %max3A_774 : i32 to vector<16xi32>
      %max3A_776 = arith.maxsi %sub3A_773, %max3A_775 : vector<16xi32>
      %swap3A_777 = arith.constant 3 : i32
      %swap3A_778 = arith.index_cast %swap3A_777 : i32 to index
      %swap3A_779 = arith.constant 0 : index
      %swap3A_780 = tpu.vector_load %arg6[%swap3A_778, %swap3A_779] {strides = array<i32>} : memref<8x128xi32, #tpu.memory_space<vmem>>, vector<1x16xi32>,
      %swap3A_781 = vector.shape_cast %swap3A_780 : vector<1x16xi32> to vector<16xi32>
      %swap3A_782 = vector.shape_cast %max3A_776 : vector<16xi32> to vector<1x16xi32>
      tpu.vector_store %arg6[%swap3A_778, %swap3A_779], %swap3A_782 {strides = array<i32>} : memref<8x128xi32, #tpu.memory_space<vmem>>, vector<1x16xi32>,
      %get3A_783 = arith.constant 3 : i32
      %get3A_784 = arith.index_cast %get3A_783 : i32 to index
      %get3A_785 = arith.constant 16 : index
      %get3A_786 = tpu.vector_load %arg6[%get3A_784, %get3A_785] {strides = array<i32>} : memref<8x128xi32, #tpu.memory_space<vmem>>, vector<1x16xi32>,
      %get3A_787 = vector.shape_cast %get3A_786 : vector<1x16xi32> to vector<16xi32>
      %lt3A_788 = arith.constant 1 : i32
      %lt3A_789 = vector.broadcast %lt3A_788 : i32 to vector<16xi32>
      %lt3A_790 = arith.cmpi slt, %get3A_787, %lt3A_789 : vector<16xi32>
      %jit3A_791 = arith.constant 1.000000e+00 : f32
      %jit3A_792 = arith.constant 0.000000e+00 : f32
      %broadcast_in_dim3A_793 = vector.broadcast %jit3A_791 : f32 to vector<16xf32>
      %broadcast_in_dim3A_794 = vector.broadcast %jit3A_792 : f32 to vector<16xf32>
      %select_n3A_795 = arith.select %lt3A_790, %broadcast_in_dim3A_793, %broadcast_in_dim3A_794 : vector<16xi1>, vector<16xf32>
      %swap3A_796 = arith.constant 3 : i32
      %swap3A_797 = arith.index_cast %swap3A_796 : i32 to index
      %swap3A_798 = arith.constant 16 : index
      %swap3A_799 = tpu.vector_load %arg7[%swap3A_797, %swap3A_798] {strides = array<i32>} : memref<8x128xf32, #tpu.memory_space<vmem>>, vector<1x16xf32>,
      %swap3A_800 = vector.shape_cast %swap3A_799 : vector<1x16xf32> to vector<16xf32>
      %swap3A_801 = vector.shape_cast %select_n3A_795 : vector<16xf32> to vector<1x16xf32>
      tpu.vector_store %arg7[%swap3A_797, %swap3A_798], %swap3A_801 {strides = array<i32>} : memref<8x128xf32, #tpu.memory_space<vmem>>, vector<1x16xf32>,
      %sub3A_802 = arith.constant 1 : i32
      %sub3A_803 = vector.broadcast %sub3A_802 : i32 to vector<16xi32>
      %sub3A_804 = arith.subi %get3A_787, %sub3A_803 : vector<16xi32>
      %max3A_805 = arith.constant 0 : i32
      %max3A_806 = vector.broadcast %max3A_805 : i32 to vector<16xi32>
      %max3A_807 = arith.maxsi %sub3A_804, %max3A_806 : vector<16xi32>
      %swap3A_808 = arith.constant 3 : i32
      %swap3A_809 = arith.index_cast %swap3A_808 : i32 to index
      %swap3A_810 = arith.constant 16 : index
      %swap3A_811 = tpu.vector_load %arg6[%swap3A_809, %swap3A_810] {strides = array<i32>} : memref<8x128xi32, #tpu.memory_space<vmem>>, vector<1x16xi32>,
      %swap3A_812 = vector.shape_cast %swap3A_811 : vector<1x16xi32> to vector<16xi32>
      %swap3A_813 = vector.shape_cast %max3A_807 : vector<16xi32> to vector<1x16xi32>
      tpu.vector_store %arg6[%swap3A_809, %swap3A_810], %swap3A_813 {strides = array<i32>} : memref<8x128xi32, #tpu.memory_space<vmem>>, vector<1x16xi32>,
      %get3A_814 = arith.constant 3 : i32
      %get3A_815 = arith.index_cast %get3A_814 : i32 to index
      %get3A_816 = arith.constant 32 : index
      %get3A_817 = tpu.vector_load %arg6[%get3A_815, %get3A_816] {strides = array<i32>} : memref<8x128xi32, #tpu.memory_space<vmem>>, vector<1x16xi32>,
      %get3A_818 = vector.shape_cast %get3A_817 : vector<1x16xi32> to vector<16xi32>
      %lt3A_819 = arith.constant 1 : i32
      %lt3A_820 = vector.broadcast %lt3A_819 : i32 to vector<16xi32>
      %lt3A_821 = arith.cmpi slt, %get3A_818, %lt3A_820 : vector<16xi32>
      %jit3A_822 = arith.constant 1.000000e+00 : f32
      %jit3A_823 = arith.constant 0.000000e+00 : f32
      %broadcast_in_dim3A_824 = vector.broadcast %jit3A_822 : f32 to vector<16xf32>
      %broadcast_in_dim3A_825 = vector.broadcast %jit3A_823 : f32 to vector<16xf32>
      %select_n3A_826 = arith.select %lt3A_821, %broadcast_in_dim3A_824, %broadcast_in_dim3A_825 : vector<16xi1>, vector<16xf32>
      %swap3A_827 = arith.constant 3 : i32
      %swap3A_828 = arith.index_cast %swap3A_827 : i32 to index
      %swap3A_829 = arith.constant 32 : index
      %swap3A_830 = tpu.vector_load %arg7[%swap3A_828, %swap3A_829] {strides = array<i32>} : memref<8x128xf32, #tpu.memory_space<vmem>>, vector<1x16xf32>,
      %swap3A_831 = vector.shape_cast %swap3A_830 : vector<1x16xf32> to vector<16xf32>
      %swap3A_832 = vector.shape_cast %select_n3A_826 : vector<16xf32> to vector<1x16xf32>
      tpu.vector_store %arg7[%swap3A_828, %swap3A_829], %swap3A_832 {strides = array<i32>} : memref<8x128xf32, #tpu.memory_space<vmem>>, vector<1x16xf32>,
      %sub3A_833 = arith.constant 1 : i32
      %sub3A_834 = vector.broadcast %sub3A_833 : i32 to vector<16xi32>
      %sub3A_835 = arith.subi %get3A_818, %sub3A_834 : vector<16xi32>
      %max3A_836 = arith.constant 0 : i32
      %max3A_837 = vector.broadcast %max3A_836 : i32 to vector<16xi32>
      %max3A_838 = arith.maxsi %sub3A_835, %max3A_837 : vector<16xi32>
      %swap3A_839 = arith.constant 3 : i32
      %swap3A_840 = arith.index_cast %swap3A_839 : i32 to index
      %swap3A_841 = arith.constant 32 : index
      %swap3A_842 = tpu.vector_load %arg6[%swap3A_840, %swap3A_841] {strides = array<i32>} : memref<8x128xi32, #tpu.memory_space<vmem>>, vector<1x16xi32>,
      %swap3A_843 = vector.shape_cast %swap3A_842 : vector<1x16xi32> to vector<16xi32>
      %swap3A_844 = vector.shape_cast %max3A_838 : vector<16xi32> to vector<1x16xi32>
      tpu.vector_store %arg6[%swap3A_840, %swap3A_841], %swap3A_844 {strides = array<i32>} : memref<8x128xi32, #tpu.memory_space<vmem>>, vector<1x16xi32>,
      %get3A_845 = arith.constant 3 : i32
      %get3A_846 = arith.index_cast %get3A_845 : i32 to index
      %get3A_847 = arith.constant 48 : index
      %get3A_848 = tpu.vector_load %arg6[%get3A_846, %get3A_847] {strides = array<i32>} : memref<8x128xi32, #tpu.memory_space<vmem>>, vector<1x16xi32>,
      %get3A_849 = vector.shape_cast %get3A_848 : vector<1x16xi32> to vector<16xi32>
      %lt3A_850 = arith.constant 1 : i32
      %lt3A_851 = vector.broadcast %lt3A_850 : i32 to vector<16xi32>
      %lt3A_852 = arith.cmpi slt, %get3A_849, %lt3A_851 : vector<16xi32>
      %jit3A_853 = arith.constant 1.000000e+00 : f32
      %jit3A_854 = arith.constant 0.000000e+00 : f32
      %broadcast_in_dim3A_855 = vector.broadcast %jit3A_853 : f32 to vector<16xf32>
      %broadcast_in_dim3A_856 = vector.broadcast %jit3A_854 : f32 to vector<16xf32>
      %select_n3A_857 = arith.select %lt3A_852, %broadcast_in_dim3A_855, %broadcast_in_dim3A_856 : vector<16xi1>, vector<16xf32>
      %swap3A_858 = arith.constant 3 : i32
      %swap3A_859 = arith.index_cast %swap3A_858 : i32 to index
      %swap3A_860 = arith.constant 48 : index
      %swap3A_861 = tpu.vector_load %arg7[%swap3A_859, %swap3A_860] {strides = array<i32>} : memref<8x128xf32, #tpu.memory_space<vmem>>, vector<1x16xf32>,
      %swap3A_862 = vector.shape_cast %swap3A_861 : vector<1x16xf32> to vector<16xf32>
      %swap3A_863 = vector.shape_cast %select_n3A_857 : vector<16xf32> to vector<1x16xf32>
      tpu.vector_store %arg7[%swap3A_859, %swap3A_860], %swap3A_863 {strides = array<i32>} : memref<8x128xf32, #tpu.memory_space<vmem>>, vector<1x16xf32>,
      %sub3A_864 = arith.constant 1 : i32
      %sub3A_865 = vector.broadcast %sub3A_864 : i32 to vector<16xi32>
      %sub3A_866 = arith.subi %get3A_849, %sub3A_865 : vector<16xi32>
      %max3A_867 = arith.constant 0 : i32
      %max3A_868 = vector.broadcast %max3A_867 : i32 to vector<16xi32>
      %max3A_869 = arith.maxsi %sub3A_866, %max3A_868 : vector<16xi32>
      %swap3A_870 = arith.constant 3 : i32
      %swap3A_871 = arith.index_cast %swap3A_870 : i32 to index
      %swap3A_872 = arith.constant 48 : index
      %swap3A_873 = tpu.vector_load %arg6[%swap3A_871, %swap3A_872] {strides = array<i32>} : memref<8x128xi32, #tpu.memory_space<vmem>>, vector<1x16xi32>,
      %swap3A_874 = vector.shape_cast %swap3A_873 : vector<1x16xi32> to vector<16xi32>
      %swap3A_875 = vector.shape_cast %max3A_869 : vector<16xi32> to vector<1x16xi32>
      tpu.vector_store %arg6[%swap3A_871, %swap3A_872], %swap3A_875 {strides = array<i32>} : memref<8x128xi32, #tpu.memory_space<vmem>>, vector<1x16xi32>,
      %get3A_876 = arith.constant 3 : i32
      %get3A_877 = arith.index_cast %get3A_876 : i32 to index
      %get3A_878 = arith.constant 64 : index
      %get3A_879 = tpu.vector_load %arg6[%get3A_877, %get3A_878] {strides = array<i32>} : memref<8x128xi32, #tpu.memory_space<vmem>>, vector<1x16xi32>,
      %get3A_880 = vector.shape_cast %get3A_879 : vector<1x16xi32> to vector<16xi32>
      %lt3A_881 = arith.constant 1 : i32
      %lt3A_882 = vector.broadcast %lt3A_881 : i32 to vector<16xi32>
      %lt3A_883 = arith.cmpi slt, %get3A_880, %lt3A_882 : vector<16xi32>
      %jit3A_884 = arith.constant 1.000000e+00 : f32
      %jit3A_885 = arith.constant 0.000000e+00 : f32
      %broadcast_in_dim3A_886 = vector.broadcast %jit3A_884 : f32 to vector<16xf32>
      %broadcast_in_dim3A_887 = vector.broadcast %jit3A_885 : f32 to vector<16xf32>
      %select_n3A_888 = arith.select %lt3A_883, %broadcast_in_dim3A_886, %broadcast_in_dim3A_887 : vector<16xi1>, vector<16xf32>
      %swap3A_889 = arith.constant 3 : i32
      %swap3A_890 = arith.index_cast %swap3A_889 : i32 to index
      %swap3A_891 = arith.constant 64 : index
      %swap3A_892 = tpu.vector_load %arg7[%swap3A_890, %swap3A_891] {strides = array<i32>} : memref<8x128xf32, #tpu.memory_space<vmem>>, vector<1x16xf32>,
      %swap3A_893 = vector.shape_cast %swap3A_892 : vector<1x16xf32> to vector<16xf32>
      %swap3A_894 = vector.shape_cast %select_n3A_888 : vector<16xf32> to vector<1x16xf32>
      tpu.vector_store %arg7[%swap3A_890, %swap3A_891], %swap3A_894 {strides = array<i32>} : memref<8x128xf32, #tpu.memory_space<vmem>>, vector<1x16xf32>,
      %sub3A_895 = arith.constant 1 : i32
      %sub3A_896 = vector.broadcast %sub3A_895 : i32 to vector<16xi32>
      %sub3A_897 = arith.subi %get3A_880, %sub3A_896 : vector<16xi32>
      %max3A_898 = arith.constant 0 : i32
      %max3A_899 = vector.broadcast %max3A_898 : i32 to vector<16xi32>
      %max3A_900 = arith.maxsi %sub3A_897, %max3A_899 : vector<16xi32>
      %swap3A_901 = arith.constant 3 : i32
      %swap3A_902 = arith.index_cast %swap3A_901 : i32 to index
      %swap3A_903 = arith.constant 64 : index
      %swap3A_904 = tpu.vector_load %arg6[%swap3A_902, %swap3A_903] {strides = array<i32>} : memref<8x128xi32, #tpu.memory_space<vmem>>, vector<1x16xi32>,
      %swap3A_905 = vector.shape_cast %swap3A_904 : vector<1x16xi32> to vector<16xi32>
      %swap3A_906 = vector.shape_cast %max3A_900 : vector<16xi32> to vector<1x16xi32>
      tpu.vector_store %arg6[%swap3A_902, %swap3A_903], %swap3A_906 {strides = array<i32>} : memref<8x128xi32, #tpu.memory_space<vmem>>, vector<1x16xi32>,
      %get3A_907 = arith.constant 3 : i32
      %get3A_908 = arith.index_cast %get3A_907 : i32 to index
      %get3A_909 = arith.constant 80 : index
      %get3A_910 = tpu.vector_load %arg6[%get3A_908, %get3A_909] {strides = array<i32>} : memref<8x128xi32, #tpu.memory_space<vmem>>, vector<1x16xi32>,
      %get3A_911 = vector.shape_cast %get3A_910 : vector<1x16xi32> to vector<16xi32>
      %lt3A_912 = arith.constant 1 : i32
      %lt3A_913 = vector.broadcast %lt3A_912 : i32 to vector<16xi32>
      %lt3A_914 = arith.cmpi slt, %get3A_911, %lt3A_913 : vector<16xi32>
      %jit3A_915 = arith.constant 1.000000e+00 : f32
      %jit3A_916 = arith.constant 0.000000e+00 : f32
      %broadcast_in_dim3A_917 = vector.broadcast %jit3A_915 : f32 to vector<16xf32>
      %broadcast_in_dim3A_918 = vector.broadcast %jit3A_916 : f32 to vector<16xf32>
      %select_n3A_919 = arith.select %lt3A_914, %broadcast_in_dim3A_917, %broadcast_in_dim3A_918 : vector<16xi1>, vector<16xf32>
      %swap3A_920 = arith.constant 3 : i32
      %swap3A_921 = arith.index_cast %swap3A_920 : i32 to index
      %swap3A_922 = arith.constant 80 : index
      %swap3A_923 = tpu.vector_load %arg7[%swap3A_921, %swap3A_922] {strides = array<i32>} : memref<8x128xf32, #tpu.memory_space<vmem>>, vector<1x16xf32>,
      %swap3A_924 = vector.shape_cast %swap3A_923 : vector<1x16xf32> to vector<16xf32>
      %swap3A_925 = vector.shape_cast %select_n3A_919 : vector<16xf32> to vector<1x16xf32>
      tpu.vector_store %arg7[%swap3A_921, %swap3A_922], %swap3A_925 {strides = array<i32>} : memref<8x128xf32, #tpu.memory_space<vmem>>, vector<1x16xf32>,
      %sub3A_926 = arith.constant 1 : i32
      %sub3A_927 = vector.broadcast %sub3A_926 : i32 to vector<16xi32>
      %sub3A_928 = arith.subi %get3A_911, %sub3A_927 : vector<16xi32>
      %max3A_929 = arith.constant 0 : i32
      %max3A_930 = vector.broadcast %max3A_929 : i32 to vector<16xi32>
      %max3A_931 = arith.maxsi %sub3A_928, %max3A_930 : vector<16xi32>
      %swap3A_932 = arith.constant 3 : i32
      %swap3A_933 = arith.index_cast %swap3A_932 : i32 to index
      %swap3A_934 = arith.constant 80 : index
      %swap3A_935 = tpu.vector_load %arg6[%swap3A_933, %swap3A_934] {strides = array<i32>} : memref<8x128xi32, #tpu.memory_space<vmem>>, vector<1x16xi32>,
      %swap3A_936 = vector.shape_cast %swap3A_935 : vector<1x16xi32> to vector<16xi32>
      %swap3A_937 = vector.shape_cast %max3A_931 : vector<16xi32> to vector<1x16xi32>
      tpu.vector_store %arg6[%swap3A_933, %swap3A_934], %swap3A_937 {strides = array<i32>} : memref<8x128xi32, #tpu.memory_space<vmem>>, vector<1x16xi32>,
      %get3A_938 = arith.constant 3 : i32
      %get3A_939 = arith.index_cast %get3A_938 : i32 to index
      %get3A_940 = arith.constant 96 : index
      %get3A_941 = tpu.vector_load %arg6[%get3A_939, %get3A_940] {strides = array<i32>} : memref<8x128xi32, #tpu.memory_space<vmem>>, vector<1x16xi32>,
      %get3A_942 = vector.shape_cast %get3A_941 : vector<1x16xi32> to vector<16xi32>
      %lt3A_943 = arith.constant 1 : i32
      %lt3A_944 = vector.broadcast %lt3A_943 : i32 to vector<16xi32>
      %lt3A_945 = arith.cmpi slt, %get3A_942, %lt3A_944 : vector<16xi32>
      %jit3A_946 = arith.constant 1.000000e+00 : f32
      %jit3A_947 = arith.constant 0.000000e+00 : f32
      %broadcast_in_dim3A_948 = vector.broadcast %jit3A_946 : f32 to vector<16xf32>
      %broadcast_in_dim3A_949 = vector.broadcast %jit3A_947 : f32 to vector<16xf32>
      %select_n3A_950 = arith.select %lt3A_945, %broadcast_in_dim3A_948, %broadcast_in_dim3A_949 : vector<16xi1>, vector<16xf32>
      %swap3A_951 = arith.constant 3 : i32
      %swap3A_952 = arith.index_cast %swap3A_951 : i32 to index
      %swap3A_953 = arith.constant 96 : index
      %swap3A_954 = tpu.vector_load %arg7[%swap3A_952, %swap3A_953] {strides = array<i32>} : memref<8x128xf32, #tpu.memory_space<vmem>>, vector<1x16xf32>,
      %swap3A_955 = vector.shape_cast %swap3A_954 : vector<1x16xf32> to vector<16xf32>
      %swap3A_956 = vector.shape_cast %select_n3A_950 : vector<16xf32> to vector<1x16xf32>
      tpu.vector_store %arg7[%swap3A_952, %swap3A_953], %swap3A_956 {strides = array<i32>} : memref<8x128xf32, #tpu.memory_space<vmem>>, vector<1x16xf32>,
      %sub3A_957 = arith.constant 1 : i32
      %sub3A_958 = vector.broadcast %sub3A_957 : i32 to vector<16xi32>
      %sub3A_959 = arith.subi %get3A_942, %sub3A_958 : vector<16xi32>
      %max3A_960 = arith.constant 0 : i32
      %max3A_961 = vector.broadcast %max3A_960 : i32 to vector<16xi32>
      %max3A_962 = arith.maxsi %sub3A_959, %max3A_961 : vector<16xi32>
      %swap3A_963 = arith.constant 3 : i32
      %swap3A_964 = arith.index_cast %swap3A_963 : i32 to index
      %swap3A_965 = arith.constant 96 : index
      %swap3A_966 = tpu.vector_load %arg6[%swap3A_964, %swap3A_965] {strides = array<i32>} : memref<8x128xi32, #tpu.memory_space<vmem>>, vector<1x16xi32>,
      %swap3A_967 = vector.shape_cast %swap3A_966 : vector<1x16xi32> to vector<16xi32>
      %swap3A_968 = vector.shape_cast %max3A_962 : vector<16xi32> to vector<1x16xi32>
      tpu.vector_store %arg6[%swap3A_964, %swap3A_965], %swap3A_968 {strides = array<i32>} : memref<8x128xi32, #tpu.memory_space<vmem>>, vector<1x16xi32>,
      %get3A_969 = arith.constant 3 : i32
      %get3A_970 = arith.index_cast %get3A_969 : i32 to index
      %get3A_971 = arith.constant 112 : index
      %get3A_972 = tpu.vector_load %arg6[%get3A_970, %get3A_971] {strides = array<i32>} : memref<8x128xi32, #tpu.memory_space<vmem>>, vector<1x16xi32>,
      %get3A_973 = vector.shape_cast %get3A_972 : vector<1x16xi32> to vector<16xi32>
      %lt3A_974 = arith.constant 1 : i32
      %lt3A_975 = vector.broadcast %lt3A_974 : i32 to vector<16xi32>
      %lt3A_976 = arith.cmpi slt, %get3A_973, %lt3A_975 : vector<16xi32>
      %jit3A_977 = arith.constant 1.000000e+00 : f32
      %jit3A_978 = arith.constant 0.000000e+00 : f32
      %broadcast_in_dim3A_979 = vector.broadcast %jit3A_977 : f32 to vector<16xf32>
      %broadcast_in_dim3A_980 = vector.broadcast %jit3A_978 : f32 to vector<16xf32>
      %select_n3A_981 = arith.select %lt3A_976, %broadcast_in_dim3A_979, %broadcast_in_dim3A_980 : vector<16xi1>, vector<16xf32>
      %swap3A_982 = arith.constant 3 : i32
      %swap3A_983 = arith.index_cast %swap3A_982 : i32 to index
      %swap3A_984 = arith.constant 112 : index
      %swap3A_985 = tpu.vector_load %arg7[%swap3A_983, %swap3A_984] {strides = array<i32>} : memref<8x128xf32, #tpu.memory_space<vmem>>, vector<1x16xf32>,
      %swap3A_986 = vector.shape_cast %swap3A_985 : vector<1x16xf32> to vector<16xf32>
      %swap3A_987 = vector.shape_cast %select_n3A_981 : vector<16xf32> to vector<1x16xf32>
      tpu.vector_store %arg7[%swap3A_983, %swap3A_984], %swap3A_987 {strides = array<i32>} : memref<8x128xf32, #tpu.memory_space<vmem>>, vector<1x16xf32>,
      %sub3A_988 = arith.constant 1 : i32
      %sub3A_989 = vector.broadcast %sub3A_988 : i32 to vector<16xi32>
      %sub3A_990 = arith.subi %get3A_973, %sub3A_989 : vector<16xi32>
      %max3A_991 = arith.constant 0 : i32
      %max3A_992 = vector.broadcast %max3A_991 : i32 to vector<16xi32>
      %max3A_993 = arith.maxsi %sub3A_990, %max3A_992 : vector<16xi32>
      %swap3A_994 = arith.constant 3 : i32
      %swap3A_995 = arith.index_cast %swap3A_994 : i32 to index
      %swap3A_996 = arith.constant 112 : index
      %swap3A_997 = tpu.vector_load %arg6[%swap3A_995, %swap3A_996] {strides = array<i32>} : memref<8x128xi32, #tpu.memory_space<vmem>>, vector<1x16xi32>,
      %swap3A_998 = vector.shape_cast %swap3A_997 : vector<1x16xi32> to vector<16xi32>
      %swap3A_999 = vector.shape_cast %max3A_993 : vector<16xi32> to vector<1x16xi32>
      tpu.vector_store %arg6[%swap3A_995, %swap3A_996], %swap3A_999 {strides = array<i32>} : memref<8x128xi32, #tpu.memory_space<vmem>>, vector<1x16xi32>,
      %get3A_1000 = arith.constant 4 : i32
      %get3A_1001 = arith.index_cast %get3A_1000 : i32 to index
      %get3A_1002 = arith.constant 0 : index
      %get3A_1003 = tpu.vector_load %arg6[%get3A_1001, %get3A_1002] {strides = array<i32>} : memref<8x128xi32, #tpu.memory_space<vmem>>, vector<1x16xi32>,
      %get3A_1004 = vector.shape_cast %get3A_1003 : vector<1x16xi32> to vector<16xi32>
      %lt3A_1005 = arith.constant 1 : i32
      %lt3A_1006 = vector.broadcast %lt3A_1005 : i32 to vector<16xi32>
      %lt3A_1007 = arith.cmpi slt, %get3A_1004, %lt3A_1006 : vector<16xi32>
      %jit3A_1008 = arith.constant 1.000000e+00 : f32
      %jit3A_1009 = arith.constant 0.000000e+00 : f32
      %broadcast_in_dim3A_1010 = vector.broadcast %jit3A_1008 : f32 to vector<16xf32>
      %broadcast_in_dim3A_1011 = vector.broadcast %jit3A_1009 : f32 to vector<16xf32>
      %select_n3A_1012 = arith.select %lt3A_1007, %broadcast_in_dim3A_1010, %broadcast_in_dim3A_1011 : vector<16xi1>, vector<16xf32>
      %swap3A_1013 = arith.constant 4 : i32
      %swap3A_1014 = arith.index_cast %swap3A_1013 : i32 to index
      %swap3A_1015 = arith.constant 0 : index
      %swap3A_1016 = tpu.vector_load %arg7[%swap3A_1014, %swap3A_1015] {strides = array<i32>} : memref<8x128xf32, #tpu.memory_space<vmem>>, vector<1x16xf32>,
      %swap3A_1017 = vector.shape_cast %swap3A_1016 : vector<1x16xf32> to vector<16xf32>
      %swap3A_1018 = vector.shape_cast %select_n3A_1012 : vector<16xf32> to vector<1x16xf32>
      tpu.vector_store %arg7[%swap3A_1014, %swap3A_1015], %swap3A_1018 {strides = array<i32>} : memref<8x128xf32, #tpu.memory_space<vmem>>, vector<1x16xf32>,
      %sub3A_1019 = arith.constant 1 : i32
      %sub3A_1020 = vector.broadcast %sub3A_1019 : i32 to vector<16xi32>
      %sub3A_1021 = arith.subi %get3A_1004, %sub3A_1020 : vector<16xi32>
      %max3A_1022 = arith.constant 0 : i32
      %max3A_1023 = vector.broadcast %max3A_1022 : i32 to vector<16xi32>
      %max3A_1024 = arith.maxsi %sub3A_1021, %max3A_1023 : vector<16xi32>
      %swap3A_1025 = arith.constant 4 : i32
      %swap3A_1026 = arith.index_cast %swap3A_1025 : i32 to index
      %swap3A_1027 = arith.constant 0 : index
      %swap3A_1028 = tpu.vector_load %arg6[%swap3A_1026, %swap3A_1027] {strides = array<i32>} : memref<8x128xi32, #tpu.memory_space<vmem>>, vector<1x16xi32>,
      %swap3A_1029 = vector.shape_cast %swap3A_1028 : vector<1x16xi32> to vector<16xi32>
      %swap3A_1030 = vector.shape_cast %max3A_1024 : vector<16xi32> to vector<1x16xi32>
      tpu.vector_store %arg6[%swap3A_1026, %swap3A_1027], %swap3A_1030 {strides = array<i32>} : memref<8x128xi32, #tpu.memory_space<vmem>>, vector<1x16xi32>,
      %get3A_1031 = arith.constant 4 : i32
      %get3A_1032 = arith.index_cast %get3A_1031 : i32 to index
      %get3A_1033 = arith.constant 16 : index
      %get3A_1034 = tpu.vector_load %arg6[%get3A_1032, %get3A_1033] {strides = array<i32>} : memref<8x128xi32, #tpu.memory_space<vmem>>, vector<1x16xi32>,
      %get3A_1035 = vector.shape_cast %get3A_1034 : vector<1x16xi32> to vector<16xi32>
      %lt3A_1036 = arith.constant 1 : i32
      %lt3A_1037 = vector.broadcast %lt3A_1036 : i32 to vector<16xi32>
      %lt3A_1038 = arith.cmpi slt, %get3A_1035, %lt3A_1037 : vector<16xi32>
      %jit3A_1039 = arith.constant 1.000000e+00 : f32
      %jit3A_1040 = arith.constant 0.000000e+00 : f32
      %broadcast_in_dim3A_1041 = vector.broadcast %jit3A_1039 : f32 to vector<16xf32>
      %broadcast_in_dim3A_1042 = vector.broadcast %jit3A_1040 : f32 to vector<16xf32>
      %select_n3A_1043 = arith.select %lt3A_1038, %broadcast_in_dim3A_1041, %broadcast_in_dim3A_1042 : vector<16xi1>, vector<16xf32>
      %swap3A_1044 = arith.constant 4 : i32
      %swap3A_1045 = arith.index_cast %swap3A_1044 : i32 to index
      %swap3A_1046 = arith.constant 16 : index
      %swap3A_1047 = tpu.vector_load %arg7[%swap3A_1045, %swap3A_1046] {strides = array<i32>} : memref<8x128xf32, #tpu.memory_space<vmem>>, vector<1x16xf32>,
      %swap3A_1048 = vector.shape_cast %swap3A_1047 : vector<1x16xf32> to vector<16xf32>
      %swap3A_1049 = vector.shape_cast %select_n3A_1043 : vector<16xf32> to vector<1x16xf32>
      tpu.vector_store %arg7[%swap3A_1045, %swap3A_1046], %swap3A_1049 {strides = array<i32>} : memref<8x128xf32, #tpu.memory_space<vmem>>, vector<1x16xf32>,
      %sub3A_1050 = arith.constant 1 : i32
      %sub3A_1051 = vector.broadcast %sub3A_1050 : i32 to vector<16xi32>
      %sub3A_1052 = arith.subi %get3A_1035, %sub3A_1051 : vector<16xi32>
      %max3A_1053 = arith.constant 0 : i32
      %max3A_1054 = vector.broadcast %max3A_1053 : i32 to vector<16xi32>
      %max3A_1055 = arith.maxsi %sub3A_1052, %max3A_1054 : vector<16xi32>
      %swap3A_1056 = arith.constant 4 : i32
      %swap3A_1057 = arith.index_cast %swap3A_1056 : i32 to index
      %swap3A_1058 = arith.constant 16 : index
      %swap3A_1059 = tpu.vector_load %arg6[%swap3A_1057, %swap3A_1058] {strides = array<i32>} : memref<8x128xi32, #tpu.memory_space<vmem>>, vector<1x16xi32>,
      %swap3A_1060 = vector.shape_cast %swap3A_1059 : vector<1x16xi32> to vector<16xi32>
      %swap3A_1061 = vector.shape_cast %max3A_1055 : vector<16xi32> to vector<1x16xi32>
      tpu.vector_store %arg6[%swap3A_1057, %swap3A_1058], %swap3A_1061 {strides = array<i32>} : memref<8x128xi32, #tpu.memory_space<vmem>>, vector<1x16xi32>,
      %get3A_1062 = arith.constant 4 : i32
      %get3A_1063 = arith.index_cast %get3A_1062 : i32 to index
      %get3A_1064 = arith.constant 32 : index
      %get3A_1065 = tpu.vector_load %arg6[%get3A_1063, %get3A_1064] {strides = array<i32>} : memref<8x128xi32, #tpu.memory_space<vmem>>, vector<1x16xi32>,
      %get3A_1066 = vector.shape_cast %get3A_1065 : vector<1x16xi32> to vector<16xi32>
      %lt3A_1067 = arith.constant 1 : i32
      %lt3A_1068 = vector.broadcast %lt3A_1067 : i32 to vector<16xi32>
      %lt3A_1069 = arith.cmpi slt, %get3A_1066, %lt3A_1068 : vector<16xi32>
      %jit3A_1070 = arith.constant 1.000000e+00 : f32
      %jit3A_1071 = arith.constant 0.000000e+00 : f32
      %broadcast_in_dim3A_1072 = vector.broadcast %jit3A_1070 : f32 to vector<16xf32>
      %broadcast_in_dim3A_1073 = vector.broadcast %jit3A_1071 : f32 to vector<16xf32>
      %select_n3A_1074 = arith.select %lt3A_1069, %broadcast_in_dim3A_1072, %broadcast_in_dim3A_1073 : vector<16xi1>, vector<16xf32>
      %swap3A_1075 = arith.constant 4 : i32
      %swap3A_1076 = arith.index_cast %swap3A_1075 : i32 to index
      %swap3A_1077 = arith.constant 32 : index
      %swap3A_1078 = tpu.vector_load %arg7[%swap3A_1076, %swap3A_1077] {strides = array<i32>} : memref<8x128xf32, #tpu.memory_space<vmem>>, vector<1x16xf32>,
      %swap3A_1079 = vector.shape_cast %swap3A_1078 : vector<1x16xf32> to vector<16xf32>
      %swap3A_1080 = vector.shape_cast %select_n3A_1074 : vector<16xf32> to vector<1x16xf32>
      tpu.vector_store %arg7[%swap3A_1076, %swap3A_1077], %swap3A_1080 {strides = array<i32>} : memref<8x128xf32, #tpu.memory_space<vmem>>, vector<1x16xf32>,
      %sub3A_1081 = arith.constant 1 : i32
      %sub3A_1082 = vector.broadcast %sub3A_1081 : i32 to vector<16xi32>
      %sub3A_1083 = arith.subi %get3A_1066, %sub3A_1082 : vector<16xi32>
      %max3A_1084 = arith.constant 0 : i32
      %max3A_1085 = vector.broadcast %max3A_1084 : i32 to vector<16xi32>
      %max3A_1086 = arith.maxsi %sub3A_1083, %max3A_1085 : vector<16xi32>
      %swap3A_1087 = arith.constant 4 : i32
      %swap3A_1088 = arith.index_cast %swap3A_1087 : i32 to index
      %swap3A_1089 = arith.constant 32 : index
      %swap3A_1090 = tpu.vector_load %arg6[%swap3A_1088, %swap3A_1089] {strides = array<i32>} : memref<8x128xi32, #tpu.memory_space<vmem>>, vector<1x16xi32>,
      %swap3A_1091 = vector.shape_cast %swap3A_1090 : vector<1x16xi32> to vector<16xi32>
      %swap3A_1092 = vector.shape_cast %max3A_1086 : vector<16xi32> to vector<1x16xi32>
      tpu.vector_store %arg6[%swap3A_1088, %swap3A_1089], %swap3A_1092 {strides = array<i32>} : memref<8x128xi32, #tpu.memory_space<vmem>>, vector<1x16xi32>,
      %get3A_1093 = arith.constant 4 : i32
      %get3A_1094 = arith.index_cast %get3A_1093 : i32 to index
      %get3A_1095 = arith.constant 48 : index
      %get3A_1096 = tpu.vector_load %arg6[%get3A_1094, %get3A_1095] {strides = array<i32>} : memref<8x128xi32, #tpu.memory_space<vmem>>, vector<1x16xi32>,
      %get3A_1097 = vector.shape_cast %get3A_1096 : vector<1x16xi32> to vector<16xi32>
      %lt3A_1098 = arith.constant 1 : i32
      %lt3A_1099 = vector.broadcast %lt3A_1098 : i32 to vector<16xi32>
      %lt3A_1100 = arith.cmpi slt, %get3A_1097, %lt3A_1099 : vector<16xi32>
      %jit3A_1101 = arith.constant 1.000000e+00 : f32
      %jit3A_1102 = arith.constant 0.000000e+00 : f32
      %broadcast_in_dim3A_1103 = vector.broadcast %jit3A_1101 : f32 to vector<16xf32>
      %broadcast_in_dim3A_1104 = vector.broadcast %jit3A_1102 : f32 to vector<16xf32>
      %select_n3A_1105 = arith.select %lt3A_1100, %broadcast_in_dim3A_1103, %broadcast_in_dim3A_1104 : vector<16xi1>, vector<16xf32>
      %swap3A_1106 = arith.constant 4 : i32
      %swap3A_1107 = arith.index_cast %swap3A_1106 : i32 to index
      %swap3A_1108 = arith.constant 48 : index
      %swap3A_1109 = tpu.vector_load %arg7[%swap3A_1107, %swap3A_1108] {strides = array<i32>} : memref<8x128xf32, #tpu.memory_space<vmem>>, vector<1x16xf32>,
      %swap3A_1110 = vector.shape_cast %swap3A_1109 : vector<1x16xf32> to vector<16xf32>
      %swap3A_1111 = vector.shape_cast %select_n3A_1105 : vector<16xf32> to vector<1x16xf32>
      tpu.vector_store %arg7[%swap3A_1107, %swap3A_1108], %swap3A_1111 {strides = array<i32>} : memref<8x128xf32, #tpu.memory_space<vmem>>, vector<1x16xf32>,
      %sub3A_1112 = arith.constant 1 : i32
      %sub3A_1113 = vector.broadcast %sub3A_1112 : i32 to vector<16xi32>
      %sub3A_1114 = arith.subi %get3A_1097, %sub3A_1113 : vector<16xi32>
      %max3A_1115 = arith.constant 0 : i32
      %max3A_1116 = vector.broadcast %max3A_1115 : i32 to vector<16xi32>
      %max3A_1117 = arith.maxsi %sub3A_1114, %max3A_1116 : vector<16xi32>
      %swap3A_1118 = arith.constant 4 : i32
      %swap3A_1119 = arith.index_cast %swap3A_1118 : i32 to index
      %swap3A_1120 = arith.constant 48 : index
      %swap3A_1121 = tpu.vector_load %arg6[%swap3A_1119, %swap3A_1120] {strides = array<i32>} : memref<8x128xi32, #tpu.memory_space<vmem>>, vector<1x16xi32>,
      %swap3A_1122 = vector.shape_cast %swap3A_1121 : vector<1x16xi32> to vector<16xi32>
      %swap3A_1123 = vector.shape_cast %max3A_1117 : vector<16xi32> to vector<1x16xi32>
      tpu.vector_store %arg6[%swap3A_1119, %swap3A_1120], %swap3A_1123 {strides = array<i32>} : memref<8x128xi32, #tpu.memory_space<vmem>>, vector<1x16xi32>,
      %get3A_1124 = arith.constant 4 : i32
      %get3A_1125 = arith.index_cast %get3A_1124 : i32 to index
      %get3A_1126 = arith.constant 64 : index
      %get3A_1127 = tpu.vector_load %arg6[%get3A_1125, %get3A_1126] {strides = array<i32>} : memref<8x128xi32, #tpu.memory_space<vmem>>, vector<1x16xi32>,
      %get3A_1128 = vector.shape_cast %get3A_1127 : vector<1x16xi32> to vector<16xi32>
      %lt3A_1129 = arith.constant 1 : i32
      %lt3A_1130 = vector.broadcast %lt3A_1129 : i32 to vector<16xi32>
      %lt3A_1131 = arith.cmpi slt, %get3A_1128, %lt3A_1130 : vector<16xi32>
      %jit3A_1132 = arith.constant 1.000000e+00 : f32
      %jit3A_1133 = arith.constant 0.000000e+00 : f32
      %broadcast_in_dim3A_1134 = vector.broadcast %jit3A_1132 : f32 to vector<16xf32>
      %broadcast_in_dim3A_1135 = vector.broadcast %jit3A_1133 : f32 to vector<16xf32>
      %select_n3A_1136 = arith.select %lt3A_1131, %broadcast_in_dim3A_1134, %broadcast_in_dim3A_1135 : vector<16xi1>, vector<16xf32>
      %swap3A_1137 = arith.constant 4 : i32
      %swap3A_1138 = arith.index_cast %swap3A_1137 : i32 to index
      %swap3A_1139 = arith.constant 64 : index
      %swap3A_1140 = tpu.vector_load %arg7[%swap3A_1138, %swap3A_1139] {strides = array<i32>} : memref<8x128xf32, #tpu.memory_space<vmem>>, vector<1x16xf32>,
      %swap3A_1141 = vector.shape_cast %swap3A_1140 : vector<1x16xf32> to vector<16xf32>
      %swap3A_1142 = vector.shape_cast %select_n3A_1136 : vector<16xf32> to vector<1x16xf32>
      tpu.vector_store %arg7[%swap3A_1138, %swap3A_1139], %swap3A_1142 {strides = array<i32>} : memref<8x128xf32, #tpu.memory_space<vmem>>, vector<1x16xf32>,
      %sub3A_1143 = arith.constant 1 : i32
      %sub3A_1144 = vector.broadcast %sub3A_1143 : i32 to vector<16xi32>
      %sub3A_1145 = arith.subi %get3A_1128, %sub3A_1144 : vector<16xi32>
      %max3A_1146 = arith.constant 0 : i32
      %max3A_1147 = vector.broadcast %max3A_1146 : i32 to vector<16xi32>
      %max3A_1148 = arith.maxsi %sub3A_1145, %max3A_1147 : vector<16xi32>
      %swap3A_1149 = arith.constant 4 : i32
      %swap3A_1150 = arith.index_cast %swap3A_1149 : i32 to index
      %swap3A_1151 = arith.constant 64 : index
      %swap3A_1152 = tpu.vector_load %arg6[%swap3A_1150, %swap3A_1151] {strides = array<i32>} : memref<8x128xi32, #tpu.memory_space<vmem>>, vector<1x16xi32>,
      %swap3A_1153 = vector.shape_cast %swap3A_1152 : vector<1x16xi32> to vector<16xi32>
      %swap3A_1154 = vector.shape_cast %max3A_1148 : vector<16xi32> to vector<1x16xi32>
      tpu.vector_store %arg6[%swap3A_1150, %swap3A_1151], %swap3A_1154 {strides = array<i32>} : memref<8x128xi32, #tpu.memory_space<vmem>>, vector<1x16xi32>,
      %get3A_1155 = arith.constant 4 : i32
      %get3A_1156 = arith.index_cast %get3A_1155 : i32 to index
      %get3A_1157 = arith.constant 80 : index
      %get3A_1158 = tpu.vector_load %arg6[%get3A_1156, %get3A_1157] {strides = array<i32>} : memref<8x128xi32, #tpu.memory_space<vmem>>, vector<1x16xi32>,
      %get3A_1159 = vector.shape_cast %get3A_1158 : vector<1x16xi32> to vector<16xi32>
      %lt3A_1160 = arith.constant 1 : i32
      %lt3A_1161 = vector.broadcast %lt3A_1160 : i32 to vector<16xi32>
      %lt3A_1162 = arith.cmpi slt, %get3A_1159, %lt3A_1161 : vector<16xi32>
      %jit3A_1163 = arith.constant 1.000000e+00 : f32
      %jit3A_1164 = arith.constant 0.000000e+00 : f32
      %broadcast_in_dim3A_1165 = vector.broadcast %jit3A_1163 : f32 to vector<16xf32>
      %broadcast_in_dim3A_1166 = vector.broadcast %jit3A_1164 : f32 to vector<16xf32>
      %select_n3A_1167 = arith.select %lt3A_1162, %broadcast_in_dim3A_1165, %broadcast_in_dim3A_1166 : vector<16xi1>, vector<16xf32>
      %swap3A_1168 = arith.constant 4 : i32
      %swap3A_1169 = arith.index_cast %swap3A_1168 : i32 to index
      %swap3A_1170 = arith.constant 80 : index
      %swap3A_1171 = tpu.vector_load %arg7[%swap3A_1169, %swap3A_1170] {strides = array<i32>} : memref<8x128xf32, #tpu.memory_space<vmem>>, vector<1x16xf32>,
      %swap3A_1172 = vector.shape_cast %swap3A_1171 : vector<1x16xf32> to vector<16xf32>
      %swap3A_1173 = vector.shape_cast %select_n3A_1167 : vector<16xf32> to vector<1x16xf32>
      tpu.vector_store %arg7[%swap3A_1169, %swap3A_1170], %swap3A_1173 {strides = array<i32>} : memref<8x128xf32, #tpu.memory_space<vmem>>, vector<1x16xf32>,
      %sub3A_1174 = arith.constant 1 : i32
      %sub3A_1175 = vector.broadcast %sub3A_1174 : i32 to vector<16xi32>
      %sub3A_1176 = arith.subi %get3A_1159, %sub3A_1175 : vector<16xi32>
      %max3A_1177 = arith.constant 0 : i32
      %max3A_1178 = vector.broadcast %max3A_1177 : i32 to vector<16xi32>
      %max3A_1179 = arith.maxsi %sub3A_1176, %max3A_1178 : vector<16xi32>
      %swap3A_1180 = arith.constant 4 : i32
      %swap3A_1181 = arith.index_cast %swap3A_1180 : i32 to index
      %swap3A_1182 = arith.constant 80 : index
      %swap3A_1183 = tpu.vector_load %arg6[%swap3A_1181, %swap3A_1182] {strides = array<i32>} : memref<8x128xi32, #tpu.memory_space<vmem>>, vector<1x16xi32>,
      %swap3A_1184 = vector.shape_cast %swap3A_1183 : vector<1x16xi32> to vector<16xi32>
      %swap3A_1185 = vector.shape_cast %max3A_1179 : vector<16xi32> to vector<1x16xi32>
      tpu.vector_store %arg6[%swap3A_1181, %swap3A_1182], %swap3A_1185 {strides = array<i32>} : memref<8x128xi32, #tpu.memory_space<vmem>>, vector<1x16xi32>,
      %get3A_1186 = arith.constant 4 : i32
      %get3A_1187 = arith.index_cast %get3A_1186 : i32 to index
      %get3A_1188 = arith.constant 96 : index
      %get3A_1189 = tpu.vector_load %arg6[%get3A_1187, %get3A_1188] {strides = array<i32>} : memref<8x128xi32, #tpu.memory_space<vmem>>, vector<1x16xi32>,
      %get3A_1190 = vector.shape_cast %get3A_1189 : vector<1x16xi32> to vector<16xi32>
      %lt3A_1191 = arith.constant 1 : i32
      %lt3A_1192 = vector.broadcast %lt3A_1191 : i32 to vector<16xi32>
      %lt3A_1193 = arith.cmpi slt, %get3A_1190, %lt3A_1192 : vector<16xi32>
      %jit3A_1194 = arith.constant 1.000000e+00 : f32
      %jit3A_1195 = arith.constant 0.000000e+00 : f32
      %broadcast_in_dim3A_1196 = vector.broadcast %jit3A_1194 : f32 to vector<16xf32>
      %broadcast_in_dim3A_1197 = vector.broadcast %jit3A_1195 : f32 to vector<16xf32>
      %select_n3A_1198 = arith.select %lt3A_1193, %broadcast_in_dim3A_1196, %broadcast_in_dim3A_1197 : vector<16xi1>, vector<16xf32>
      %swap3A_1199 = arith.constant 4 : i32
      %swap3A_1200 = arith.index_cast %swap3A_1199 : i32 to index
      %swap3A_1201 = arith.constant 96 : index
      %swap3A_1202 = tpu.vector_load %arg7[%swap3A_1200, %swap3A_1201] {strides = array<i32>} : memref<8x128xf32, #tpu.memory_space<vmem>>, vector<1x16xf32>,
      %swap3A_1203 = vector.shape_cast %swap3A_1202 : vector<1x16xf32> to vector<16xf32>
      %swap3A_1204 = vector.shape_cast %select_n3A_1198 : vector<16xf32> to vector<1x16xf32>
      tpu.vector_store %arg7[%swap3A_1200, %swap3A_1201], %swap3A_1204 {strides = array<i32>} : memref<8x128xf32, #tpu.memory_space<vmem>>, vector<1x16xf32>,
      %sub3A_1205 = arith.constant 1 : i32
      %sub3A_1206 = vector.broadcast %sub3A_1205 : i32 to vector<16xi32>
      %sub3A_1207 = arith.subi %get3A_1190, %sub3A_1206 : vector<16xi32>
      %max3A_1208 = arith.constant 0 : i32
      %max3A_1209 = vector.broadcast %max3A_1208 : i32 to vector<16xi32>
      %max3A_1210 = arith.maxsi %sub3A_1207, %max3A_1209 : vector<16xi32>
      %swap3A_1211 = arith.constant 4 : i32
      %swap3A_1212 = arith.index_cast %swap3A_1211 : i32 to index
      %swap3A_1213 = arith.constant 96 : index
      %swap3A_1214 = tpu.vector_load %arg6[%swap3A_1212, %swap3A_1213] {strides = array<i32>} : memref<8x128xi32, #tpu.memory_space<vmem>>, vector<1x16xi32>,
      %swap3A_1215 = vector.shape_cast %swap3A_1214 : vector<1x16xi32> to vector<16xi32>
      %swap3A_1216 = vector.shape_cast %max3A_1210 : vector<16xi32> to vector<1x16xi32>
      tpu.vector_store %arg6[%swap3A_1212, %swap3A_1213], %swap3A_1216 {strides = array<i32>} : memref<8x128xi32, #tpu.memory_space<vmem>>, vector<1x16xi32>,
      %get3A_1217 = arith.constant 4 : i32
      %get3A_1218 = arith.index_cast %get3A_1217 : i32 to index
      %get3A_1219 = arith.constant 112 : index
      %get3A_1220 = tpu.vector_load %arg6[%get3A_1218, %get3A_1219] {strides = array<i32>} : memref<8x128xi32, #tpu.memory_space<vmem>>, vector<1x16xi32>,
      %get3A_1221 = vector.shape_cast %get3A_1220 : vector<1x16xi32> to vector<16xi32>
      %lt3A_1222 = arith.constant 1 : i32
      %lt3A_1223 = vector.broadcast %lt3A_1222 : i32 to vector<16xi32>
      %lt3A_1224 = arith.cmpi slt, %get3A_1221, %lt3A_1223 : vector<16xi32>
      %jit3A_1225 = arith.constant 1.000000e+00 : f32
      %jit3A_1226 = arith.constant 0.000000e+00 : f32
      %broadcast_in_dim3A_1227 = vector.broadcast %jit3A_1225 : f32 to vector<16xf32>
      %broadcast_in_dim3A_1228 = vector.broadcast %jit3A_1226 : f32 to vector<16xf32>
      %select_n3A_1229 = arith.select %lt3A_1224, %broadcast_in_dim3A_1227, %broadcast_in_dim3A_1228 : vector<16xi1>, vector<16xf32>
      %swap3A_1230 = arith.constant 4 : i32
      %swap3A_1231 = arith.index_cast %swap3A_1230 : i32 to index
      %swap3A_1232 = arith.constant 112 : index
      %swap3A_1233 = tpu.vector_load %arg7[%swap3A_1231, %swap3A_1232] {strides = array<i32>} : memref<8x128xf32, #tpu.memory_space<vmem>>, vector<1x16xf32>,
      %swap3A_1234 = vector.shape_cast %swap3A_1233 : vector<1x16xf32> to vector<16xf32>
      %swap3A_1235 = vector.shape_cast %select_n3A_1229 : vector<16xf32> to vector<1x16xf32>
      tpu.vector_store %arg7[%swap3A_1231, %swap3A_1232], %swap3A_1235 {strides = array<i32>} : memref<8x128xf32, #tpu.memory_space<vmem>>, vector<1x16xf32>,
      %sub3A_1236 = arith.constant 1 : i32
      %sub3A_1237 = vector.broadcast %sub3A_1236 : i32 to vector<16xi32>
      %sub3A_1238 = arith.subi %get3A_1221, %sub3A_1237 : vector<16xi32>
      %max3A_1239 = arith.constant 0 : i32
      %max3A_1240 = vector.broadcast %max3A_1239 : i32 to vector<16xi32>
      %max3A_1241 = arith.maxsi %sub3A_1238, %max3A_1240 : vector<16xi32>
      %swap3A_1242 = arith.constant 4 : i32
      %swap3A_1243 = arith.index_cast %swap3A_1242 : i32 to index
      %swap3A_1244 = arith.constant 112 : index
      %swap3A_1245 = tpu.vector_load %arg6[%swap3A_1243, %swap3A_1244] {strides = array<i32>} : memref<8x128xi32, #tpu.memory_space<vmem>>, vector<1x16xi32>,
      %swap3A_1246 = vector.shape_cast %swap3A_1245 : vector<1x16xi32> to vector<16xi32>
      %swap3A_1247 = vector.shape_cast %max3A_1241 : vector<16xi32> to vector<1x16xi32>
      tpu.vector_store %arg6[%swap3A_1243, %swap3A_1244], %swap3A_1247 {strides = array<i32>} : memref<8x128xi32, #tpu.memory_space<vmem>>, vector<1x16xi32>,
      %get3A_1248 = arith.constant 5 : i32
      %get3A_1249 = arith.index_cast %get3A_1248 : i32 to index
      %get3A_1250 = arith.constant 0 : index
      %get3A_1251 = tpu.vector_load %arg6[%get3A_1249, %get3A_1250] {strides = array<i32>} : memref<8x128xi32, #tpu.memory_space<vmem>>, vector<1x16xi32>,
      %get3A_1252 = vector.shape_cast %get3A_1251 : vector<1x16xi32> to vector<16xi32>
      %lt3A_1253 = arith.constant 1 : i32
      %lt3A_1254 = vector.broadcast %lt3A_1253 : i32 to vector<16xi32>
      %lt3A_1255 = arith.cmpi slt, %get3A_1252, %lt3A_1254 : vector<16xi32>
      %jit3A_1256 = arith.constant 1.000000e+00 : f32
      %jit3A_1257 = arith.constant 0.000000e+00 : f32
      %broadcast_in_dim3A_1258 = vector.broadcast %jit3A_1256 : f32 to vector<16xf32>
      %broadcast_in_dim3A_1259 = vector.broadcast %jit3A_1257 : f32 to vector<16xf32>
      %select_n3A_1260 = arith.select %lt3A_1255, %broadcast_in_dim3A_1258, %broadcast_in_dim3A_1259 : vector<16xi1>, vector<16xf32>
      %swap3A_1261 = arith.constant 5 : i32
      %swap3A_1262 = arith.index_cast %swap3A_1261 : i32 to index
      %swap3A_1263 = arith.constant 0 : index
      %swap3A_1264 = tpu.vector_load %arg7[%swap3A_1262, %swap3A_1263] {strides = array<i32>} : memref<8x128xf32, #tpu.memory_space<vmem>>, vector<1x16xf32>,
      %swap3A_1265 = vector.shape_cast %swap3A_1264 : vector<1x16xf32> to vector<16xf32>
      %swap3A_1266 = vector.shape_cast %select_n3A_1260 : vector<16xf32> to vector<1x16xf32>
      tpu.vector_store %arg7[%swap3A_1262, %swap3A_1263], %swap3A_1266 {strides = array<i32>} : memref<8x128xf32, #tpu.memory_space<vmem>>, vector<1x16xf32>,
      %sub3A_1267 = arith.constant 1 : i32
      %sub3A_1268 = vector.broadcast %sub3A_1267 : i32 to vector<16xi32>
      %sub3A_1269 = arith.subi %get3A_1252, %sub3A_1268 : vector<16xi32>
      %max3A_1270 = arith.constant 0 : i32
      %max3A_1271 = vector.broadcast %max3A_1270 : i32 to vector<16xi32>
      %max3A_1272 = arith.maxsi %sub3A_1269, %max3A_1271 : vector<16xi32>
      %swap3A_1273 = arith.constant 5 : i32
      %swap3A_1274 = arith.index_cast %swap3A_1273 : i32 to index
      %swap3A_1275 = arith.constant 0 : index
      %swap3A_1276 = tpu.vector_load %arg6[%swap3A_1274, %swap3A_1275] {strides = array<i32>} : memref<8x128xi32, #tpu.memory_space<vmem>>, vector<1x16xi32>,
      %swap3A_1277 = vector.shape_cast %swap3A_1276 : vector<1x16xi32> to vector<16xi32>
      %swap3A_1278 = vector.shape_cast %max3A_1272 : vector<16xi32> to vector<1x16xi32>
      tpu.vector_store %arg6[%swap3A_1274, %swap3A_1275], %swap3A_1278 {strides = array<i32>} : memref<8x128xi32, #tpu.memory_space<vmem>>, vector<1x16xi32>,
      %get3A_1279 = arith.constant 5 : i32
      %get3A_1280 = arith.index_cast %get3A_1279 : i32 to index
      %get3A_1281 = arith.constant 16 : index
      %get3A_1282 = tpu.vector_load %arg6[%get3A_1280, %get3A_1281] {strides = array<i32>} : memref<8x128xi32, #tpu.memory_space<vmem>>, vector<1x16xi32>,
      %get3A_1283 = vector.shape_cast %get3A_1282 : vector<1x16xi32> to vector<16xi32>
      %lt3A_1284 = arith.constant 1 : i32
      %lt3A_1285 = vector.broadcast %lt3A_1284 : i32 to vector<16xi32>
      %lt3A_1286 = arith.cmpi slt, %get3A_1283, %lt3A_1285 : vector<16xi32>
      %jit3A_1287 = arith.constant 1.000000e+00 : f32
      %jit3A_1288 = arith.constant 0.000000e+00 : f32
      %broadcast_in_dim3A_1289 = vector.broadcast %jit3A_1287 : f32 to vector<16xf32>
      %broadcast_in_dim3A_1290 = vector.broadcast %jit3A_1288 : f32 to vector<16xf32>
      %select_n3A_1291 = arith.select %lt3A_1286, %broadcast_in_dim3A_1289, %broadcast_in_dim3A_1290 : vector<16xi1>, vector<16xf32>
      %swap3A_1292 = arith.constant 5 : i32
      %swap3A_1293 = arith.index_cast %swap3A_1292 : i32 to index
      %swap3A_1294 = arith.constant 16 : index
      %swap3A_1295 = tpu.vector_load %arg7[%swap3A_1293, %swap3A_1294] {strides = array<i32>} : memref<8x128xf32, #tpu.memory_space<vmem>>, vector<1x16xf32>,
      %swap3A_1296 = vector.shape_cast %swap3A_1295 : vector<1x16xf32> to vector<16xf32>
      %swap3A_1297 = vector.shape_cast %select_n3A_1291 : vector<16xf32> to vector<1x16xf32>
      tpu.vector_store %arg7[%swap3A_1293, %swap3A_1294], %swap3A_1297 {strides = array<i32>} : memref<8x128xf32, #tpu.memory_space<vmem>>, vector<1x16xf32>,
      %sub3A_1298 = arith.constant 1 : i32
      %sub3A_1299 = vector.broadcast %sub3A_1298 : i32 to vector<16xi32>
      %sub3A_1300 = arith.subi %get3A_1283, %sub3A_1299 : vector<16xi32>
      %max3A_1301 = arith.constant 0 : i32
      %max3A_1302 = vector.broadcast %max3A_1301 : i32 to vector<16xi32>
      %max3A_1303 = arith.maxsi %sub3A_1300, %max3A_1302 : vector<16xi32>
      %swap3A_1304 = arith.constant 5 : i32
      %swap3A_1305 = arith.index_cast %swap3A_1304 : i32 to index
      %swap3A_1306 = arith.constant 16 : index
      %swap3A_1307 = tpu.vector_load %arg6[%swap3A_1305, %swap3A_1306] {strides = array<i32>} : memref<8x128xi32, #tpu.memory_space<vmem>>, vector<1x16xi32>,
      %swap3A_1308 = vector.shape_cast %swap3A_1307 : vector<1x16xi32> to vector<16xi32>
      %swap3A_1309 = vector.shape_cast %max3A_1303 : vector<16xi32> to vector<1x16xi32>
      tpu.vector_store %arg6[%swap3A_1305, %swap3A_1306], %swap3A_1309 {strides = array<i32>} : memref<8x128xi32, #tpu.memory_space<vmem>>, vector<1x16xi32>,
      %get3A_1310 = arith.constant 5 : i32
      %get3A_1311 = arith.index_cast %get3A_1310 : i32 to index
      %get3A_1312 = arith.constant 32 : index
      %get3A_1313 = tpu.vector_load %arg6[%get3A_1311, %get3A_1312] {strides = array<i32>} : memref<8x128xi32, #tpu.memory_space<vmem>>, vector<1x16xi32>,
      %get3A_1314 = vector.shape_cast %get3A_1313 : vector<1x16xi32> to vector<16xi32>
      %lt3A_1315 = arith.constant 1 : i32
      %lt3A_1316 = vector.broadcast %lt3A_1315 : i32 to vector<16xi32>
      %lt3A_1317 = arith.cmpi slt, %get3A_1314, %lt3A_1316 : vector<16xi32>
      %jit3A_1318 = arith.constant 1.000000e+00 : f32
      %jit3A_1319 = arith.constant 0.000000e+00 : f32
      %broadcast_in_dim3A_1320 = vector.broadcast %jit3A_1318 : f32 to vector<16xf32>
      %broadcast_in_dim3A_1321 = vector.broadcast %jit3A_1319 : f32 to vector<16xf32>
      %select_n3A_1322 = arith.select %lt3A_1317, %broadcast_in_dim3A_1320, %broadcast_in_dim3A_1321 : vector<16xi1>, vector<16xf32>
      %swap3A_1323 = arith.constant 5 : i32
      %swap3A_1324 = arith.index_cast %swap3A_1323 : i32 to index
      %swap3A_1325 = arith.constant 32 : index
      %swap3A_1326 = tpu.vector_load %arg7[%swap3A_1324, %swap3A_1325] {strides = array<i32>} : memref<8x128xf32, #tpu.memory_space<vmem>>, vector<1x16xf32>,
      %swap3A_1327 = vector.shape_cast %swap3A_1326 : vector<1x16xf32> to vector<16xf32>
      %swap3A_1328 = vector.shape_cast %select_n3A_1322 : vector<16xf32> to vector<1x16xf32>
      tpu.vector_store %arg7[%swap3A_1324, %swap3A_1325], %swap3A_1328 {strides = array<i32>} : memref<8x128xf32, #tpu.memory_space<vmem>>, vector<1x16xf32>,
      %sub3A_1329 = arith.constant 1 : i32
      %sub3A_1330 = vector.broadcast %sub3A_1329 : i32 to vector<16xi32>
      %sub3A_1331 = arith.subi %get3A_1314, %sub3A_1330 : vector<16xi32>
      %max3A_1332 = arith.constant 0 : i32
      %max3A_1333 = vector.broadcast %max3A_1332 : i32 to vector<16xi32>
      %max3A_1334 = arith.maxsi %sub3A_1331, %max3A_1333 : vector<16xi32>
      %swap3A_1335 = arith.constant 5 : i32
      %swap3A_1336 = arith.index_cast %swap3A_1335 : i32 to index
      %swap3A_1337 = arith.constant 32 : index
      %swap3A_1338 = tpu.vector_load %arg6[%swap3A_1336, %swap3A_1337] {strides = array<i32>} : memref<8x128xi32, #tpu.memory_space<vmem>>, vector<1x16xi32>,
      %swap3A_1339 = vector.shape_cast %swap3A_1338 : vector<1x16xi32> to vector<16xi32>
      %swap3A_1340 = vector.shape_cast %max3A_1334 : vector<16xi32> to vector<1x16xi32>
      tpu.vector_store %arg6[%swap3A_1336, %swap3A_1337], %swap3A_1340 {strides = array<i32>} : memref<8x128xi32, #tpu.memory_space<vmem>>, vector<1x16xi32>,
      %get3A_1341 = arith.constant 5 : i32
      %get3A_1342 = arith.index_cast %get3A_1341 : i32 to index
      %get3A_1343 = arith.constant 48 : index
      %get3A_1344 = tpu.vector_load %arg6[%get3A_1342, %get3A_1343] {strides = array<i32>} : memref<8x128xi32, #tpu.memory_space<vmem>>, vector<1x16xi32>,
      %get3A_1345 = vector.shape_cast %get3A_1344 : vector<1x16xi32> to vector<16xi32>
      %lt3A_1346 = arith.constant 1 : i32
      %lt3A_1347 = vector.broadcast %lt3A_1346 : i32 to vector<16xi32>
      %lt3A_1348 = arith.cmpi slt, %get3A_1345, %lt3A_1347 : vector<16xi32>
      %jit3A_1349 = arith.constant 1.000000e+00 : f32
      %jit3A_1350 = arith.constant 0.000000e+00 : f32
      %broadcast_in_dim3A_1351 = vector.broadcast %jit3A_1349 : f32 to vector<16xf32>
      %broadcast_in_dim3A_1352 = vector.broadcast %jit3A_1350 : f32 to vector<16xf32>
      %select_n3A_1353 = arith.select %lt3A_1348, %broadcast_in_dim3A_1351, %broadcast_in_dim3A_1352 : vector<16xi1>, vector<16xf32>
      %swap3A_1354 = arith.constant 5 : i32
      %swap3A_1355 = arith.index_cast %swap3A_1354 : i32 to index
      %swap3A_1356 = arith.constant 48 : index
      %swap3A_1357 = tpu.vector_load %arg7[%swap3A_1355, %swap3A_1356] {strides = array<i32>} : memref<8x128xf32, #tpu.memory_space<vmem>>, vector<1x16xf32>,
      %swap3A_1358 = vector.shape_cast %swap3A_1357 : vector<1x16xf32> to vector<16xf32>
      %swap3A_1359 = vector.shape_cast %select_n3A_1353 : vector<16xf32> to vector<1x16xf32>
      tpu.vector_store %arg7[%swap3A_1355, %swap3A_1356], %swap3A_1359 {strides = array<i32>} : memref<8x128xf32, #tpu.memory_space<vmem>>, vector<1x16xf32>,
      %sub3A_1360 = arith.constant 1 : i32
      %sub3A_1361 = vector.broadcast %sub3A_1360 : i32 to vector<16xi32>
      %sub3A_1362 = arith.subi %get3A_1345, %sub3A_1361 : vector<16xi32>
      %max3A_1363 = arith.constant 0 : i32
      %max3A_1364 = vector.broadcast %max3A_1363 : i32 to vector<16xi32>
      %max3A_1365 = arith.maxsi %sub3A_1362, %max3A_1364 : vector<16xi32>
      %swap3A_1366 = arith.constant 5 : i32
      %swap3A_1367 = arith.index_cast %swap3A_1366 : i32 to index
      %swap3A_1368 = arith.constant 48 : index
      %swap3A_1369 = tpu.vector_load %arg6[%swap3A_1367, %swap3A_1368] {strides = array<i32>} : memref<8x128xi32, #tpu.memory_space<vmem>>, vector<1x16xi32>,
      %swap3A_1370 = vector.shape_cast %swap3A_1369 : vector<1x16xi32> to vector<16xi32>
      %swap3A_1371 = vector.shape_cast %max3A_1365 : vector<16xi32> to vector<1x16xi32>
      tpu.vector_store %arg6[%swap3A_1367, %swap3A_1368], %swap3A_1371 {strides = array<i32>} : memref<8x128xi32, #tpu.memory_space<vmem>>, vector<1x16xi32>,
      %get3A_1372 = arith.constant 5 : i32
      %get3A_1373 = arith.index_cast %get3A_1372 : i32 to index
      %get3A_1374 = arith.constant 64 : index
      %get3A_1375 = tpu.vector_load %arg6[%get3A_1373, %get3A_1374] {strides = array<i32>} : memref<8x128xi32, #tpu.memory_space<vmem>>, vector<1x16xi32>,
      %get3A_1376 = vector.shape_cast %get3A_1375 : vector<1x16xi32> to vector<16xi32>
      %lt3A_1377 = arith.constant 1 : i32
      %lt3A_1378 = vector.broadcast %lt3A_1377 : i32 to vector<16xi32>
      %lt3A_1379 = arith.cmpi slt, %get3A_1376, %lt3A_1378 : vector<16xi32>
      %jit3A_1380 = arith.constant 1.000000e+00 : f32
      %jit3A_1381 = arith.constant 0.000000e+00 : f32
      %broadcast_in_dim3A_1382 = vector.broadcast %jit3A_1380 : f32 to vector<16xf32>
      %broadcast_in_dim3A_1383 = vector.broadcast %jit3A_1381 : f32 to vector<16xf32>
      %select_n3A_1384 = arith.select %lt3A_1379, %broadcast_in_dim3A_1382, %broadcast_in_dim3A_1383 : vector<16xi1>, vector<16xf32>
      %swap3A_1385 = arith.constant 5 : i32
      %swap3A_1386 = arith.index_cast %swap3A_1385 : i32 to index
      %swap3A_1387 = arith.constant 64 : index
      %swap3A_1388 = tpu.vector_load %arg7[%swap3A_1386, %swap3A_1387] {strides = array<i32>} : memref<8x128xf32, #tpu.memory_space<vmem>>, vector<1x16xf32>,
      %swap3A_1389 = vector.shape_cast %swap3A_1388 : vector<1x16xf32> to vector<16xf32>
      %swap3A_1390 = vector.shape_cast %select_n3A_1384 : vector<16xf32> to vector<1x16xf32>
      tpu.vector_store %arg7[%swap3A_1386, %swap3A_1387], %swap3A_1390 {strides = array<i32>} : memref<8x128xf32, #tpu.memory_space<vmem>>, vector<1x16xf32>,
      %sub3A_1391 = arith.constant 1 : i32
      %sub3A_1392 = vector.broadcast %sub3A_1391 : i32 to vector<16xi32>
      %sub3A_1393 = arith.subi %get3A_1376, %sub3A_1392 : vector<16xi32>
      %max3A_1394 = arith.constant 0 : i32
      %max3A_1395 = vector.broadcast %max3A_1394 : i32 to vector<16xi32>
      %max3A_1396 = arith.maxsi %sub3A_1393, %max3A_1395 : vector<16xi32>
      %swap3A_1397 = arith.constant 5 : i32
      %swap3A_1398 = arith.index_cast %swap3A_1397 : i32 to index
      %swap3A_1399 = arith.constant 64 : index
      %swap3A_1400 = tpu.vector_load %arg6[%swap3A_1398, %swap3A_1399] {strides = array<i32>} : memref<8x128xi32, #tpu.memory_space<vmem>>, vector<1x16xi32>,
      %swap3A_1401 = vector.shape_cast %swap3A_1400 : vector<1x16xi32> to vector<16xi32>
      %swap3A_1402 = vector.shape_cast %max3A_1396 : vector<16xi32> to vector<1x16xi32>
      tpu.vector_store %arg6[%swap3A_1398, %swap3A_1399], %swap3A_1402 {strides = array<i32>} : memref<8x128xi32, #tpu.memory_space<vmem>>, vector<1x16xi32>,
      %get3A_1403 = arith.constant 5 : i32
      %get3A_1404 = arith.index_cast %get3A_1403 : i32 to index
      %get3A_1405 = arith.constant 80 : index
      %get3A_1406 = tpu.vector_load %arg6[%get3A_1404, %get3A_1405] {strides = array<i32>} : memref<8x128xi32, #tpu.memory_space<vmem>>, vector<1x16xi32>,
      %get3A_1407 = vector.shape_cast %get3A_1406 : vector<1x16xi32> to vector<16xi32>
      %lt3A_1408 = arith.constant 1 : i32
      %lt3A_1409 = vector.broadcast %lt3A_1408 : i32 to vector<16xi32>
      %lt3A_1410 = arith.cmpi slt, %get3A_1407, %lt3A_1409 : vector<16xi32>
      %jit3A_1411 = arith.constant 1.000000e+00 : f32
      %jit3A_1412 = arith.constant 0.000000e+00 : f32
      %broadcast_in_dim3A_1413 = vector.broadcast %jit3A_1411 : f32 to vector<16xf32>
      %broadcast_in_dim3A_1414 = vector.broadcast %jit3A_1412 : f32 to vector<16xf32>
      %select_n3A_1415 = arith.select %lt3A_1410, %broadcast_in_dim3A_1413, %broadcast_in_dim3A_1414 : vector<16xi1>, vector<16xf32>
      %swap3A_1416 = arith.constant 5 : i32
      %swap3A_1417 = arith.index_cast %swap3A_1416 : i32 to index
      %swap3A_1418 = arith.constant 80 : index
      %swap3A_1419 = tpu.vector_load %arg7[%swap3A_1417, %swap3A_1418] {strides = array<i32>} : memref<8x128xf32, #tpu.memory_space<vmem>>, vector<1x16xf32>,
      %swap3A_1420 = vector.shape_cast %swap3A_1419 : vector<1x16xf32> to vector<16xf32>
      %swap3A_1421 = vector.shape_cast %select_n3A_1415 : vector<16xf32> to vector<1x16xf32>
      tpu.vector_store %arg7[%swap3A_1417, %swap3A_1418], %swap3A_1421 {strides = array<i32>} : memref<8x128xf32, #tpu.memory_space<vmem>>, vector<1x16xf32>,
      %sub3A_1422 = arith.constant 1 : i32
      %sub3A_1423 = vector.broadcast %sub3A_1422 : i32 to vector<16xi32>
      %sub3A_1424 = arith.subi %get3A_1407, %sub3A_1423 : vector<16xi32>
      %max3A_1425 = arith.constant 0 : i32
      %max3A_1426 = vector.broadcast %max3A_1425 : i32 to vector<16xi32>
      %max3A_1427 = arith.maxsi %sub3A_1424, %max3A_1426 : vector<16xi32>
      %swap3A_1428 = arith.constant 5 : i32
      %swap3A_1429 = arith.index_cast %swap3A_1428 : i32 to index
      %swap3A_1430 = arith.constant 80 : index
      %swap3A_1431 = tpu.vector_load %arg6[%swap3A_1429, %swap3A_1430] {strides = array<i32>} : memref<8x128xi32, #tpu.memory_space<vmem>>, vector<1x16xi32>,
      %swap3A_1432 = vector.shape_cast %swap3A_1431 : vector<1x16xi32> to vector<16xi32>
      %swap3A_1433 = vector.shape_cast %max3A_1427 : vector<16xi32> to vector<1x16xi32>
      tpu.vector_store %arg6[%swap3A_1429, %swap3A_1430], %swap3A_1433 {strides = array<i32>} : memref<8x128xi32, #tpu.memory_space<vmem>>, vector<1x16xi32>,
      %get3A_1434 = arith.constant 5 : i32
      %get3A_1435 = arith.index_cast %get3A_1434 : i32 to index
      %get3A_1436 = arith.constant 96 : index
      %get3A_1437 = tpu.vector_load %arg6[%get3A_1435, %get3A_1436] {strides = array<i32>} : memref<8x128xi32, #tpu.memory_space<vmem>>, vector<1x16xi32>,
      %get3A_1438 = vector.shape_cast %get3A_1437 : vector<1x16xi32> to vector<16xi32>
      %lt3A_1439 = arith.constant 1 : i32
      %lt3A_1440 = vector.broadcast %lt3A_1439 : i32 to vector<16xi32>
      %lt3A_1441 = arith.cmpi slt, %get3A_1438, %lt3A_1440 : vector<16xi32>
      %jit3A_1442 = arith.constant 1.000000e+00 : f32
      %jit3A_1443 = arith.constant 0.000000e+00 : f32
      %broadcast_in_dim3A_1444 = vector.broadcast %jit3A_1442 : f32 to vector<16xf32>
      %broadcast_in_dim3A_1445 = vector.broadcast %jit3A_1443 : f32 to vector<16xf32>
      %select_n3A_1446 = arith.select %lt3A_1441, %broadcast_in_dim3A_1444, %broadcast_in_dim3A_1445 : vector<16xi1>, vector<16xf32>
      %swap3A_1447 = arith.constant 5 : i32
      %swap3A_1448 = arith.index_cast %swap3A_1447 : i32 to index
      %swap3A_1449 = arith.constant 96 : index
      %swap3A_1450 = tpu.vector_load %arg7[%swap3A_1448, %swap3A_1449] {strides = array<i32>} : memref<8x128xf32, #tpu.memory_space<vmem>>, vector<1x16xf32>,
      %swap3A_1451 = vector.shape_cast %swap3A_1450 : vector<1x16xf32> to vector<16xf32>
      %swap3A_1452 = vector.shape_cast %select_n3A_1446 : vector<16xf32> to vector<1x16xf32>
      tpu.vector_store %arg7[%swap3A_1448, %swap3A_1449], %swap3A_1452 {strides = array<i32>} : memref<8x128xf32, #tpu.memory_space<vmem>>, vector<1x16xf32>,
      %sub3A_1453 = arith.constant 1 : i32
      %sub3A_1454 = vector.broadcast %sub3A_1453 : i32 to vector<16xi32>
      %sub3A_1455 = arith.subi %get3A_1438, %sub3A_1454 : vector<16xi32>
      %max3A_1456 = arith.constant 0 : i32
      %max3A_1457 = vector.broadcast %max3A_1456 : i32 to vector<16xi32>
      %max3A_1458 = arith.maxsi %sub3A_1455, %max3A_1457 : vector<16xi32>
      %swap3A_1459 = arith.constant 5 : i32
      %swap3A_1460 = arith.index_cast %swap3A_1459 : i32 to index
      %swap3A_1461 = arith.constant 96 : index
      %swap3A_1462 = tpu.vector_load %arg6[%swap3A_1460, %swap3A_1461] {strides = array<i32>} : memref<8x128xi32, #tpu.memory_space<vmem>>, vector<1x16xi32>,
      %swap3A_1463 = vector.shape_cast %swap3A_1462 : vector<1x16xi32> to vector<16xi32>
      %swap3A_1464 = vector.shape_cast %max3A_1458 : vector<16xi32> to vector<1x16xi32>
      tpu.vector_store %arg6[%swap3A_1460, %swap3A_1461], %swap3A_1464 {strides = array<i32>} : memref<8x128xi32, #tpu.memory_space<vmem>>, vector<1x16xi32>,
      %get3A_1465 = arith.constant 5 : i32
      %get3A_1466 = arith.index_cast %get3A_1465 : i32 to index
      %get3A_1467 = arith.constant 112 : index
      %get3A_1468 = tpu.vector_load %arg6[%get3A_1466, %get3A_1467] {strides = array<i32>} : memref<8x128xi32, #tpu.memory_space<vmem>>, vector<1x16xi32>,
      %get3A_1469 = vector.shape_cast %get3A_1468 : vector<1x16xi32> to vector<16xi32>
      %lt3A_1470 = arith.constant 1 : i32
      %lt3A_1471 = vector.broadcast %lt3A_1470 : i32 to vector<16xi32>
      %lt3A_1472 = arith.cmpi slt, %get3A_1469, %lt3A_1471 : vector<16xi32>
      %jit3A_1473 = arith.constant 1.000000e+00 : f32
      %jit3A_1474 = arith.constant 0.000000e+00 : f32
      %broadcast_in_dim3A_1475 = vector.broadcast %jit3A_1473 : f32 to vector<16xf32>
      %broadcast_in_dim3A_1476 = vector.broadcast %jit3A_1474 : f32 to vector<16xf32>
      %select_n3A_1477 = arith.select %lt3A_1472, %broadcast_in_dim3A_1475, %broadcast_in_dim3A_1476 : vector<16xi1>, vector<16xf32>
      %swap3A_1478 = arith.constant 5 : i32
      %swap3A_1479 = arith.index_cast %swap3A_1478 : i32 to index
      %swap3A_1480 = arith.constant 112 : index
      %swap3A_1481 = tpu.vector_load %arg7[%swap3A_1479, %swap3A_1480] {strides = array<i32>} : memref<8x128xf32, #tpu.memory_space<vmem>>, vector<1x16xf32>,
      %swap3A_1482 = vector.shape_cast %swap3A_1481 : vector<1x16xf32> to vector<16xf32>
      %swap3A_1483 = vector.shape_cast %select_n3A_1477 : vector<16xf32> to vector<1x16xf32>
      tpu.vector_store %arg7[%swap3A_1479, %swap3A_1480], %swap3A_1483 {strides = array<i32>} : memref<8x128xf32, #tpu.memory_space<vmem>>, vector<1x16xf32>,
      %sub3A_1484 = arith.constant 1 : i32
      %sub3A_1485 = vector.broadcast %sub3A_1484 : i32 to vector<16xi32>
      %sub3A_1486 = arith.subi %get3A_1469, %sub3A_1485 : vector<16xi32>
      %max3A_1487 = arith.constant 0 : i32
      %max3A_1488 = vector.broadcast %max3A_1487 : i32 to vector<16xi32>
      %max3A_1489 = arith.maxsi %sub3A_1486, %max3A_1488 : vector<16xi32>
      %swap3A_1490 = arith.constant 5 : i32
      %swap3A_1491 = arith.index_cast %swap3A_1490 : i32 to index
      %swap3A_1492 = arith.constant 112 : index
      %swap3A_1493 = tpu.vector_load %arg6[%swap3A_1491, %swap3A_1492] {strides = array<i32>} : memref<8x128xi32, #tpu.memory_space<vmem>>, vector<1x16xi32>,
      %swap3A_1494 = vector.shape_cast %swap3A_1493 : vector<1x16xi32> to vector<16xi32>
      %swap3A_1495 = vector.shape_cast %max3A_1489 : vector<16xi32> to vector<1x16xi32>
      tpu.vector_store %arg6[%swap3A_1491, %swap3A_1492], %swap3A_1495 {strides = array<i32>} : memref<8x128xi32, #tpu.memory_space<vmem>>, vector<1x16xi32>,
      %get3A_1496 = arith.constant 6 : i32
      %get3A_1497 = arith.index_cast %get3A_1496 : i32 to index
      %get3A_1498 = arith.constant 0 : index
      %get3A_1499 = tpu.vector_load %arg6[%get3A_1497, %get3A_1498] {strides = array<i32>} : memref<8x128xi32, #tpu.memory_space<vmem>>, vector<1x16xi32>,
      %get3A_1500 = vector.shape_cast %get3A_1499 : vector<1x16xi32> to vector<16xi32>
      %lt3A_1501 = arith.constant 1 : i32
      %lt3A_1502 = vector.broadcast %lt3A_1501 : i32 to vector<16xi32>
      %lt3A_1503 = arith.cmpi slt, %get3A_1500, %lt3A_1502 : vector<16xi32>
      %jit3A_1504 = arith.constant 1.000000e+00 : f32
      %jit3A_1505 = arith.constant 0.000000e+00 : f32
      %broadcast_in_dim3A_1506 = vector.broadcast %jit3A_1504 : f32 to vector<16xf32>
      %broadcast_in_dim3A_1507 = vector.broadcast %jit3A_1505 : f32 to vector<16xf32>
      %select_n3A_1508 = arith.select %lt3A_1503, %broadcast_in_dim3A_1506, %broadcast_in_dim3A_1507 : vector<16xi1>, vector<16xf32>
      %swap3A_1509 = arith.constant 6 : i32
      %swap3A_1510 = arith.index_cast %swap3A_1509 : i32 to index
      %swap3A_1511 = arith.constant 0 : index
      %swap3A_1512 = tpu.vector_load %arg7[%swap3A_1510, %swap3A_1511] {strides = array<i32>} : memref<8x128xf32, #tpu.memory_space<vmem>>, vector<1x16xf32>,
      %swap3A_1513 = vector.shape_cast %swap3A_1512 : vector<1x16xf32> to vector<16xf32>
      %swap3A_1514 = vector.shape_cast %select_n3A_1508 : vector<16xf32> to vector<1x16xf32>
      tpu.vector_store %arg7[%swap3A_1510, %swap3A_1511], %swap3A_1514 {strides = array<i32>} : memref<8x128xf32, #tpu.memory_space<vmem>>, vector<1x16xf32>,
      %sub3A_1515 = arith.constant 1 : i32
      %sub3A_1516 = vector.broadcast %sub3A_1515 : i32 to vector<16xi32>
      %sub3A_1517 = arith.subi %get3A_1500, %sub3A_1516 : vector<16xi32>
      %max3A_1518 = arith.constant 0 : i32
      %max3A_1519 = vector.broadcast %max3A_1518 : i32 to vector<16xi32>
      %max3A_1520 = arith.maxsi %sub3A_1517, %max3A_1519 : vector<16xi32>
      %swap3A_1521 = arith.constant 6 : i32
      %swap3A_1522 = arith.index_cast %swap3A_1521 : i32 to index
      %swap3A_1523 = arith.constant 0 : index
      %swap3A_1524 = tpu.vector_load %arg6[%swap3A_1522, %swap3A_1523] {strides = array<i32>} : memref<8x128xi32, #tpu.memory_space<vmem>>, vector<1x16xi32>,
      %swap3A_1525 = vector.shape_cast %swap3A_1524 : vector<1x16xi32> to vector<16xi32>
      %swap3A_1526 = vector.shape_cast %max3A_1520 : vector<16xi32> to vector<1x16xi32>
      tpu.vector_store %arg6[%swap3A_1522, %swap3A_1523], %swap3A_1526 {strides = array<i32>} : memref<8x128xi32, #tpu.memory_space<vmem>>, vector<1x16xi32>,
      %get3A_1527 = arith.constant 6 : i32
      %get3A_1528 = arith.index_cast %get3A_1527 : i32 to index
      %get3A_1529 = arith.constant 16 : index
      %get3A_1530 = tpu.vector_load %arg6[%get3A_1528, %get3A_1529] {strides = array<i32>} : memref<8x128xi32, #tpu.memory_space<vmem>>, vector<1x16xi32>,
      %get3A_1531 = vector.shape_cast %get3A_1530 : vector<1x16xi32> to vector<16xi32>
      %lt3A_1532 = arith.constant 1 : i32
      %lt3A_1533 = vector.broadcast %lt3A_1532 : i32 to vector<16xi32>
      %lt3A_1534 = arith.cmpi slt, %get3A_1531, %lt3A_1533 : vector<16xi32>
      %jit3A_1535 = arith.constant 1.000000e+00 : f32
      %jit3A_1536 = arith.constant 0.000000e+00 : f32
      %broadcast_in_dim3A_1537 = vector.broadcast %jit3A_1535 : f32 to vector<16xf32>
      %broadcast_in_dim3A_1538 = vector.broadcast %jit3A_1536 : f32 to vector<16xf32>
      %select_n3A_1539 = arith.select %lt3A_1534, %broadcast_in_dim3A_1537, %broadcast_in_dim3A_1538 : vector<16xi1>, vector<16xf32>
      %swap3A_1540 = arith.constant 6 : i32
      %swap3A_1541 = arith.index_cast %swap3A_1540 : i32 to index
      %swap3A_1542 = arith.constant 16 : index
      %swap3A_1543 = tpu.vector_load %arg7[%swap3A_1541, %swap3A_1542] {strides = array<i32>} : memref<8x128xf32, #tpu.memory_space<vmem>>, vector<1x16xf32>,
      %swap3A_1544 = vector.shape_cast %swap3A_1543 : vector<1x16xf32> to vector<16xf32>
      %swap3A_1545 = vector.shape_cast %select_n3A_1539 : vector<16xf32> to vector<1x16xf32>
      tpu.vector_store %arg7[%swap3A_1541, %swap3A_1542], %swap3A_1545 {strides = array<i32>} : memref<8x128xf32, #tpu.memory_space<vmem>>, vector<1x16xf32>,
      %sub3A_1546 = arith.constant 1 : i32
      %sub3A_1547 = vector.broadcast %sub3A_1546 : i32 to vector<16xi32>
      %sub3A_1548 = arith.subi %get3A_1531, %sub3A_1547 : vector<16xi32>
      %max3A_1549 = arith.constant 0 : i32
      %max3A_1550 = vector.broadcast %max3A_1549 : i32 to vector<16xi32>
      %max3A_1551 = arith.maxsi %sub3A_1548, %max3A_1550 : vector<16xi32>
      %swap3A_1552 = arith.constant 6 : i32
      %swap3A_1553 = arith.index_cast %swap3A_1552 : i32 to index
      %swap3A_1554 = arith.constant 16 : index
      %swap3A_1555 = tpu.vector_load %arg6[%swap3A_1553, %swap3A_1554] {strides = array<i32>} : memref<8x128xi32, #tpu.memory_space<vmem>>, vector<1x16xi32>,
      %swap3A_1556 = vector.shape_cast %swap3A_1555 : vector<1x16xi32> to vector<16xi32>
      %swap3A_1557 = vector.shape_cast %max3A_1551 : vector<16xi32> to vector<1x16xi32>
      tpu.vector_store %arg6[%swap3A_1553, %swap3A_1554], %swap3A_1557 {strides = array<i32>} : memref<8x128xi32, #tpu.memory_space<vmem>>, vector<1x16xi32>,
      %get3A_1558 = arith.constant 6 : i32
      %get3A_1559 = arith.index_cast %get3A_1558 : i32 to index
      %get3A_1560 = arith.constant 32 : index
      %get3A_1561 = tpu.vector_load %arg6[%get3A_1559, %get3A_1560] {strides = array<i32>} : memref<8x128xi32, #tpu.memory_space<vmem>>, vector<1x16xi32>,
      %get3A_1562 = vector.shape_cast %get3A_1561 : vector<1x16xi32> to vector<16xi32>
      %lt3A_1563 = arith.constant 1 : i32
      %lt3A_1564 = vector.broadcast %lt3A_1563 : i32 to vector<16xi32>
      %lt3A_1565 = arith.cmpi slt, %get3A_1562, %lt3A_1564 : vector<16xi32>
      %jit3A_1566 = arith.constant 1.000000e+00 : f32
      %jit3A_1567 = arith.constant 0.000000e+00 : f32
      %broadcast_in_dim3A_1568 = vector.broadcast %jit3A_1566 : f32 to vector<16xf32>
      %broadcast_in_dim3A_1569 = vector.broadcast %jit3A_1567 : f32 to vector<16xf32>
      %select_n3A_1570 = arith.select %lt3A_1565, %broadcast_in_dim3A_1568, %broadcast_in_dim3A_1569 : vector<16xi1>, vector<16xf32>
      %swap3A_1571 = arith.constant 6 : i32
      %swap3A_1572 = arith.index_cast %swap3A_1571 : i32 to index
      %swap3A_1573 = arith.constant 32 : index
      %swap3A_1574 = tpu.vector_load %arg7[%swap3A_1572, %swap3A_1573] {strides = array<i32>} : memref<8x128xf32, #tpu.memory_space<vmem>>, vector<1x16xf32>,
      %swap3A_1575 = vector.shape_cast %swap3A_1574 : vector<1x16xf32> to vector<16xf32>
      %swap3A_1576 = vector.shape_cast %select_n3A_1570 : vector<16xf32> to vector<1x16xf32>
      tpu.vector_store %arg7[%swap3A_1572, %swap3A_1573], %swap3A_1576 {strides = array<i32>} : memref<8x128xf32, #tpu.memory_space<vmem>>, vector<1x16xf32>,
      %sub3A_1577 = arith.constant 1 : i32
      %sub3A_1578 = vector.broadcast %sub3A_1577 : i32 to vector<16xi32>
      %sub3A_1579 = arith.subi %get3A_1562, %sub3A_1578 : vector<16xi32>
      %max3A_1580 = arith.constant 0 : i32
      %max3A_1581 = vector.broadcast %max3A_1580 : i32 to vector<16xi32>
      %max3A_1582 = arith.maxsi %sub3A_1579, %max3A_1581 : vector<16xi32>
      %swap3A_1583 = arith.constant 6 : i32
      %swap3A_1584 = arith.index_cast %swap3A_1583 : i32 to index
      %swap3A_1585 = arith.constant 32 : index
      %swap3A_1586 = tpu.vector_load %arg6[%swap3A_1584, %swap3A_1585] {strides = array<i32>} : memref<8x128xi32, #tpu.memory_space<vmem>>, vector<1x16xi32>,
      %swap3A_1587 = vector.shape_cast %swap3A_1586 : vector<1x16xi32> to vector<16xi32>
      %swap3A_1588 = vector.shape_cast %max3A_1582 : vector<16xi32> to vector<1x16xi32>
      tpu.vector_store %arg6[%swap3A_1584, %swap3A_1585], %swap3A_1588 {strides = array<i32>} : memref<8x128xi32, #tpu.memory_space<vmem>>, vector<1x16xi32>,
      %get3A_1589 = arith.constant 6 : i32
      %get3A_1590 = arith.index_cast %get3A_1589 : i32 to index
      %get3A_1591 = arith.constant 48 : index
      %get3A_1592 = tpu.vector_load %arg6[%get3A_1590, %get3A_1591] {strides = array<i32>} : memref<8x128xi32, #tpu.memory_space<vmem>>, vector<1x16xi32>,
      %get3A_1593 = vector.shape_cast %get3A_1592 : vector<1x16xi32> to vector<16xi32>
      %lt3A_1594 = arith.constant 1 : i32
      %lt3A_1595 = vector.broadcast %lt3A_1594 : i32 to vector<16xi32>
      %lt3A_1596 = arith.cmpi slt, %get3A_1593, %lt3A_1595 : vector<16xi32>
      %jit3A_1597 = arith.constant 1.000000e+00 : f32
      %jit3A_1598 = arith.constant 0.000000e+00 : f32
      %broadcast_in_dim3A_1599 = vector.broadcast %jit3A_1597 : f32 to vector<16xf32>
      %broadcast_in_dim3A_1600 = vector.broadcast %jit3A_1598 : f32 to vector<16xf32>
      %select_n3A_1601 = arith.select %lt3A_1596, %broadcast_in_dim3A_1599, %broadcast_in_dim3A_1600 : vector<16xi1>, vector<16xf32>
      %swap3A_1602 = arith.constant 6 : i32
      %swap3A_1603 = arith.index_cast %swap3A_1602 : i32 to index
      %swap3A_1604 = arith.constant 48 : index
      %swap3A_1605 = tpu.vector_load %arg7[%swap3A_1603, %swap3A_1604] {strides = array<i32>} : memref<8x128xf32, #tpu.memory_space<vmem>>, vector<1x16xf32>,
      %swap3A_1606 = vector.shape_cast %swap3A_1605 : vector<1x16xf32> to vector<16xf32>
      %swap3A_1607 = vector.shape_cast %select_n3A_1601 : vector<16xf32> to vector<1x16xf32>
      tpu.vector_store %arg7[%swap3A_1603, %swap3A_1604], %swap3A_1607 {strides = array<i32>} : memref<8x128xf32, #tpu.memory_space<vmem>>, vector<1x16xf32>,
      %sub3A_1608 = arith.constant 1 : i32
      %sub3A_1609 = vector.broadcast %sub3A_1608 : i32 to vector<16xi32>
      %sub3A_1610 = arith.subi %get3A_1593, %sub3A_1609 : vector<16xi32>
      %max3A_1611 = arith.constant 0 : i32
      %max3A_1612 = vector.broadcast %max3A_1611 : i32 to vector<16xi32>
      %max3A_1613 = arith.maxsi %sub3A_1610, %max3A_1612 : vector<16xi32>
      %swap3A_1614 = arith.constant 6 : i32
      %swap3A_1615 = arith.index_cast %swap3A_1614 : i32 to index
      %swap3A_1616 = arith.constant 48 : index
      %swap3A_1617 = tpu.vector_load %arg6[%swap3A_1615, %swap3A_1616] {strides = array<i32>} : memref<8x128xi32, #tpu.memory_space<vmem>>, vector<1x16xi32>,
      %swap3A_1618 = vector.shape_cast %swap3A_1617 : vector<1x16xi32> to vector<16xi32>
      %swap3A_1619 = vector.shape_cast %max3A_1613 : vector<16xi32> to vector<1x16xi32>
      tpu.vector_store %arg6[%swap3A_1615, %swap3A_1616], %swap3A_1619 {strides = array<i32>} : memref<8x128xi32, #tpu.memory_space<vmem>>, vector<1x16xi32>,
      %get3A_1620 = arith.constant 6 : i32
      %get3A_1621 = arith.index_cast %get3A_1620 : i32 to index
      %get3A_1622 = arith.constant 64 : index
      %get3A_1623 = tpu.vector_load %arg6[%get3A_1621, %get3A_1622] {strides = array<i32>} : memref<8x128xi32, #tpu.memory_space<vmem>>, vector<1x16xi32>,
      %get3A_1624 = vector.shape_cast %get3A_1623 : vector<1x16xi32> to vector<16xi32>
      %lt3A_1625 = arith.constant 1 : i32
      %lt3A_1626 = vector.broadcast %lt3A_1625 : i32 to vector<16xi32>
      %lt3A_1627 = arith.cmpi slt, %get3A_1624, %lt3A_1626 : vector<16xi32>
      %jit3A_1628 = arith.constant 1.000000e+00 : f32
      %jit3A_1629 = arith.constant 0.000000e+00 : f32
      %broadcast_in_dim3A_1630 = vector.broadcast %jit3A_1628 : f32 to vector<16xf32>
      %broadcast_in_dim3A_1631 = vector.broadcast %jit3A_1629 : f32 to vector<16xf32>
      %select_n3A_1632 = arith.select %lt3A_1627, %broadcast_in_dim3A_1630, %broadcast_in_dim3A_1631 : vector<16xi1>, vector<16xf32>
      %swap3A_1633 = arith.constant 6 : i32
      %swap3A_1634 = arith.index_cast %swap3A_1633 : i32 to index
      %swap3A_1635 = arith.constant 64 : index
      %swap3A_1636 = tpu.vector_load %arg7[%swap3A_1634, %swap3A_1635] {strides = array<i32>} : memref<8x128xf32, #tpu.memory_space<vmem>>, vector<1x16xf32>,
      %swap3A_1637 = vector.shape_cast %swap3A_1636 : vector<1x16xf32> to vector<16xf32>
      %swap3A_1638 = vector.shape_cast %select_n3A_1632 : vector<16xf32> to vector<1x16xf32>
      tpu.vector_store %arg7[%swap3A_1634, %swap3A_1635], %swap3A_1638 {strides = array<i32>} : memref<8x128xf32, #tpu.memory_space<vmem>>, vector<1x16xf32>,
      %sub3A_1639 = arith.constant 1 : i32
      %sub3A_1640 = vector.broadcast %sub3A_1639 : i32 to vector<16xi32>
      %sub3A_1641 = arith.subi %get3A_1624, %sub3A_1640 : vector<16xi32>
      %max3A_1642 = arith.constant 0 : i32
      %max3A_1643 = vector.broadcast %max3A_1642 : i32 to vector<16xi32>
      %max3A_1644 = arith.maxsi %sub3A_1641, %max3A_1643 : vector<16xi32>
      %swap3A_1645 = arith.constant 6 : i32
      %swap3A_1646 = arith.index_cast %swap3A_1645 : i32 to index
      %swap3A_1647 = arith.constant 64 : index
      %swap3A_1648 = tpu.vector_load %arg6[%swap3A_1646, %swap3A_1647] {strides = array<i32>} : memref<8x128xi32, #tpu.memory_space<vmem>>, vector<1x16xi32>,
      %swap3A_1649 = vector.shape_cast %swap3A_1648 : vector<1x16xi32> to vector<16xi32>
      %swap3A_1650 = vector.shape_cast %max3A_1644 : vector<16xi32> to vector<1x16xi32>
      tpu.vector_store %arg6[%swap3A_1646, %swap3A_1647], %swap3A_1650 {strides = array<i32>} : memref<8x128xi32, #tpu.memory_space<vmem>>, vector<1x16xi32>,
      %get3A_1651 = arith.constant 6 : i32
      %get3A_1652 = arith.index_cast %get3A_1651 : i32 to index
      %get3A_1653 = arith.constant 80 : index
      %get3A_1654 = tpu.vector_load %arg6[%get3A_1652, %get3A_1653] {strides = array<i32>} : memref<8x128xi32, #tpu.memory_space<vmem>>, vector<1x16xi32>,
      %get3A_1655 = vector.shape_cast %get3A_1654 : vector<1x16xi32> to vector<16xi32>
      %lt3A_1656 = arith.constant 1 : i32
      %lt3A_1657 = vector.broadcast %lt3A_1656 : i32 to vector<16xi32>
      %lt3A_1658 = arith.cmpi slt, %get3A_1655, %lt3A_1657 : vector<16xi32>
      %jit3A_1659 = arith.constant 1.000000e+00 : f32
      %jit3A_1660 = arith.constant 0.000000e+00 : f32
      %broadcast_in_dim3A_1661 = vector.broadcast %jit3A_1659 : f32 to vector<16xf32>
      %broadcast_in_dim3A_1662 = vector.broadcast %jit3A_1660 : f32 to vector<16xf32>
      %select_n3A_1663 = arith.select %lt3A_1658, %broadcast_in_dim3A_1661, %broadcast_in_dim3A_1662 : vector<16xi1>, vector<16xf32>
      %swap3A_1664 = arith.constant 6 : i32
      %swap3A_1665 = arith.index_cast %swap3A_1664 : i32 to index
      %swap3A_1666 = arith.constant 80 : index
      %swap3A_1667 = tpu.vector_load %arg7[%swap3A_1665, %swap3A_1666] {strides = array<i32>} : memref<8x128xf32, #tpu.memory_space<vmem>>, vector<1x16xf32>,
      %swap3A_1668 = vector.shape_cast %swap3A_1667 : vector<1x16xf32> to vector<16xf32>
      %swap3A_1669 = vector.shape_cast %select_n3A_1663 : vector<16xf32> to vector<1x16xf32>
      tpu.vector_store %arg7[%swap3A_1665, %swap3A_1666], %swap3A_1669 {strides = array<i32>} : memref<8x128xf32, #tpu.memory_space<vmem>>, vector<1x16xf32>,
      %sub3A_1670 = arith.constant 1 : i32
      %sub3A_1671 = vector.broadcast %sub3A_1670 : i32 to vector<16xi32>
      %sub3A_1672 = arith.subi %get3A_1655, %sub3A_1671 : vector<16xi32>
      %max3A_1673 = arith.constant 0 : i32
      %max3A_1674 = vector.broadcast %max3A_1673 : i32 to vector<16xi32>
      %max3A_1675 = arith.maxsi %sub3A_1672, %max3A_1674 : vector<16xi32>
      %swap3A_1676 = arith.constant 6 : i32
      %swap3A_1677 = arith.index_cast %swap3A_1676 : i32 to index
      %swap3A_1678 = arith.constant 80 : index
      %swap3A_1679 = tpu.vector_load %arg6[%swap3A_1677, %swap3A_1678] {strides = array<i32>} : memref<8x128xi32, #tpu.memory_space<vmem>>, vector<1x16xi32>,
      %swap3A_1680 = vector.shape_cast %swap3A_1679 : vector<1x16xi32> to vector<16xi32>
      %swap3A_1681 = vector.shape_cast %max3A_1675 : vector<16xi32> to vector<1x16xi32>
      tpu.vector_store %arg6[%swap3A_1677, %swap3A_1678], %swap3A_1681 {strides = array<i32>} : memref<8x128xi32, #tpu.memory_space<vmem>>, vector<1x16xi32>,
      %get3A_1682 = arith.constant 6 : i32
      %get3A_1683 = arith.index_cast %get3A_1682 : i32 to index
      %get3A_1684 = arith.constant 96 : index
      %get3A_1685 = tpu.vector_load %arg6[%get3A_1683, %get3A_1684] {strides = array<i32>} : memref<8x128xi32, #tpu.memory_space<vmem>>, vector<1x16xi32>,
      %get3A_1686 = vector.shape_cast %get3A_1685 : vector<1x16xi32> to vector<16xi32>
      %lt3A_1687 = arith.constant 1 : i32
      %lt3A_1688 = vector.broadcast %lt3A_1687 : i32 to vector<16xi32>
      %lt3A_1689 = arith.cmpi slt, %get3A_1686, %lt3A_1688 : vector<16xi32>
      %jit3A_1690 = arith.constant 1.000000e+00 : f32
      %jit3A_1691 = arith.constant 0.000000e+00 : f32
      %broadcast_in_dim3A_1692 = vector.broadcast %jit3A_1690 : f32 to vector<16xf32>
      %broadcast_in_dim3A_1693 = vector.broadcast %jit3A_1691 : f32 to vector<16xf32>
      %select_n3A_1694 = arith.select %lt3A_1689, %broadcast_in_dim3A_1692, %broadcast_in_dim3A_1693 : vector<16xi1>, vector<16xf32>
      %swap3A_1695 = arith.constant 6 : i32
      %swap3A_1696 = arith.index_cast %swap3A_1695 : i32 to index
      %swap3A_1697 = arith.constant 96 : index
      %swap3A_1698 = tpu.vector_load %arg7[%swap3A_1696, %swap3A_1697] {strides = array<i32>} : memref<8x128xf32, #tpu.memory_space<vmem>>, vector<1x16xf32>,
      %swap3A_1699 = vector.shape_cast %swap3A_1698 : vector<1x16xf32> to vector<16xf32>
      %swap3A_1700 = vector.shape_cast %select_n3A_1694 : vector<16xf32> to vector<1x16xf32>
      tpu.vector_store %arg7[%swap3A_1696, %swap3A_1697], %swap3A_1700 {strides = array<i32>} : memref<8x128xf32, #tpu.memory_space<vmem>>, vector<1x16xf32>,
      %sub3A_1701 = arith.constant 1 : i32
      %sub3A_1702 = vector.broadcast %sub3A_1701 : i32 to vector<16xi32>
      %sub3A_1703 = arith.subi %get3A_1686, %sub3A_1702 : vector<16xi32>
      %max3A_1704 = arith.constant 0 : i32
      %max3A_1705 = vector.broadcast %max3A_1704 : i32 to vector<16xi32>
      %max3A_1706 = arith.maxsi %sub3A_1703, %max3A_1705 : vector<16xi32>
      %swap3A_1707 = arith.constant 6 : i32
      %swap3A_1708 = arith.index_cast %swap3A_1707 : i32 to index
      %swap3A_1709 = arith.constant 96 : index
      %swap3A_1710 = tpu.vector_load %arg6[%swap3A_1708, %swap3A_1709] {strides = array<i32>} : memref<8x128xi32, #tpu.memory_space<vmem>>, vector<1x16xi32>,
      %swap3A_1711 = vector.shape_cast %swap3A_1710 : vector<1x16xi32> to vector<16xi32>
      %swap3A_1712 = vector.shape_cast %max3A_1706 : vector<16xi32> to vector<1x16xi32>
      tpu.vector_store %arg6[%swap3A_1708, %swap3A_1709], %swap3A_1712 {strides = array<i32>} : memref<8x128xi32, #tpu.memory_space<vmem>>, vector<1x16xi32>,
      %get3A_1713 = arith.constant 6 : i32
      %get3A_1714 = arith.index_cast %get3A_1713 : i32 to index
      %get3A_1715 = arith.constant 112 : index
      %get3A_1716 = tpu.vector_load %arg6[%get3A_1714, %get3A_1715] {strides = array<i32>} : memref<8x128xi32, #tpu.memory_space<vmem>>, vector<1x16xi32>,
      %get3A_1717 = vector.shape_cast %get3A_1716 : vector<1x16xi32> to vector<16xi32>
      %lt3A_1718 = arith.constant 1 : i32
      %lt3A_1719 = vector.broadcast %lt3A_1718 : i32 to vector<16xi32>
      %lt3A_1720 = arith.cmpi slt, %get3A_1717, %lt3A_1719 : vector<16xi32>
      %jit3A_1721 = arith.constant 1.000000e+00 : f32
      %jit3A_1722 = arith.constant 0.000000e+00 : f32
      %broadcast_in_dim3A_1723 = vector.broadcast %jit3A_1721 : f32 to vector<16xf32>
      %broadcast_in_dim3A_1724 = vector.broadcast %jit3A_1722 : f32 to vector<16xf32>
      %select_n3A_1725 = arith.select %lt3A_1720, %broadcast_in_dim3A_1723, %broadcast_in_dim3A_1724 : vector<16xi1>, vector<16xf32>
      %swap3A_1726 = arith.constant 6 : i32
      %swap3A_1727 = arith.index_cast %swap3A_1726 : i32 to index
      %swap3A_1728 = arith.constant 112 : index
      %swap3A_1729 = tpu.vector_load %arg7[%swap3A_1727, %swap3A_1728] {strides = array<i32>} : memref<8x128xf32, #tpu.memory_space<vmem>>, vector<1x16xf32>,
      %swap3A_1730 = vector.shape_cast %swap3A_1729 : vector<1x16xf32> to vector<16xf32>
      %swap3A_1731 = vector.shape_cast %select_n3A_1725 : vector<16xf32> to vector<1x16xf32>
      tpu.vector_store %arg7[%swap3A_1727, %swap3A_1728], %swap3A_1731 {strides = array<i32>} : memref<8x128xf32, #tpu.memory_space<vmem>>, vector<1x16xf32>,
      %sub3A_1732 = arith.constant 1 : i32
      %sub3A_1733 = vector.broadcast %sub3A_1732 : i32 to vector<16xi32>
      %sub3A_1734 = arith.subi %get3A_1717, %sub3A_1733 : vector<16xi32>
      %max3A_1735 = arith.constant 0 : i32
      %max3A_1736 = vector.broadcast %max3A_1735 : i32 to vector<16xi32>
      %max3A_1737 = arith.maxsi %sub3A_1734, %max3A_1736 : vector<16xi32>
      %swap3A_1738 = arith.constant 6 : i32
      %swap3A_1739 = arith.index_cast %swap3A_1738 : i32 to index
      %swap3A_1740 = arith.constant 112 : index
      %swap3A_1741 = tpu.vector_load %arg6[%swap3A_1739, %swap3A_1740] {strides = array<i32>} : memref<8x128xi32, #tpu.memory_space<vmem>>, vector<1x16xi32>,
      %swap3A_1742 = vector.shape_cast %swap3A_1741 : vector<1x16xi32> to vector<16xi32>
      %swap3A_1743 = vector.shape_cast %max3A_1737 : vector<16xi32> to vector<1x16xi32>
      tpu.vector_store %arg6[%swap3A_1739, %swap3A_1740], %swap3A_1743 {strides = array<i32>} : memref<8x128xi32, #tpu.memory_space<vmem>>, vector<1x16xi32>,
      %get3A_1744 = arith.constant 7 : i32
      %get3A_1745 = arith.index_cast %get3A_1744 : i32 to index
      %get3A_1746 = arith.constant 0 : index
      %get3A_1747 = tpu.vector_load %arg6[%get3A_1745, %get3A_1746] {strides = array<i32>} : memref<8x128xi32, #tpu.memory_space<vmem>>, vector<1x16xi32>,
      %get3A_1748 = vector.shape_cast %get3A_1747 : vector<1x16xi32> to vector<16xi32>
      %lt3A_1749 = arith.constant 1 : i32
      %lt3A_1750 = vector.broadcast %lt3A_1749 : i32 to vector<16xi32>
      %lt3A_1751 = arith.cmpi slt, %get3A_1748, %lt3A_1750 : vector<16xi32>
      %jit3A_1752 = arith.constant 1.000000e+00 : f32
      %jit3A_1753 = arith.constant 0.000000e+00 : f32
      %broadcast_in_dim3A_1754 = vector.broadcast %jit3A_1752 : f32 to vector<16xf32>
      %broadcast_in_dim3A_1755 = vector.broadcast %jit3A_1753 : f32 to vector<16xf32>
      %select_n3A_1756 = arith.select %lt3A_1751, %broadcast_in_dim3A_1754, %broadcast_in_dim3A_1755 : vector<16xi1>, vector<16xf32>
      %swap3A_1757 = arith.constant 7 : i32
      %swap3A_1758 = arith.index_cast %swap3A_1757 : i32 to index
      %swap3A_1759 = arith.constant 0 : index
      %swap3A_1760 = tpu.vector_load %arg7[%swap3A_1758, %swap3A_1759] {strides = array<i32>} : memref<8x128xf32, #tpu.memory_space<vmem>>, vector<1x16xf32>,
      %swap3A_1761 = vector.shape_cast %swap3A_1760 : vector<1x16xf32> to vector<16xf32>
      %swap3A_1762 = vector.shape_cast %select_n3A_1756 : vector<16xf32> to vector<1x16xf32>
      tpu.vector_store %arg7[%swap3A_1758, %swap3A_1759], %swap3A_1762 {strides = array<i32>} : memref<8x128xf32, #tpu.memory_space<vmem>>, vector<1x16xf32>,
      %sub3A_1763 = arith.constant 1 : i32
      %sub3A_1764 = vector.broadcast %sub3A_1763 : i32 to vector<16xi32>
      %sub3A_1765 = arith.subi %get3A_1748, %sub3A_1764 : vector<16xi32>
      %max3A_1766 = arith.constant 0 : i32
      %max3A_1767 = vector.broadcast %max3A_1766 : i32 to vector<16xi32>
      %max3A_1768 = arith.maxsi %sub3A_1765, %max3A_1767 : vector<16xi32>
      %swap3A_1769 = arith.constant 7 : i32
      %swap3A_1770 = arith.index_cast %swap3A_1769 : i32 to index
      %swap3A_1771 = arith.constant 0 : index
      %swap3A_1772 = tpu.vector_load %arg6[%swap3A_1770, %swap3A_1771] {strides = array<i32>} : memref<8x128xi32, #tpu.memory_space<vmem>>, vector<1x16xi32>,
      %swap3A_1773 = vector.shape_cast %swap3A_1772 : vector<1x16xi32> to vector<16xi32>
      %swap3A_1774 = vector.shape_cast %max3A_1768 : vector<16xi32> to vector<1x16xi32>
      tpu.vector_store %arg6[%swap3A_1770, %swap3A_1771], %swap3A_1774 {strides = array<i32>} : memref<8x128xi32, #tpu.memory_space<vmem>>, vector<1x16xi32>,
      %get3A_1775 = arith.constant 7 : i32
      %get3A_1776 = arith.index_cast %get3A_1775 : i32 to index
      %get3A_1777 = arith.constant 16 : index
      %get3A_1778 = tpu.vector_load %arg6[%get3A_1776, %get3A_1777] {strides = array<i32>} : memref<8x128xi32, #tpu.memory_space<vmem>>, vector<1x16xi32>,
      %get3A_1779 = vector.shape_cast %get3A_1778 : vector<1x16xi32> to vector<16xi32>
      %lt3A_1780 = arith.constant 1 : i32
      %lt3A_1781 = vector.broadcast %lt3A_1780 : i32 to vector<16xi32>
      %lt3A_1782 = arith.cmpi slt, %get3A_1779, %lt3A_1781 : vector<16xi32>
      %jit3A_1783 = arith.constant 1.000000e+00 : f32
      %jit3A_1784 = arith.constant 0.000000e+00 : f32
      %broadcast_in_dim3A_1785 = vector.broadcast %jit3A_1783 : f32 to vector<16xf32>
      %broadcast_in_dim3A_1786 = vector.broadcast %jit3A_1784 : f32 to vector<16xf32>
      %select_n3A_1787 = arith.select %lt3A_1782, %broadcast_in_dim3A_1785, %broadcast_in_dim3A_1786 : vector<16xi1>, vector<16xf32>
      %swap3A_1788 = arith.constant 7 : i32
      %swap3A_1789 = arith.index_cast %swap3A_1788 : i32 to index
      %swap3A_1790 = arith.constant 16 : index
      %swap3A_1791 = tpu.vector_load %arg7[%swap3A_1789, %swap3A_1790] {strides = array<i32>} : memref<8x128xf32, #tpu.memory_space<vmem>>, vector<1x16xf32>,
      %swap3A_1792 = vector.shape_cast %swap3A_1791 : vector<1x16xf32> to vector<16xf32>
      %swap3A_1793 = vector.shape_cast %select_n3A_1787 : vector<16xf32> to vector<1x16xf32>
      tpu.vector_store %arg7[%swap3A_1789, %swap3A_1790], %swap3A_1793 {strides = array<i32>} : memref<8x128xf32, #tpu.memory_space<vmem>>, vector<1x16xf32>,
      %sub3A_1794 = arith.constant 1 : i32
      %sub3A_1795 = vector.broadcast %sub3A_1794 : i32 to vector<16xi32>
      %sub3A_1796 = arith.subi %get3A_1779, %sub3A_1795 : vector<16xi32>
      %max3A_1797 = arith.constant 0 : i32
      %max3A_1798 = vector.broadcast %max3A_1797 : i32 to vector<16xi32>
      %max3A_1799 = arith.maxsi %sub3A_1796, %max3A_1798 : vector<16xi32>
      %swap3A_1800 = arith.constant 7 : i32
      %swap3A_1801 = arith.index_cast %swap3A_1800 : i32 to index
      %swap3A_1802 = arith.constant 16 : index
      %swap3A_1803 = tpu.vector_load %arg6[%swap3A_1801, %swap3A_1802] {strides = array<i32>} : memref<8x128xi32, #tpu.memory_space<vmem>>, vector<1x16xi32>,
      %swap3A_1804 = vector.shape_cast %swap3A_1803 : vector<1x16xi32> to vector<16xi32>
      %swap3A_1805 = vector.shape_cast %max3A_1799 : vector<16xi32> to vector<1x16xi32>
      tpu.vector_store %arg6[%swap3A_1801, %swap3A_1802], %swap3A_1805 {strides = array<i32>} : memref<8x128xi32, #tpu.memory_space<vmem>>, vector<1x16xi32>,
      %get3A_1806 = arith.constant 7 : i32
      %get3A_1807 = arith.index_cast %get3A_1806 : i32 to index
      %get3A_1808 = arith.constant 32 : index
      %get3A_1809 = tpu.vector_load %arg6[%get3A_1807, %get3A_1808] {strides = array<i32>} : memref<8x128xi32, #tpu.memory_space<vmem>>, vector<1x16xi32>,
      %get3A_1810 = vector.shape_cast %get3A_1809 : vector<1x16xi32> to vector<16xi32>
      %lt3A_1811 = arith.constant 1 : i32
      %lt3A_1812 = vector.broadcast %lt3A_1811 : i32 to vector<16xi32>
      %lt3A_1813 = arith.cmpi slt, %get3A_1810, %lt3A_1812 : vector<16xi32>
      %jit3A_1814 = arith.constant 1.000000e+00 : f32
      %jit3A_1815 = arith.constant 0.000000e+00 : f32
      %broadcast_in_dim3A_1816 = vector.broadcast %jit3A_1814 : f32 to vector<16xf32>
      %broadcast_in_dim3A_1817 = vector.broadcast %jit3A_1815 : f32 to vector<16xf32>
      %select_n3A_1818 = arith.select %lt3A_1813, %broadcast_in_dim3A_1816, %broadcast_in_dim3A_1817 : vector<16xi1>, vector<16xf32>
      %swap3A_1819 = arith.constant 7 : i32
      %swap3A_1820 = arith.index_cast %swap3A_1819 : i32 to index
      %swap3A_1821 = arith.constant 32 : index
      %swap3A_1822 = tpu.vector_load %arg7[%swap3A_1820, %swap3A_1821] {strides = array<i32>} : memref<8x128xf32, #tpu.memory_space<vmem>>, vector<1x16xf32>,
      %swap3A_1823 = vector.shape_cast %swap3A_1822 : vector<1x16xf32> to vector<16xf32>
      %swap3A_1824 = vector.shape_cast %select_n3A_1818 : vector<16xf32> to vector<1x16xf32>
      tpu.vector_store %arg7[%swap3A_1820, %swap3A_1821], %swap3A_1824 {strides = array<i32>} : memref<8x128xf32, #tpu.memory_space<vmem>>, vector<1x16xf32>,
      %sub3A_1825 = arith.constant 1 : i32
      %sub3A_1826 = vector.broadcast %sub3A_1825 : i32 to vector<16xi32>
      %sub3A_1827 = arith.subi %get3A_1810, %sub3A_1826 : vector<16xi32>
      %max3A_1828 = arith.constant 0 : i32
      %max3A_1829 = vector.broadcast %max3A_1828 : i32 to vector<16xi32>
      %max3A_1830 = arith.maxsi %sub3A_1827, %max3A_1829 : vector<16xi32>
      %swap3A_1831 = arith.constant 7 : i32
      %swap3A_1832 = arith.index_cast %swap3A_1831 : i32 to index
      %swap3A_1833 = arith.constant 32 : index
      %swap3A_1834 = tpu.vector_load %arg6[%swap3A_1832, %swap3A_1833] {strides = array<i32>} : memref<8x128xi32, #tpu.memory_space<vmem>>, vector<1x16xi32>,
      %swap3A_1835 = vector.shape_cast %swap3A_1834 : vector<1x16xi32> to vector<16xi32>
      %swap3A_1836 = vector.shape_cast %max3A_1830 : vector<16xi32> to vector<1x16xi32>
      tpu.vector_store %arg6[%swap3A_1832, %swap3A_1833], %swap3A_1836 {strides = array<i32>} : memref<8x128xi32, #tpu.memory_space<vmem>>, vector<1x16xi32>,
      %get3A_1837 = arith.constant 7 : i32
      %get3A_1838 = arith.index_cast %get3A_1837 : i32 to index
      %get3A_1839 = arith.constant 48 : index
      %get3A_1840 = tpu.vector_load %arg6[%get3A_1838, %get3A_1839] {strides = array<i32>} : memref<8x128xi32, #tpu.memory_space<vmem>>, vector<1x16xi32>,
      %get3A_1841 = vector.shape_cast %get3A_1840 : vector<1x16xi32> to vector<16xi32>
      %lt3A_1842 = arith.constant 1 : i32
      %lt3A_1843 = vector.broadcast %lt3A_1842 : i32 to vector<16xi32>
      %lt3A_1844 = arith.cmpi slt, %get3A_1841, %lt3A_1843 : vector<16xi32>
      %jit3A_1845 = arith.constant 1.000000e+00 : f32
      %jit3A_1846 = arith.constant 0.000000e+00 : f32
      %broadcast_in_dim3A_1847 = vector.broadcast %jit3A_1845 : f32 to vector<16xf32>
      %broadcast_in_dim3A_1848 = vector.broadcast %jit3A_1846 : f32 to vector<16xf32>
      %select_n3A_1849 = arith.select %lt3A_1844, %broadcast_in_dim3A_1847, %broadcast_in_dim3A_1848 : vector<16xi1>, vector<16xf32>
      %swap3A_1850 = arith.constant 7 : i32
      %swap3A_1851 = arith.index_cast %swap3A_1850 : i32 to index
      %swap3A_1852 = arith.constant 48 : index
      %swap3A_1853 = tpu.vector_load %arg7[%swap3A_1851, %swap3A_1852] {strides = array<i32>} : memref<8x128xf32, #tpu.memory_space<vmem>>, vector<1x16xf32>,
      %swap3A_1854 = vector.shape_cast %swap3A_1853 : vector<1x16xf32> to vector<16xf32>
      %swap3A_1855 = vector.shape_cast %select_n3A_1849 : vector<16xf32> to vector<1x16xf32>
      tpu.vector_store %arg7[%swap3A_1851, %swap3A_1852], %swap3A_1855 {strides = array<i32>} : memref<8x128xf32, #tpu.memory_space<vmem>>, vector<1x16xf32>,
      %sub3A_1856 = arith.constant 1 : i32
      %sub3A_1857 = vector.broadcast %sub3A_1856 : i32 to vector<16xi32>
      %sub3A_1858 = arith.subi %get3A_1841, %sub3A_1857 : vector<16xi32>
      %max3A_1859 = arith.constant 0 : i32
      %max3A_1860 = vector.broadcast %max3A_1859 : i32 to vector<16xi32>
      %max3A_1861 = arith.maxsi %sub3A_1858, %max3A_1860 : vector<16xi32>
      %swap3A_1862 = arith.constant 7 : i32
      %swap3A_1863 = arith.index_cast %swap3A_1862 : i32 to index
      %swap3A_1864 = arith.constant 48 : index
      %swap3A_1865 = tpu.vector_load %arg6[%swap3A_1863, %swap3A_1864] {strides = array<i32>} : memref<8x128xi32, #tpu.memory_space<vmem>>, vector<1x16xi32>,
      %swap3A_1866 = vector.shape_cast %swap3A_1865 : vector<1x16xi32> to vector<16xi32>
      %swap3A_1867 = vector.shape_cast %max3A_1861 : vector<16xi32> to vector<1x16xi32>
      tpu.vector_store %arg6[%swap3A_1863, %swap3A_1864], %swap3A_1867 {strides = array<i32>} : memref<8x128xi32, #tpu.memory_space<vmem>>, vector<1x16xi32>,
      %get3A_1868 = arith.constant 7 : i32
      %get3A_1869 = arith.index_cast %get3A_1868 : i32 to index
      %get3A_1870 = arith.constant 64 : index
      %get3A_1871 = tpu.vector_load %arg6[%get3A_1869, %get3A_1870] {strides = array<i32>} : memref<8x128xi32, #tpu.memory_space<vmem>>, vector<1x16xi32>,
      %get3A_1872 = vector.shape_cast %get3A_1871 : vector<1x16xi32> to vector<16xi32>
      %lt3A_1873 = arith.constant 1 : i32
      %lt3A_1874 = vector.broadcast %lt3A_1873 : i32 to vector<16xi32>
      %lt3A_1875 = arith.cmpi slt, %get3A_1872, %lt3A_1874 : vector<16xi32>
      %jit3A_1876 = arith.constant 1.000000e+00 : f32
      %jit3A_1877 = arith.constant 0.000000e+00 : f32
      %broadcast_in_dim3A_1878 = vector.broadcast %jit3A_1876 : f32 to vector<16xf32>
      %broadcast_in_dim3A_1879 = vector.broadcast %jit3A_1877 : f32 to vector<16xf32>
      %select_n3A_1880 = arith.select %lt3A_1875, %broadcast_in_dim3A_1878, %broadcast_in_dim3A_1879 : vector<16xi1>, vector<16xf32>
      %swap3A_1881 = arith.constant 7 : i32
      %swap3A_1882 = arith.index_cast %swap3A_1881 : i32 to index
      %swap3A_1883 = arith.constant 64 : index
      %swap3A_1884 = tpu.vector_load %arg7[%swap3A_1882, %swap3A_1883] {strides = array<i32>} : memref<8x128xf32, #tpu.memory_space<vmem>>, vector<1x16xf32>,
      %swap3A_1885 = vector.shape_cast %swap3A_1884 : vector<1x16xf32> to vector<16xf32>
      %swap3A_1886 = vector.shape_cast %select_n3A_1880 : vector<16xf32> to vector<1x16xf32>
      tpu.vector_store %arg7[%swap3A_1882, %swap3A_1883], %swap3A_1886 {strides = array<i32>} : memref<8x128xf32, #tpu.memory_space<vmem>>, vector<1x16xf32>,
      %sub3A_1887 = arith.constant 1 : i32
      %sub3A_1888 = vector.broadcast %sub3A_1887 : i32 to vector<16xi32>
      %sub3A_1889 = arith.subi %get3A_1872, %sub3A_1888 : vector<16xi32>
      %max3A_1890 = arith.constant 0 : i32
      %max3A_1891 = vector.broadcast %max3A_1890 : i32 to vector<16xi32>
      %max3A_1892 = arith.maxsi %sub3A_1889, %max3A_1891 : vector<16xi32>
      %swap3A_1893 = arith.constant 7 : i32
      %swap3A_1894 = arith.index_cast %swap3A_1893 : i32 to index
      %swap3A_1895 = arith.constant 64 : index
      %swap3A_1896 = tpu.vector_load %arg6[%swap3A_1894, %swap3A_1895] {strides = array<i32>} : memref<8x128xi32, #tpu.memory_space<vmem>>, vector<1x16xi32>,
      %swap3A_1897 = vector.shape_cast %swap3A_1896 : vector<1x16xi32> to vector<16xi32>
      %swap3A_1898 = vector.shape_cast %max3A_1892 : vector<16xi32> to vector<1x16xi32>
      tpu.vector_store %arg6[%swap3A_1894, %swap3A_1895], %swap3A_1898 {strides = array<i32>} : memref<8x128xi32, #tpu.memory_space<vmem>>, vector<1x16xi32>,
      %get3A_1899 = arith.constant 7 : i32
      %get3A_1900 = arith.index_cast %get3A_1899 : i32 to index
      %get3A_1901 = arith.constant 80 : index
      %get3A_1902 = tpu.vector_load %arg6[%get3A_1900, %get3A_1901] {strides = array<i32>} : memref<8x128xi32, #tpu.memory_space<vmem>>, vector<1x16xi32>,
      %get3A_1903 = vector.shape_cast %get3A_1902 : vector<1x16xi32> to vector<16xi32>
      %lt3A_1904 = arith.constant 1 : i32
      %lt3A_1905 = vector.broadcast %lt3A_1904 : i32 to vector<16xi32>
      %lt3A_1906 = arith.cmpi slt, %get3A_1903, %lt3A_1905 : vector<16xi32>
      %jit3A_1907 = arith.constant 1.000000e+00 : f32
      %jit3A_1908 = arith.constant 0.000000e+00 : f32
      %broadcast_in_dim3A_1909 = vector.broadcast %jit3A_1907 : f32 to vector<16xf32>
      %broadcast_in_dim3A_1910 = vector.broadcast %jit3A_1908 : f32 to vector<16xf32>
      %select_n3A_1911 = arith.select %lt3A_1906, %broadcast_in_dim3A_1909, %broadcast_in_dim3A_1910 : vector<16xi1>, vector<16xf32>
      %swap3A_1912 = arith.constant 7 : i32
      %swap3A_1913 = arith.index_cast %swap3A_1912 : i32 to index
      %swap3A_1914 = arith.constant 80 : index
      %swap3A_1915 = tpu.vector_load %arg7[%swap3A_1913, %swap3A_1914] {strides = array<i32>} : memref<8x128xf32, #tpu.memory_space<vmem>>, vector<1x16xf32>,
      %swap3A_1916 = vector.shape_cast %swap3A_1915 : vector<1x16xf32> to vector<16xf32>
      %swap3A_1917 = vector.shape_cast %select_n3A_1911 : vector<16xf32> to vector<1x16xf32>
      tpu.vector_store %arg7[%swap3A_1913, %swap3A_1914], %swap3A_1917 {strides = array<i32>} : memref<8x128xf32, #tpu.memory_space<vmem>>, vector<1x16xf32>,
      %sub3A_1918 = arith.constant 1 : i32
      %sub3A_1919 = vector.broadcast %sub3A_1918 : i32 to vector<16xi32>
      %sub3A_1920 = arith.subi %get3A_1903, %sub3A_1919 : vector<16xi32>
      %max3A_1921 = arith.constant 0 : i32
      %max3A_1922 = vector.broadcast %max3A_1921 : i32 to vector<16xi32>
      %max3A_1923 = arith.maxsi %sub3A_1920, %max3A_1922 : vector<16xi32>
      %swap3A_1924 = arith.constant 7 : i32
      %swap3A_1925 = arith.index_cast %swap3A_1924 : i32 to index
      %swap3A_1926 = arith.constant 80 : index
      %swap3A_1927 = tpu.vector_load %arg6[%swap3A_1925, %swap3A_1926] {strides = array<i32>} : memref<8x128xi32, #tpu.memory_space<vmem>>, vector<1x16xi32>,
      %swap3A_1928 = vector.shape_cast %swap3A_1927 : vector<1x16xi32> to vector<16xi32>
      %swap3A_1929 = vector.shape_cast %max3A_1923 : vector<16xi32> to vector<1x16xi32>
      tpu.vector_store %arg6[%swap3A_1925, %swap3A_1926], %swap3A_1929 {strides = array<i32>} : memref<8x128xi32, #tpu.memory_space<vmem>>, vector<1x16xi32>,
      %get3A_1930 = arith.constant 7 : i32
      %get3A_1931 = arith.index_cast %get3A_1930 : i32 to index
      %get3A_1932 = arith.constant 96 : index
      %get3A_1933 = tpu.vector_load %arg6[%get3A_1931, %get3A_1932] {strides = array<i32>} : memref<8x128xi32, #tpu.memory_space<vmem>>, vector<1x16xi32>,
      %get3A_1934 = vector.shape_cast %get3A_1933 : vector<1x16xi32> to vector<16xi32>
      %lt3A_1935 = arith.constant 1 : i32
      %lt3A_1936 = vector.broadcast %lt3A_1935 : i32 to vector<16xi32>
      %lt3A_1937 = arith.cmpi slt, %get3A_1934, %lt3A_1936 : vector<16xi32>
      %jit3A_1938 = arith.constant 1.000000e+00 : f32
      %jit3A_1939 = arith.constant 0.000000e+00 : f32
      %broadcast_in_dim3A_1940 = vector.broadcast %jit3A_1938 : f32 to vector<16xf32>
      %broadcast_in_dim3A_1941 = vector.broadcast %jit3A_1939 : f32 to vector<16xf32>
      %select_n3A_1942 = arith.select %lt3A_1937, %broadcast_in_dim3A_1940, %broadcast_in_dim3A_1941 : vector<16xi1>, vector<16xf32>
      %swap3A_1943 = arith.constant 7 : i32
      %swap3A_1944 = arith.index_cast %swap3A_1943 : i32 to index
      %swap3A_1945 = arith.constant 96 : index
      %swap3A_1946 = tpu.vector_load %arg7[%swap3A_1944, %swap3A_1945] {strides = array<i32>} : memref<8x128xf32, #tpu.memory_space<vmem>>, vector<1x16xf32>,
      %swap3A_1947 = vector.shape_cast %swap3A_1946 : vector<1x16xf32> to vector<16xf32>
      %swap3A_1948 = vector.shape_cast %select_n3A_1942 : vector<16xf32> to vector<1x16xf32>
      tpu.vector_store %arg7[%swap3A_1944, %swap3A_1945], %swap3A_1948 {strides = array<i32>} : memref<8x128xf32, #tpu.memory_space<vmem>>, vector<1x16xf32>,
      %sub3A_1949 = arith.constant 1 : i32
      %sub3A_1950 = vector.broadcast %sub3A_1949 : i32 to vector<16xi32>
      %sub3A_1951 = arith.subi %get3A_1934, %sub3A_1950 : vector<16xi32>
      %max3A_1952 = arith.constant 0 : i32
      %max3A_1953 = vector.broadcast %max3A_1952 : i32 to vector<16xi32>
      %max3A_1954 = arith.maxsi %sub3A_1951, %max3A_1953 : vector<16xi32>
      %swap3A_1955 = arith.constant 7 : i32
      %swap3A_1956 = arith.index_cast %swap3A_1955 : i32 to index
      %swap3A_1957 = arith.constant 96 : index
      %swap3A_1958 = tpu.vector_load %arg6[%swap3A_1956, %swap3A_1957] {strides = array<i32>} : memref<8x128xi32, #tpu.memory_space<vmem>>, vector<1x16xi32>,
      %swap3A_1959 = vector.shape_cast %swap3A_1958 : vector<1x16xi32> to vector<16xi32>
      %swap3A_1960 = vector.shape_cast %max3A_1954 : vector<16xi32> to vector<1x16xi32>
      tpu.vector_store %arg6[%swap3A_1956, %swap3A_1957], %swap3A_1960 {strides = array<i32>} : memref<8x128xi32, #tpu.memory_space<vmem>>, vector<1x16xi32>,
      %get3A_1961 = arith.constant 7 : i32
      %get3A_1962 = arith.index_cast %get3A_1961 : i32 to index
      %get3A_1963 = arith.constant 112 : index
      %get3A_1964 = tpu.vector_load %arg6[%get3A_1962, %get3A_1963] {strides = array<i32>} : memref<8x128xi32, #tpu.memory_space<vmem>>, vector<1x16xi32>,
      %get3A_1965 = vector.shape_cast %get3A_1964 : vector<1x16xi32> to vector<16xi32>
      %lt3A_1966 = arith.constant 1 : i32
      %lt3A_1967 = vector.broadcast %lt3A_1966 : i32 to vector<16xi32>
      %lt3A_1968 = arith.cmpi slt, %get3A_1965, %lt3A_1967 : vector<16xi32>
      %jit3A_1969 = arith.constant 1.000000e+00 : f32
      %jit3A_1970 = arith.constant 0.000000e+00 : f32
      %broadcast_in_dim3A_1971 = vector.broadcast %jit3A_1969 : f32 to vector<16xf32>
      %broadcast_in_dim3A_1972 = vector.broadcast %jit3A_1970 : f32 to vector<16xf32>
      %select_n3A_1973 = arith.select %lt3A_1968, %broadcast_in_dim3A_1971, %broadcast_in_dim3A_1972 : vector<16xi1>, vector<16xf32>
      %swap3A_1974 = arith.constant 7 : i32
      %swap3A_1975 = arith.index_cast %swap3A_1974 : i32 to index
      %swap3A_1976 = arith.constant 112 : index
      %swap3A_1977 = tpu.vector_load %arg7[%swap3A_1975, %swap3A_1976] {strides = array<i32>} : memref<8x128xf32, #tpu.memory_space<vmem>>, vector<1x16xf32>,
      %swap3A_1978 = vector.shape_cast %swap3A_1977 : vector<1x16xf32> to vector<16xf32>
      %swap3A_1979 = vector.shape_cast %select_n3A_1973 : vector<16xf32> to vector<1x16xf32>
      tpu.vector_store %arg7[%swap3A_1975, %swap3A_1976], %swap3A_1979 {strides = array<i32>} : memref<8x128xf32, #tpu.memory_space<vmem>>, vector<1x16xf32>,
      %sub3A_1980 = arith.constant 1 : i32
      %sub3A_1981 = vector.broadcast %sub3A_1980 : i32 to vector<16xi32>
      %sub3A_1982 = arith.subi %get3A_1965, %sub3A_1981 : vector<16xi32>
      %max3A_1983 = arith.constant 0 : i32
      %max3A_1984 = vector.broadcast %max3A_1983 : i32 to vector<16xi32>
      %max3A_1985 = arith.maxsi %sub3A_1982, %max3A_1984 : vector<16xi32>
      %swap3A_1986 = arith.constant 7 : i32
      %swap3A_1987 = arith.index_cast %swap3A_1986 : i32 to index
      %swap3A_1988 = arith.constant 112 : index
      %swap3A_1989 = tpu.vector_load %arg6[%swap3A_1987, %swap3A_1988] {strides = array<i32>} : memref<8x128xi32, #tpu.memory_space<vmem>>, vector<1x16xi32>,
      %swap3A_1990 = vector.shape_cast %swap3A_1989 : vector<1x16xi32> to vector<16xi32>
      %swap3A_1991 = vector.shape_cast %max3A_1985 : vector<16xi32> to vector<1x16xi32>
      tpu.vector_store %arg6[%swap3A_1987, %swap3A_1988], %swap3A_1991 {strides = array<i32>} : memref<8x128xi32, #tpu.memory_space<vmem>>, vector<1x16xi32>,
      %dma_start3A = arith.constant 0 : i32
      %dma_start3A_1992 = arith.constant 0 : i32
      %dma_start3A_1993 = arith.constant 0 : i32
      %dma_start3A_1994 = tpu.memref_slice %arg8[%dma_start3A_1992, %dma_start3A_1993] : memref<1024x32xf32, #tpu.memory_space<vmem>> -> memref<128x32xf32, #tpu.memory_space<vmem>>
      %dma_start3A_1995 = arith.constant 0 : i32
      %dma_start3A_1996 = tpu.memref_slice %arg6[%dma_start3A, %dma_start3A_1995] : memref<8x128xi32, #tpu.memory_space<vmem>> -> memref<1x128xi32, #tpu.memory_space<vmem>>
      %dma_start3A_1997 = tpu.memref_squeeze %dma_start3A_1996 : memref<1x128xi32, #tpu.memory_space<vmem>> -> memref<128xi32, #tpu.memory_space<vmem>>
      %dma_start3A_1998 = arith.constant 0 : i32
      %dma_start3A_1999 = arith.constant 0 : i32
      %dma_start3A_2000 = tpu.memref_slice %arg2[%dma_start3A_1998, %dma_start3A_1999] : memref<1000000x32xf32, #tpu.memory_space<hbm>> -> memref<1000000x32xf32, #tpu.memory_space<hbm>>
      tpu.enqueue_indirect_dma source(%dma_start3A_2000 : memref<1000000x32xf32, #tpu.memory_space<hbm>>) target(%dma_start3A_1994 : memref<128x32xf32, #tpu.memory_space<vmem>>) offsets(%dma_start3A_1997 : memref<128xi32, #tpu.memory_space<vmem>>) semaphore(%arg9 : memref<!tpu.dma_semaphore, #tpu.memory_space<semaphore_mem>>)
      %dma_start3A_2001 = arith.constant 1 : i32
      %dma_start3A_2002 = arith.constant 128 : i32
      %dma_start3A_2003 = arith.constant 0 : i32
      %dma_start3A_2004 = tpu.memref_slice %arg8[%dma_start3A_2002, %dma_start3A_2003] : memref<1024x32xf32, #tpu.memory_space<vmem>> -> memref<128x32xf32, #tpu.memory_space<vmem>>
      %dma_start3A_2005 = arith.constant 0 : i32
      %dma_start3A_2006 = tpu.memref_slice %arg6[%dma_start3A_2001, %dma_start3A_2005] : memref<8x128xi32, #tpu.memory_space<vmem>> -> memref<1x128xi32, #tpu.memory_space<vmem>>
      %dma_start3A_2007 = tpu.memref_squeeze %dma_start3A_2006 : memref<1x128xi32, #tpu.memory_space<vmem>> -> memref<128xi32, #tpu.memory_space<vmem>>
      %dma_start3A_2008 = arith.constant 0 : i32
      %dma_start3A_2009 = arith.constant 0 : i32
      %dma_start3A_2010 = tpu.memref_slice %arg2[%dma_start3A_2008, %dma_start3A_2009] : memref<1000000x32xf32, #tpu.memory_space<hbm>> -> memref<1000000x32xf32, #tpu.memory_space<hbm>>
      tpu.enqueue_indirect_dma source(%dma_start3A_2010 : memref<1000000x32xf32, #tpu.memory_space<hbm>>) target(%dma_start3A_2004 : memref<128x32xf32, #tpu.memory_space<vmem>>) offsets(%dma_start3A_2007 : memref<128xi32, #tpu.memory_space<vmem>>) semaphore(%arg9 : memref<!tpu.dma_semaphore, #tpu.memory_space<semaphore_mem>>)
      %dma_start3A_2011 = arith.constant 2 : i32
      %dma_start3A_2012 = arith.constant 256 : i32
      %dma_start3A_2013 = arith.constant 0 : i32
      %dma_start3A_2014 = tpu.memref_slice %arg8[%dma_start3A_2012, %dma_start3A_2013] : memref<1024x32xf32, #tpu.memory_space<vmem>> -> memref<128x32xf32, #tpu.memory_space<vmem>>
      %dma_start3A_2015 = arith.constant 0 : i32
      %dma_start3A_2016 = tpu.memref_slice %arg6[%dma_start3A_2011, %dma_start3A_2015] : memref<8x128xi32, #tpu.memory_space<vmem>> -> memref<1x128xi32, #tpu.memory_space<vmem>>
      %dma_start3A_2017 = tpu.memref_squeeze %dma_start3A_2016 : memref<1x128xi32, #tpu.memory_space<vmem>> -> memref<128xi32, #tpu.memory_space<vmem>>
      %dma_start3A_2018 = arith.constant 0 : i32
      %dma_start3A_2019 = arith.constant 0 : i32
      %dma_start3A_2020 = tpu.memref_slice %arg2[%dma_start3A_2018, %dma_start3A_2019] : memref<1000000x32xf32, #tpu.memory_space<hbm>> -> memref<1000000x32xf32, #tpu.memory_space<hbm>>
      tpu.enqueue_indirect_dma source(%dma_start3A_2020 : memref<1000000x32xf32, #tpu.memory_space<hbm>>) target(%dma_start3A_2014 : memref<128x32xf32, #tpu.memory_space<vmem>>) offsets(%dma_start3A_2017 : memref<128xi32, #tpu.memory_space<vmem>>) semaphore(%arg9 : memref<!tpu.dma_semaphore, #tpu.memory_space<semaphore_mem>>)
      %dma_start3A_2021 = arith.constant 3 : i32
      %dma_start3A_2022 = arith.constant 384 : i32
      %dma_start3A_2023 = arith.constant 0 : i32
      %dma_start3A_2024 = tpu.memref_slice %arg8[%dma_start3A_2022, %dma_start3A_2023] : memref<1024x32xf32, #tpu.memory_space<vmem>> -> memref<128x32xf32, #tpu.memory_space<vmem>>
      %dma_start3A_2025 = arith.constant 0 : i32
      %dma_start3A_2026 = tpu.memref_slice %arg6[%dma_start3A_2021, %dma_start3A_2025] : memref<8x128xi32, #tpu.memory_space<vmem>> -> memref<1x128xi32, #tpu.memory_space<vmem>>
      %dma_start3A_2027 = tpu.memref_squeeze %dma_start3A_2026 : memref<1x128xi32, #tpu.memory_space<vmem>> -> memref<128xi32, #tpu.memory_space<vmem>>
      %dma_start3A_2028 = arith.constant 0 : i32
      %dma_start3A_2029 = arith.constant 0 : i32
      %dma_start3A_2030 = tpu.memref_slice %arg2[%dma_start3A_2028, %dma_start3A_2029] : memref<1000000x32xf32, #tpu.memory_space<hbm>> -> memref<1000000x32xf32, #tpu.memory_space<hbm>>
      tpu.enqueue_indirect_dma source(%dma_start3A_2030 : memref<1000000x32xf32, #tpu.memory_space<hbm>>) target(%dma_start3A_2024 : memref<128x32xf32, #tpu.memory_space<vmem>>) offsets(%dma_start3A_2027 : memref<128xi32, #tpu.memory_space<vmem>>) semaphore(%arg9 : memref<!tpu.dma_semaphore, #tpu.memory_space<semaphore_mem>>)
      %dma_start3A_2031 = arith.constant 4 : i32
      %dma_start3A_2032 = arith.constant 512 : i32
      %dma_start3A_2033 = arith.constant 0 : i32
      %dma_start3A_2034 = tpu.memref_slice %arg8[%dma_start3A_2032, %dma_start3A_2033] : memref<1024x32xf32, #tpu.memory_space<vmem>> -> memref<128x32xf32, #tpu.memory_space<vmem>>
      %dma_start3A_2035 = arith.constant 0 : i32
      %dma_start3A_2036 = tpu.memref_slice %arg6[%dma_start3A_2031, %dma_start3A_2035] : memref<8x128xi32, #tpu.memory_space<vmem>> -> memref<1x128xi32, #tpu.memory_space<vmem>>
      %dma_start3A_2037 = tpu.memref_squeeze %dma_start3A_2036 : memref<1x128xi32, #tpu.memory_space<vmem>> -> memref<128xi32, #tpu.memory_space<vmem>>
      %dma_start3A_2038 = arith.constant 0 : i32
      %dma_start3A_2039 = arith.constant 0 : i32
      %dma_start3A_2040 = tpu.memref_slice %arg2[%dma_start3A_2038, %dma_start3A_2039] : memref<1000000x32xf32, #tpu.memory_space<hbm>> -> memref<1000000x32xf32, #tpu.memory_space<hbm>>
      tpu.enqueue_indirect_dma source(%dma_start3A_2040 : memref<1000000x32xf32, #tpu.memory_space<hbm>>) target(%dma_start3A_2034 : memref<128x32xf32, #tpu.memory_space<vmem>>) offsets(%dma_start3A_2037 : memref<128xi32, #tpu.memory_space<vmem>>) semaphore(%arg9 : memref<!tpu.dma_semaphore, #tpu.memory_space<semaphore_mem>>)
      %dma_start3A_2041 = arith.constant 5 : i32
      %dma_start3A_2042 = arith.constant 640 : i32
      %dma_start3A_2043 = arith.constant 0 : i32
      %dma_start3A_2044 = tpu.memref_slice %arg8[%dma_start3A_2042, %dma_start3A_2043] : memref<1024x32xf32, #tpu.memory_space<vmem>> -> memref<128x32xf32, #tpu.memory_space<vmem>>
      %dma_start3A_2045 = arith.constant 0 : i32
      %dma_start3A_2046 = tpu.memref_slice %arg6[%dma_start3A_2041, %dma_start3A_2045] : memref<8x128xi32, #tpu.memory_space<vmem>> -> memref<1x128xi32, #tpu.memory_space<vmem>>
      %dma_start3A_2047 = tpu.memref_squeeze %dma_start3A_2046 : memref<1x128xi32, #tpu.memory_space<vmem>> -> memref<128xi32, #tpu.memory_space<vmem>>
      %dma_start3A_2048 = arith.constant 0 : i32
      %dma_start3A_2049 = arith.constant 0 : i32
      %dma_start3A_2050 = tpu.memref_slice %arg2[%dma_start3A_2048, %dma_start3A_2049] : memref<1000000x32xf32, #tpu.memory_space<hbm>> -> memref<1000000x32xf32, #tpu.memory_space<hbm>>
      tpu.enqueue_indirect_dma source(%dma_start3A_2050 : memref<1000000x32xf32, #tpu.memory_space<hbm>>) target(%dma_start3A_2044 : memref<128x32xf32, #tpu.memory_space<vmem>>) offsets(%dma_start3A_2047 : memref<128xi32, #tpu.memory_space<vmem>>) semaphore(%arg9 : memref<!tpu.dma_semaphore, #tpu.memory_space<semaphore_mem>>)
      %dma_start3A_2051 = arith.constant 6 : i32
      %dma_start3A_2052 = arith.constant 768 : i32
      %dma_start3A_2053 = arith.constant 0 : i32
      %dma_start3A_2054 = tpu.memref_slice %arg8[%dma_start3A_2052, %dma_start3A_2053] : memref<1024x32xf32, #tpu.memory_space<vmem>> -> memref<128x32xf32, #tpu.memory_space<vmem>>
      %dma_start3A_2055 = arith.constant 0 : i32
      %dma_start3A_2056 = tpu.memref_slice %arg6[%dma_start3A_2051, %dma_start3A_2055] : memref<8x128xi32, #tpu.memory_space<vmem>> -> memref<1x128xi32, #tpu.memory_space<vmem>>
      %dma_start3A_2057 = tpu.memref_squeeze %dma_start3A_2056 : memref<1x128xi32, #tpu.memory_space<vmem>> -> memref<128xi32, #tpu.memory_space<vmem>>
      %dma_start3A_2058 = arith.constant 0 : i32
      %dma_start3A_2059 = arith.constant 0 : i32
      %dma_start3A_2060 = tpu.memref_slice %arg2[%dma_start3A_2058, %dma_start3A_2059] : memref<1000000x32xf32, #tpu.memory_space<hbm>> -> memref<1000000x32xf32, #tpu.memory_space<hbm>>
      tpu.enqueue_indirect_dma source(%dma_start3A_2060 : memref<1000000x32xf32, #tpu.memory_space<hbm>>) target(%dma_start3A_2054 : memref<128x32xf32, #tpu.memory_space<vmem>>) offsets(%dma_start3A_2057 : memref<128xi32, #tpu.memory_space<vmem>>) semaphore(%arg9 : memref<!tpu.dma_semaphore, #tpu.memory_space<semaphore_mem>>)
      %dma_start3A_2061 = arith.constant 7 : i32
      %dma_start3A_2062 = arith.constant 896 : i32
      %dma_start3A_2063 = arith.constant 0 : i32
      %dma_start3A_2064 = tpu.memref_slice %arg8[%dma_start3A_2062, %dma_start3A_2063] : memref<1024x32xf32, #tpu.memory_space<vmem>> -> memref<128x32xf32, #tpu.memory_space<vmem>>
      %dma_start3A_2065 = arith.constant 0 : i32
      %dma_start3A_2066 = tpu.memref_slice %arg6[%dma_start3A_2061, %dma_start3A_2065] : memref<8x128xi32, #tpu.memory_space<vmem>> -> memref<1x128xi32, #tpu.memory_space<vmem>>
      %dma_start3A_2067 = tpu.memref_squeeze %dma_start3A_2066 : memref<1x128xi32, #tpu.memory_space<vmem>> -> memref<128xi32, #tpu.memory_space<vmem>>
      %dma_start3A_2068 = arith.constant 0 : i32
      %dma_start3A_2069 = arith.constant 0 : i32
      %dma_start3A_2070 = tpu.memref_slice %arg2[%dma_start3A_2068, %dma_start3A_2069] : memref<1000000x32xf32, #tpu.memory_space<hbm>> -> memref<1000000x32xf32, #tpu.memory_space<hbm>>
      tpu.enqueue_indirect_dma source(%dma_start3A_2070 : memref<1000000x32xf32, #tpu.memory_space<hbm>>) target(%dma_start3A_2064 : memref<128x32xf32, #tpu.memory_space<vmem>>) offsets(%dma_start3A_2067 : memref<128xi32, #tpu.memory_space<vmem>>) semaphore(%arg9 : memref<!tpu.dma_semaphore, #tpu.memory_space<semaphore_mem>>)
      %dma_wait3A = arith.constant 0 : i32
      %dma_wait3A_2071 = arith.constant 0 : i32
      %dma_wait3A_2072 = arith.constant 0 : i32
      %dma_wait3A_2073 = tpu.memref_slice %arg8[%dma_wait3A_2071, %dma_wait3A_2072] : memref<1024x32xf32, #tpu.memory_space<vmem>> -> memref<128x32xf32, #tpu.memory_space<vmem>>
      %dma_wait3A_2074 = arith.constant 0 : i32
      %dma_wait3A_2075 = tpu.memref_slice %arg6[%dma_wait3A, %dma_wait3A_2074] : memref<8x128xi32, #tpu.memory_space<vmem>> -> memref<1x128xi32, #tpu.memory_space<vmem>>
      %dma_wait3A_2076 = tpu.memref_squeeze %dma_wait3A_2075 : memref<1x128xi32, #tpu.memory_space<vmem>> -> memref<128xi32, #tpu.memory_space<vmem>>
      %dma_wait3A_2077 = arith.constant 0 : i32
      %dma_wait3A_2078 = arith.constant 0 : i32
      %dma_wait3A_2079 = tpu.memref_slice %arg2[%dma_wait3A_2077, %dma_wait3A_2078] : memref<1000000x32xf32, #tpu.memory_space<hbm>> -> memref<1000000x32xf32, #tpu.memory_space<hbm>>
      tpu.wait_indirect_dma semaphore(%arg9 : memref<!tpu.dma_semaphore, #tpu.memory_space<semaphore_mem>>) src(%dma_wait3A_2079 : memref<1000000x32xf32, #tpu.memory_space<hbm>>) dst(%dma_wait3A_2073 : memref<128x32xf32, #tpu.memory_space<vmem>>)
      %dma_wait3A_2080 = arith.constant 1 : i32
      %dma_wait3A_2081 = arith.constant 128 : i32
      %dma_wait3A_2082 = arith.constant 0 : i32
      %dma_wait3A_2083 = tpu.memref_slice %arg8[%dma_wait3A_2081, %dma_wait3A_2082] : memref<1024x32xf32, #tpu.memory_space<vmem>> -> memref<128x32xf32, #tpu.memory_space<vmem>>
      %dma_wait3A_2084 = arith.constant 0 : i32
      %dma_wait3A_2085 = tpu.memref_slice %arg6[%dma_wait3A_2080, %dma_wait3A_2084] : memref<8x128xi32, #tpu.memory_space<vmem>> -> memref<1x128xi32, #tpu.memory_space<vmem>>
      %dma_wait3A_2086 = tpu.memref_squeeze %dma_wait3A_2085 : memref<1x128xi32, #tpu.memory_space<vmem>> -> memref<128xi32, #tpu.memory_space<vmem>>
      %dma_wait3A_2087 = arith.constant 0 : i32
      %dma_wait3A_2088 = arith.constant 0 : i32
      %dma_wait3A_2089 = tpu.memref_slice %arg2[%dma_wait3A_2087, %dma_wait3A_2088] : memref<1000000x32xf32, #tpu.memory_space<hbm>> -> memref<1000000x32xf32, #tpu.memory_space<hbm>>
      tpu.wait_indirect_dma semaphore(%arg9 : memref<!tpu.dma_semaphore, #tpu.memory_space<semaphore_mem>>) src(%dma_wait3A_2089 : memref<1000000x32xf32, #tpu.memory_space<hbm>>) dst(%dma_wait3A_2083 : memref<128x32xf32, #tpu.memory_space<vmem>>)
      %dma_wait3A_2090 = arith.constant 2 : i32
      %dma_wait3A_2091 = arith.constant 256 : i32
      %dma_wait3A_2092 = arith.constant 0 : i32
      %dma_wait3A_2093 = tpu.memref_slice %arg8[%dma_wait3A_2091, %dma_wait3A_2092] : memref<1024x32xf32, #tpu.memory_space<vmem>> -> memref<128x32xf32, #tpu.memory_space<vmem>>
      %dma_wait3A_2094 = arith.constant 0 : i32
      %dma_wait3A_2095 = tpu.memref_slice %arg6[%dma_wait3A_2090, %dma_wait3A_2094] : memref<8x128xi32, #tpu.memory_space<vmem>> -> memref<1x128xi32, #tpu.memory_space<vmem>>
      %dma_wait3A_2096 = tpu.memref_squeeze %dma_wait3A_2095 : memref<1x128xi32, #tpu.memory_space<vmem>> -> memref<128xi32, #tpu.memory_space<vmem>>
      %dma_wait3A_2097 = arith.constant 0 : i32
      %dma_wait3A_2098 = arith.constant 0 : i32
      %dma_wait3A_2099 = tpu.memref_slice %arg2[%dma_wait3A_2097, %dma_wait3A_2098] : memref<1000000x32xf32, #tpu.memory_space<hbm>> -> memref<1000000x32xf32, #tpu.memory_space<hbm>>
      tpu.wait_indirect_dma semaphore(%arg9 : memref<!tpu.dma_semaphore, #tpu.memory_space<semaphore_mem>>) src(%dma_wait3A_2099 : memref<1000000x32xf32, #tpu.memory_space<hbm>>) dst(%dma_wait3A_2093 : memref<128x32xf32, #tpu.memory_space<vmem>>)
      %dma_wait3A_2100 = arith.constant 3 : i32
      %dma_wait3A_2101 = arith.constant 384 : i32
      %dma_wait3A_2102 = arith.constant 0 : i32
      %dma_wait3A_2103 = tpu.memref_slice %arg8[%dma_wait3A_2101, %dma_wait3A_2102] : memref<1024x32xf32, #tpu.memory_space<vmem>> -> memref<128x32xf32, #tpu.memory_space<vmem>>
      %dma_wait3A_2104 = arith.constant 0 : i32
      %dma_wait3A_2105 = tpu.memref_slice %arg6[%dma_wait3A_2100, %dma_wait3A_2104] : memref<8x128xi32, #tpu.memory_space<vmem>> -> memref<1x128xi32, #tpu.memory_space<vmem>>
      %dma_wait3A_2106 = tpu.memref_squeeze %dma_wait3A_2105 : memref<1x128xi32, #tpu.memory_space<vmem>> -> memref<128xi32, #tpu.memory_space<vmem>>
      %dma_wait3A_2107 = arith.constant 0 : i32
      %dma_wait3A_2108 = arith.constant 0 : i32
      %dma_wait3A_2109 = tpu.memref_slice %arg2[%dma_wait3A_2107, %dma_wait3A_2108] : memref<1000000x32xf32, #tpu.memory_space<hbm>> -> memref<1000000x32xf32, #tpu.memory_space<hbm>>
      tpu.wait_indirect_dma semaphore(%arg9 : memref<!tpu.dma_semaphore, #tpu.memory_space<semaphore_mem>>) src(%dma_wait3A_2109 : memref<1000000x32xf32, #tpu.memory_space<hbm>>) dst(%dma_wait3A_2103 : memref<128x32xf32, #tpu.memory_space<vmem>>)
      %dma_wait3A_2110 = arith.constant 4 : i32
      %dma_wait3A_2111 = arith.constant 512 : i32
      %dma_wait3A_2112 = arith.constant 0 : i32
      %dma_wait3A_2113 = tpu.memref_slice %arg8[%dma_wait3A_2111, %dma_wait3A_2112] : memref<1024x32xf32, #tpu.memory_space<vmem>> -> memref<128x32xf32, #tpu.memory_space<vmem>>
      %dma_wait3A_2114 = arith.constant 0 : i32
      %dma_wait3A_2115 = tpu.memref_slice %arg6[%dma_wait3A_2110, %dma_wait3A_2114] : memref<8x128xi32, #tpu.memory_space<vmem>> -> memref<1x128xi32, #tpu.memory_space<vmem>>
      %dma_wait3A_2116 = tpu.memref_squeeze %dma_wait3A_2115 : memref<1x128xi32, #tpu.memory_space<vmem>> -> memref<128xi32, #tpu.memory_space<vmem>>
      %dma_wait3A_2117 = arith.constant 0 : i32
      %dma_wait3A_2118 = arith.constant 0 : i32
      %dma_wait3A_2119 = tpu.memref_slice %arg2[%dma_wait3A_2117, %dma_wait3A_2118] : memref<1000000x32xf32, #tpu.memory_space<hbm>> -> memref<1000000x32xf32, #tpu.memory_space<hbm>>
      tpu.wait_indirect_dma semaphore(%arg9 : memref<!tpu.dma_semaphore, #tpu.memory_space<semaphore_mem>>) src(%dma_wait3A_2119 : memref<1000000x32xf32, #tpu.memory_space<hbm>>) dst(%dma_wait3A_2113 : memref<128x32xf32, #tpu.memory_space<vmem>>)
      %dma_wait3A_2120 = arith.constant 5 : i32
      %dma_wait3A_2121 = arith.constant 640 : i32
      %dma_wait3A_2122 = arith.constant 0 : i32
      %dma_wait3A_2123 = tpu.memref_slice %arg8[%dma_wait3A_2121, %dma_wait3A_2122] : memref<1024x32xf32, #tpu.memory_space<vmem>> -> memref<128x32xf32, #tpu.memory_space<vmem>>
      %dma_wait3A_2124 = arith.constant 0 : i32
      %dma_wait3A_2125 = tpu.memref_slice %arg6[%dma_wait3A_2120, %dma_wait3A_2124] : memref<8x128xi32, #tpu.memory_space<vmem>> -> memref<1x128xi32, #tpu.memory_space<vmem>>
      %dma_wait3A_2126 = tpu.memref_squeeze %dma_wait3A_2125 : memref<1x128xi32, #tpu.memory_space<vmem>> -> memref<128xi32, #tpu.memory_space<vmem>>
      %dma_wait3A_2127 = arith.constant 0 : i32
      %dma_wait3A_2128 = arith.constant 0 : i32
      %dma_wait3A_2129 = tpu.memref_slice %arg2[%dma_wait3A_2127, %dma_wait3A_2128] : memref<1000000x32xf32, #tpu.memory_space<hbm>> -> memref<1000000x32xf32, #tpu.memory_space<hbm>>
      tpu.wait_indirect_dma semaphore(%arg9 : memref<!tpu.dma_semaphore, #tpu.memory_space<semaphore_mem>>) src(%dma_wait3A_2129 : memref<1000000x32xf32, #tpu.memory_space<hbm>>) dst(%dma_wait3A_2123 : memref<128x32xf32, #tpu.memory_space<vmem>>)
      %dma_wait3A_2130 = arith.constant 6 : i32
      %dma_wait3A_2131 = arith.constant 768 : i32
      %dma_wait3A_2132 = arith.constant 0 : i32
      %dma_wait3A_2133 = tpu.memref_slice %arg8[%dma_wait3A_2131, %dma_wait3A_2132] : memref<1024x32xf32, #tpu.memory_space<vmem>> -> memref<128x32xf32, #tpu.memory_space<vmem>>
      %dma_wait3A_2134 = arith.constant 0 : i32
      %dma_wait3A_2135 = tpu.memref_slice %arg6[%dma_wait3A_2130, %dma_wait3A_2134] : memref<8x128xi32, #tpu.memory_space<vmem>> -> memref<1x128xi32, #tpu.memory_space<vmem>>
      %dma_wait3A_2136 = tpu.memref_squeeze %dma_wait3A_2135 : memref<1x128xi32, #tpu.memory_space<vmem>> -> memref<128xi32, #tpu.memory_space<vmem>>
      %dma_wait3A_2137 = arith.constant 0 : i32
      %dma_wait3A_2138 = arith.constant 0 : i32
      %dma_wait3A_2139 = tpu.memref_slice %arg2[%dma_wait3A_2137, %dma_wait3A_2138] : memref<1000000x32xf32, #tpu.memory_space<hbm>> -> memref<1000000x32xf32, #tpu.memory_space<hbm>>
      tpu.wait_indirect_dma semaphore(%arg9 : memref<!tpu.dma_semaphore, #tpu.memory_space<semaphore_mem>>) src(%dma_wait3A_2139 : memref<1000000x32xf32, #tpu.memory_space<hbm>>) dst(%dma_wait3A_2133 : memref<128x32xf32, #tpu.memory_space<vmem>>)
      %dma_wait3A_2140 = arith.constant 7 : i32
      %dma_wait3A_2141 = arith.constant 896 : i32
      %dma_wait3A_2142 = arith.constant 0 : i32
      %dma_wait3A_2143 = tpu.memref_slice %arg8[%dma_wait3A_2141, %dma_wait3A_2142] : memref<1024x32xf32, #tpu.memory_space<vmem>> -> memref<128x32xf32, #tpu.memory_space<vmem>>
      %dma_wait3A_2144 = arith.constant 0 : i32
      %dma_wait3A_2145 = tpu.memref_slice %arg6[%dma_wait3A_2140, %dma_wait3A_2144] : memref<8x128xi32, #tpu.memory_space<vmem>> -> memref<1x128xi32, #tpu.memory_space<vmem>>
      %dma_wait3A_2146 = tpu.memref_squeeze %dma_wait3A_2145 : memref<1x128xi32, #tpu.memory_space<vmem>> -> memref<128xi32, #tpu.memory_space<vmem>>
      %dma_wait3A_2147 = arith.constant 0 : i32
      %dma_wait3A_2148 = arith.constant 0 : i32
      %dma_wait3A_2149 = tpu.memref_slice %arg2[%dma_wait3A_2147, %dma_wait3A_2148] : memref<1000000x32xf32, #tpu.memory_space<hbm>> -> memref<1000000x32xf32, #tpu.memory_space<hbm>>
      tpu.wait_indirect_dma semaphore(%arg9 : memref<!tpu.dma_semaphore, #tpu.memory_space<semaphore_mem>>) src(%dma_wait3A_2149 : memref<1000000x32xf32, #tpu.memory_space<hbm>>) dst(%dma_wait3A_2143 : memref<128x32xf32, #tpu.memory_space<vmem>>)
      "tpu.region"() ({
        %run_scoped3A = tpu.sem_alloc : memref<!tpu.dma_semaphore, #tpu.memory_space<semaphore_mem>>
        %dma_start3A_2150 = arith.constant 0 : i32
        %dma_start3A_2151 = tpu.memref_slice %arg4[%add3A_15, %dma_start3A_2150] : memref<425984x32xf32, #tpu.memory_space<hbm>> -> memref<1024x32xf32, #tpu.memory_space<hbm>>
        %dma_start3A_2152 = arith.constant 0 : i32
        %dma_start3A_2153 = tpu.memref_slice %arg4[%add3A_15, %dma_start3A_2152] : memref<425984x32xf32, #tpu.memory_space<hbm>> -> memref<1024x32xf32, #tpu.memory_space<hbm>>
        tpu.enqueue_dma source(%arg8 : memref<1024x32xf32, #tpu.memory_space<vmem>>) target(%dma_start3A_2153 : memref<1024x32xf32, #tpu.memory_space<hbm>>) target_semaphore(%run_scoped3A : memref<!tpu.dma_semaphore, #tpu.memory_space<semaphore_mem>>)
        %dma_wait3A_2154 = arith.constant 0 : i32
        %dma_wait3A_2155 = tpu.memref_slice %arg4[%add3A_15, %dma_wait3A_2154] : memref<425984x32xf32, #tpu.memory_space<hbm>> -> memref<1024x32xf32, #tpu.memory_space<hbm>>
        %dma_wait3A_2156 = arith.constant 0 : i32
        %dma_wait3A_2157 = tpu.memref_slice %arg4[%add3A_15, %dma_wait3A_2156] : memref<425984x32xf32, #tpu.memory_space<hbm>> -> memref<1024x32xf32, #tpu.memory_space<hbm>>
        tpu.wait_dma2 semaphore(%run_scoped3A : memref<!tpu.dma_semaphore, #tpu.memory_space<semaphore_mem>>) src(%arg8 : memref<1024x32xf32, #tpu.memory_space<vmem>>) dst(%dma_wait3A_2157 : memref<1024x32xf32, #tpu.memory_space<hbm>>)
        tpu.yield
      }) : () -> ()
      "tpu.region"() ({
        %run_scoped3A = tpu.sem_alloc : memref<!tpu.dma_semaphore, #tpu.memory_space<semaphore_mem>>
        %dma_start3A_2150 = arith.constant 0 : i32
        %dma_start3A_2151 = tpu.memref_slice %arg5[%add3A_10, %dma_start3A_2150] : memref<3328x128xf32, #tpu.memory_space<hbm>> -> memref<8x128xf32, #tpu.memory_space<hbm>>
        %dma_start3A_2152 = arith.constant 0 : i32
        %dma_start3A_2153 = tpu.memref_slice %arg5[%add3A_10, %dma_start3A_2152] : memref<3328x128xf32, #tpu.memory_space<hbm>> -> memref<8x128xf32, #tpu.memory_space<hbm>>
        tpu.enqueue_dma source(%arg7 : memref<8x128xf32, #tpu.memory_space<vmem>>) target(%dma_start3A_2153 : memref<8x128xf32, #tpu.memory_space<hbm>>) target_semaphore(%run_scoped3A : memref<!tpu.dma_semaphore, #tpu.memory_space<semaphore_mem>>)
        %dma_wait3A_2154 = arith.constant 0 : i32
        %dma_wait3A_2155 = tpu.memref_slice %arg5[%add3A_10, %dma_wait3A_2154] : memref<3328x128xf32, #tpu.memory_space<hbm>> -> memref<8x128xf32, #tpu.memory_space<hbm>>
        %dma_wait3A_2156 = arith.constant 0 : i32
        %dma_wait3A_2157 = tpu.memref_slice %arg5[%add3A_10, %dma_wait3A_2156] : memref<3328x128xf32, #tpu.memory_space<hbm>> -> memref<8x128xf32, #tpu.memory_space<hbm>>
        tpu.wait_dma2 semaphore(%run_scoped3A : memref<!tpu.dma_semaphore, #tpu.memory_space<semaphore_mem>>) src(%arg7 : memref<8x128xf32, #tpu.memory_space<vmem>>) dst(%dma_wait3A_2157 : memref<8x128xf32, #tpu.memory_space<hbm>>)
        tpu.yield
      }) : () -> ()
    }
    %scan3A_4 = arith.constant 13 : i32
    return
  }
}

module attributes {stable_mosaic.version = 14 : i64} {
  func.func @_mlp_body(%arg0: i32, %arg1: memref<3328x128xf32, #tpu.memory_space<vmem>>, %arg2: memref<104x128xf32, #tpu.memory_space<vmem>>, %arg3: memref<1x64xf32, #tpu.memory_space<vmem>>, %arg4: memref<128x128xbf16, #tpu.memory_space<vmem>>, %arg5: memref<1x128xf32, #tpu.memory_space<vmem>>, %arg6: memref<128x128xbf16, #tpu.memory_space<vmem>>, %arg7: memref<1x128xf32, #tpu.memory_space<vmem>>, %arg8: memref<128x64xbf16, #tpu.memory_space<vmem>>, %arg9: memref<1x64xf32, #tpu.memory_space<vmem>>, %arg10: memref<3328x64xf32, #tpu.memory_space<vmem>>) attributes {dimension_semantics = [#tpu.dimension_semantics<arbitrary>], iteration_bounds = array<i64: 32>, scalar_prefetch = 0 : i64, scratch_operands = 0 : i64, tpu.core_type = #tpu.core_type<tc>, window_params = [{transform_indices = @transform_0, window_bounds = array<i64: 3328, 128>}, {transform_indices = @transform_1, window_bounds = array<i64: 104, 128>}, {pipeline_mode = #tpu.pipeline_mode<synchronous>, transform_indices = @transform_2, window_bounds = array<i64: 1, 64>}, {pipeline_mode = #tpu.pipeline_mode<synchronous>, transform_indices = @transform_3, window_bounds = array<i64: 128, 128>}, {pipeline_mode = #tpu.pipeline_mode<synchronous>, transform_indices = @transform_4, window_bounds = array<i64: 1, 128>}, {pipeline_mode = #tpu.pipeline_mode<synchronous>, transform_indices = @transform_5, window_bounds = array<i64: 128, 128>}, {pipeline_mode = #tpu.pipeline_mode<synchronous>, transform_indices = @transform_6, window_bounds = array<i64: 1, 128>}, {pipeline_mode = #tpu.pipeline_mode<synchronous>, transform_indices = @transform_7, window_bounds = array<i64: 128, 64>}, {pipeline_mode = #tpu.pipeline_mode<synchronous>, transform_indices = @transform_8, window_bounds = array<i64: 1, 64>}, {transform_indices = @transform_9, window_bounds = array<i64: 3328, 64>}]} {
    %get3A = arith.constant 0 : index
    %get3A_0 = arith.constant 0 : index
    %get3A_1 = vector.load %arg1[%get3A, %get3A_0] : memref<3328x128xf32, #tpu.memory_space<vmem>>, vector<3328x128xf32>
    %convert_element_type3A = arith.truncf %get3A_1 : vector<3328x128xf32> to vector<3328x128xbf16>
    %get3A_2 = arith.constant 0 : index
    %get3A_3 = arith.constant 0 : index
    %get3A_4 = vector.load %arg4[%get3A_2, %get3A_3] : memref<128x128xbf16, #tpu.memory_space<vmem>>, vector<128x128xbf16>
    %dot_general3A = arith.constant dense<0.000000e+00> : vector<3328x128xf32>
    %dot_general3A_5 = tpu.matmul %convert_element_type3A, %get3A_4, %dot_general3A {dimension_numbers = #tpu.dot_dimension_numbers<[1], [0], [0], [1], [0, 0, 1, 1], [], []>, transpose_lhs_hint = false} : vector<3328x128xbf16>, vector<128x128xbf16>, vector<3328x128xf32> -> vector<3328x128xf32>
    %get3A_6 = arith.constant 0 : index
    %get3A_7 = arith.constant 0 : index
    %get3A_8 = vector.load %arg5[%get3A_6, %get3A_7] : memref<1x128xf32, #tpu.memory_space<vmem>>, vector<1x128xf32>
    %add3A = vector.broadcast %get3A_8 : vector<1x128xf32> to vector<3328x128xf32>
    %add3A_9 = arith.addf %dot_general3A_5, %add3A : vector<3328x128xf32>
    %max3A = arith.constant 0.000000e+00 : f32
    %max3A_10 = vector.broadcast %max3A : f32 to vector<3328x128xf32>
    %max3A_11 = arith.maximumf %add3A_9, %max3A_10 : vector<3328x128xf32>
    %convert_element_type3A_12 = arith.truncf %max3A_11 : vector<3328x128xf32> to vector<3328x128xbf16>
    %get3A_13 = arith.constant 0 : index
    %get3A_14 = arith.constant 0 : index
    %get3A_15 = vector.load %arg6[%get3A_13, %get3A_14] : memref<128x128xbf16, #tpu.memory_space<vmem>>, vector<128x128xbf16>
    %dot_general3A_16 = arith.constant dense<0.000000e+00> : vector<3328x128xf32>
    %dot_general3A_17 = tpu.matmul %convert_element_type3A_12, %get3A_15, %dot_general3A_16 {dimension_numbers = #tpu.dot_dimension_numbers<[1], [0], [0], [1], [0, 0, 1, 1], [], []>, transpose_lhs_hint = false} : vector<3328x128xbf16>, vector<128x128xbf16>, vector<3328x128xf32> -> vector<3328x128xf32>
    %get3A_18 = arith.constant 0 : index
    %get3A_19 = arith.constant 0 : index
    %get3A_20 = vector.load %arg7[%get3A_18, %get3A_19] : memref<1x128xf32, #tpu.memory_space<vmem>>, vector<1x128xf32>
    %add3A_21 = vector.broadcast %get3A_20 : vector<1x128xf32> to vector<3328x128xf32>
    %add3A_22 = arith.addf %dot_general3A_17, %add3A_21 : vector<3328x128xf32>
    %max3A_23 = arith.constant 0.000000e+00 : f32
    %max3A_24 = vector.broadcast %max3A_23 : f32 to vector<3328x128xf32>
    %max3A_25 = arith.maximumf %add3A_22, %max3A_24 : vector<3328x128xf32>
    %convert_element_type3A_26 = arith.truncf %max3A_25 : vector<3328x128xf32> to vector<3328x128xbf16>
    %get3A_27 = arith.constant 0 : index
    %get3A_28 = arith.constant 0 : index
    %get3A_29 = vector.load %arg8[%get3A_27, %get3A_28] : memref<128x64xbf16, #tpu.memory_space<vmem>>, vector<128x64xbf16>
    %dot_general3A_30 = arith.constant dense<0.000000e+00> : vector<3328x64xf32>
    %dot_general3A_31 = tpu.matmul %convert_element_type3A_26, %get3A_29, %dot_general3A_30 {dimension_numbers = #tpu.dot_dimension_numbers<[1], [0], [0], [1], [0, 0, 1, 1], [], []>, transpose_lhs_hint = false} : vector<3328x128xbf16>, vector<128x64xbf16>, vector<3328x64xf32> -> vector<3328x64xf32>
    %get3A_32 = arith.constant 0 : index
    %get3A_33 = arith.constant 0 : index
    %get3A_34 = vector.load %arg9[%get3A_32, %get3A_33] : memref<1x64xf32, #tpu.memory_space<vmem>>, vector<1x64xf32>
    %add3A_35 = vector.broadcast %get3A_34 : vector<1x64xf32> to vector<3328x64xf32>
    %add3A_36 = arith.addf %dot_general3A_31, %add3A_35 : vector<3328x64xf32>
    %get3A_37 = arith.constant 0 : index
    %get3A_38 = arith.constant 0 : index
    %get3A_39 = vector.load %arg2[%get3A_37, %get3A_38] : memref<104x128xf32, #tpu.memory_space<vmem>>, vector<104x128xf32>
    %reshape3A = vector.shape_cast %get3A_39 : vector<104x128xf32> to vector<104x1x128xf32>
    %broadcast_in_dim3A = vector.shape_cast %reshape3A : vector<104x1x128xf32> to vector<104x1x128xf32>
    %broadcast_in_dim3A_40 = vector.broadcast %broadcast_in_dim3A : vector<104x1x128xf32> to vector<104x32x128xf32>
    %reshape3A_41 = vector.shape_cast %broadcast_in_dim3A_40 : vector<104x32x128xf32> to vector<3328x128xf32>
    %iota3A = tpu.iota {dimensions = array<i32: 0>} : vector<3328x128xi32>
    %iota3A_42 = tpu.iota {dimensions = array<i32: 1>} : vector<3328x128xi32>
    %iota3A_43 = tpu.iota {dimensions = array<i32: 1>} : vector<1x64xi32>
    %broadcast_in_dim3A_44 = arith.constant 0.000000e+00 : f32
    %broadcast_in_dim3A_45 = vector.broadcast %broadcast_in_dim3A_44 : f32 to vector<3328x64xf32>
    %and3A = arith.constant 31 : i32
    %and3A_46 = vector.broadcast %and3A : i32 to vector<3328x128xi32>
    %and3A_47 = arith.andi %iota3A, %and3A_46 : vector<3328x128xi32>
    %mul3A = arith.constant 4 : i32
    %mul3A_48 = vector.broadcast %mul3A : i32 to vector<3328x128xi32>
    %mul3A_49 = arith.muli %mul3A_48, %and3A_47 : vector<3328x128xi32>
    %add3A_50 = arith.constant 0 : i32
    %add3A_51 = vector.broadcast %add3A_50 : i32 to vector<3328x128xi32>
    %add3A_52 = arith.addi %mul3A_49, %add3A_51 : vector<3328x128xi32>
    %eq3A = arith.cmpi eq, %iota3A_42, %add3A_52 : vector<3328x128xi32>
    %jit3A = arith.constant 0.000000e+00 : f32
    %broadcast_in_dim3A_53 = vector.broadcast %jit3A : f32 to vector<3328x128xf32>
    %select_n3A = arith.select %eq3A, %reshape3A_41, %broadcast_in_dim3A_53 : vector<3328x128xi1>, vector<3328x128xf32>
    %reduce_sum3A = arith.constant dense<0.000000e+00> : vector<3328xf32>
    %reduce_sum3A_54 = vector.multi_reduction <add>, %select_n3A, %reduce_sum3A [1] : vector<3328x128xf32> to vector<3328xf32>
    %broadcast_in_dim3A_55 = vector.shape_cast %reduce_sum3A_54 : vector<3328xf32> to vector<3328x1xf32>
    %ge3A = arith.constant 0 : i32
    %ge3A_56 = vector.broadcast %ge3A : i32 to vector<1x64xi32>
    %ge3A_57 = arith.cmpi sge, %iota3A_43, %ge3A_56 : vector<1x64xi32>
    %lt3A = arith.constant 16 : i32
    %lt3A_58 = vector.broadcast %lt3A : i32 to vector<1x64xi32>
    %lt3A_59 = arith.cmpi slt, %iota3A_43, %lt3A_58 : vector<1x64xi32>
    %and3A_60 = arith.andi %ge3A_57, %lt3A_59 : vector<1x64xi1>
    %jit3A_61 = arith.constant 1.000000e+00 : f32
    %jit3A_62 = arith.constant 0.000000e+00 : f32
    %broadcast_in_dim3A_63 = vector.broadcast %jit3A_61 : f32 to vector<1x64xf32>
    %broadcast_in_dim3A_64 = vector.broadcast %jit3A_62 : f32 to vector<1x64xf32>
    %select_n3A_65 = arith.select %and3A_60, %broadcast_in_dim3A_63, %broadcast_in_dim3A_64 : vector<1x64xi1>, vector<1x64xf32>
    %mul3A_66 = vector.broadcast %broadcast_in_dim3A_55 : vector<3328x1xf32> to vector<3328x64xf32>
    %mul3A_67 = vector.broadcast %select_n3A_65 : vector<1x64xf32> to vector<3328x64xf32>
    %mul3A_68 = arith.mulf %mul3A_66, %mul3A_67 : vector<3328x64xf32>
    %add3A_69 = arith.addf %broadcast_in_dim3A_45, %mul3A_68 : vector<3328x64xf32>
    %and3A_70 = arith.constant 31 : i32
    %and3A_71 = vector.broadcast %and3A_70 : i32 to vector<3328x128xi32>
    %and3A_72 = arith.andi %iota3A, %and3A_71 : vector<3328x128xi32>
    %mul3A_73 = arith.constant 4 : i32
    %mul3A_74 = vector.broadcast %mul3A_73 : i32 to vector<3328x128xi32>
    %mul3A_75 = arith.muli %mul3A_74, %and3A_72 : vector<3328x128xi32>
    %add3A_76 = arith.constant 1 : i32
    %add3A_77 = vector.broadcast %add3A_76 : i32 to vector<3328x128xi32>
    %add3A_78 = arith.addi %mul3A_75, %add3A_77 : vector<3328x128xi32>
    %eq3A_79 = arith.cmpi eq, %iota3A_42, %add3A_78 : vector<3328x128xi32>
    %jit3A_80 = arith.constant 0.000000e+00 : f32
    %broadcast_in_dim3A_81 = vector.broadcast %jit3A_80 : f32 to vector<3328x128xf32>
    %select_n3A_82 = arith.select %eq3A_79, %reshape3A_41, %broadcast_in_dim3A_81 : vector<3328x128xi1>, vector<3328x128xf32>
    %reduce_sum3A_83 = arith.constant dense<0.000000e+00> : vector<3328xf32>
    %reduce_sum3A_84 = vector.multi_reduction <add>, %select_n3A_82, %reduce_sum3A_83 [1] : vector<3328x128xf32> to vector<3328xf32>
    %broadcast_in_dim3A_85 = vector.shape_cast %reduce_sum3A_84 : vector<3328xf32> to vector<3328x1xf32>
    %ge3A_86 = arith.constant 16 : i32
    %ge3A_87 = vector.broadcast %ge3A_86 : i32 to vector<1x64xi32>
    %ge3A_88 = arith.cmpi sge, %iota3A_43, %ge3A_87 : vector<1x64xi32>
    %lt3A_89 = arith.constant 32 : i32
    %lt3A_90 = vector.broadcast %lt3A_89 : i32 to vector<1x64xi32>
    %lt3A_91 = arith.cmpi slt, %iota3A_43, %lt3A_90 : vector<1x64xi32>
    %and3A_92 = arith.andi %ge3A_88, %lt3A_91 : vector<1x64xi1>
    %jit3A_93 = arith.constant 1.000000e+00 : f32
    %jit3A_94 = arith.constant 0.000000e+00 : f32
    %broadcast_in_dim3A_95 = vector.broadcast %jit3A_93 : f32 to vector<1x64xf32>
    %broadcast_in_dim3A_96 = vector.broadcast %jit3A_94 : f32 to vector<1x64xf32>
    %select_n3A_97 = arith.select %and3A_92, %broadcast_in_dim3A_95, %broadcast_in_dim3A_96 : vector<1x64xi1>, vector<1x64xf32>
    %mul3A_98 = vector.broadcast %broadcast_in_dim3A_85 : vector<3328x1xf32> to vector<3328x64xf32>
    %mul3A_99 = vector.broadcast %select_n3A_97 : vector<1x64xf32> to vector<3328x64xf32>
    %mul3A_100 = arith.mulf %mul3A_98, %mul3A_99 : vector<3328x64xf32>
    %add3A_101 = arith.addf %add3A_69, %mul3A_100 : vector<3328x64xf32>
    %and3A_102 = arith.constant 31 : i32
    %and3A_103 = vector.broadcast %and3A_102 : i32 to vector<3328x128xi32>
    %and3A_104 = arith.andi %iota3A, %and3A_103 : vector<3328x128xi32>
    %mul3A_105 = arith.constant 4 : i32
    %mul3A_106 = vector.broadcast %mul3A_105 : i32 to vector<3328x128xi32>
    %mul3A_107 = arith.muli %mul3A_106, %and3A_104 : vector<3328x128xi32>
    %add3A_108 = arith.constant 2 : i32
    %add3A_109 = vector.broadcast %add3A_108 : i32 to vector<3328x128xi32>
    %add3A_110 = arith.addi %mul3A_107, %add3A_109 : vector<3328x128xi32>
    %eq3A_111 = arith.cmpi eq, %iota3A_42, %add3A_110 : vector<3328x128xi32>
    %jit3A_112 = arith.constant 0.000000e+00 : f32
    %broadcast_in_dim3A_113 = vector.broadcast %jit3A_112 : f32 to vector<3328x128xf32>
    %select_n3A_114 = arith.select %eq3A_111, %reshape3A_41, %broadcast_in_dim3A_113 : vector<3328x128xi1>, vector<3328x128xf32>
    %reduce_sum3A_115 = arith.constant dense<0.000000e+00> : vector<3328xf32>
    %reduce_sum3A_116 = vector.multi_reduction <add>, %select_n3A_114, %reduce_sum3A_115 [1] : vector<3328x128xf32> to vector<3328xf32>
    %broadcast_in_dim3A_117 = vector.shape_cast %reduce_sum3A_116 : vector<3328xf32> to vector<3328x1xf32>
    %ge3A_118 = arith.constant 32 : i32
    %ge3A_119 = vector.broadcast %ge3A_118 : i32 to vector<1x64xi32>
    %ge3A_120 = arith.cmpi sge, %iota3A_43, %ge3A_119 : vector<1x64xi32>
    %lt3A_121 = arith.constant 48 : i32
    %lt3A_122 = vector.broadcast %lt3A_121 : i32 to vector<1x64xi32>
    %lt3A_123 = arith.cmpi slt, %iota3A_43, %lt3A_122 : vector<1x64xi32>
    %and3A_124 = arith.andi %ge3A_120, %lt3A_123 : vector<1x64xi1>
    %jit3A_125 = arith.constant 1.000000e+00 : f32
    %jit3A_126 = arith.constant 0.000000e+00 : f32
    %broadcast_in_dim3A_127 = vector.broadcast %jit3A_125 : f32 to vector<1x64xf32>
    %broadcast_in_dim3A_128 = vector.broadcast %jit3A_126 : f32 to vector<1x64xf32>
    %select_n3A_129 = arith.select %and3A_124, %broadcast_in_dim3A_127, %broadcast_in_dim3A_128 : vector<1x64xi1>, vector<1x64xf32>
    %mul3A_130 = vector.broadcast %broadcast_in_dim3A_117 : vector<3328x1xf32> to vector<3328x64xf32>
    %mul3A_131 = vector.broadcast %select_n3A_129 : vector<1x64xf32> to vector<3328x64xf32>
    %mul3A_132 = arith.mulf %mul3A_130, %mul3A_131 : vector<3328x64xf32>
    %add3A_133 = arith.addf %add3A_101, %mul3A_132 : vector<3328x64xf32>
    %and3A_134 = arith.constant 31 : i32
    %and3A_135 = vector.broadcast %and3A_134 : i32 to vector<3328x128xi32>
    %and3A_136 = arith.andi %iota3A, %and3A_135 : vector<3328x128xi32>
    %mul3A_137 = arith.constant 4 : i32
    %mul3A_138 = vector.broadcast %mul3A_137 : i32 to vector<3328x128xi32>
    %mul3A_139 = arith.muli %mul3A_138, %and3A_136 : vector<3328x128xi32>
    %add3A_140 = arith.constant 3 : i32
    %add3A_141 = vector.broadcast %add3A_140 : i32 to vector<3328x128xi32>
    %add3A_142 = arith.addi %mul3A_139, %add3A_141 : vector<3328x128xi32>
    %eq3A_143 = arith.cmpi eq, %iota3A_42, %add3A_142 : vector<3328x128xi32>
    %jit3A_144 = arith.constant 0.000000e+00 : f32
    %broadcast_in_dim3A_145 = vector.broadcast %jit3A_144 : f32 to vector<3328x128xf32>
    %select_n3A_146 = arith.select %eq3A_143, %reshape3A_41, %broadcast_in_dim3A_145 : vector<3328x128xi1>, vector<3328x128xf32>
    %reduce_sum3A_147 = arith.constant dense<0.000000e+00> : vector<3328xf32>
    %reduce_sum3A_148 = vector.multi_reduction <add>, %select_n3A_146, %reduce_sum3A_147 [1] : vector<3328x128xf32> to vector<3328xf32>
    %broadcast_in_dim3A_149 = vector.shape_cast %reduce_sum3A_148 : vector<3328xf32> to vector<3328x1xf32>
    %ge3A_150 = arith.constant 48 : i32
    %ge3A_151 = vector.broadcast %ge3A_150 : i32 to vector<1x64xi32>
    %ge3A_152 = arith.cmpi sge, %iota3A_43, %ge3A_151 : vector<1x64xi32>
    %lt3A_153 = arith.constant 64 : i32
    %lt3A_154 = vector.broadcast %lt3A_153 : i32 to vector<1x64xi32>
    %lt3A_155 = arith.cmpi slt, %iota3A_43, %lt3A_154 : vector<1x64xi32>
    %and3A_156 = arith.andi %ge3A_152, %lt3A_155 : vector<1x64xi1>
    %jit3A_157 = arith.constant 1.000000e+00 : f32
    %jit3A_158 = arith.constant 0.000000e+00 : f32
    %broadcast_in_dim3A_159 = vector.broadcast %jit3A_157 : f32 to vector<1x64xf32>
    %broadcast_in_dim3A_160 = vector.broadcast %jit3A_158 : f32 to vector<1x64xf32>
    %select_n3A_161 = arith.select %and3A_156, %broadcast_in_dim3A_159, %broadcast_in_dim3A_160 : vector<1x64xi1>, vector<1x64xf32>
    %mul3A_162 = vector.broadcast %broadcast_in_dim3A_149 : vector<3328x1xf32> to vector<3328x64xf32>
    %mul3A_163 = vector.broadcast %select_n3A_161 : vector<1x64xf32> to vector<3328x64xf32>
    %mul3A_164 = arith.mulf %mul3A_162, %mul3A_163 : vector<3328x64xf32>
    %add3A_165 = arith.addf %add3A_133, %mul3A_164 : vector<3328x64xf32>
    %gt3A = arith.constant 5.000000e-01 : f32
    %gt3A_166 = vector.broadcast %gt3A : f32 to vector<3328x64xf32>
    %gt3A_167 = arith.cmpf ogt, %add3A_165, %gt3A_166 : vector<3328x64xf32>
    %get3A_168 = arith.constant 0 : index
    %get3A_169 = arith.constant 0 : index
    %get3A_170 = vector.load %arg3[%get3A_168, %get3A_169] : memref<1x64xf32, #tpu.memory_space<vmem>>, vector<1x64xf32>
    %broadcast_in_dim3A_171 = vector.shape_cast %get3A_170 : vector<1x64xf32> to vector<1x64xf32>
    %broadcast_in_dim3A_172 = vector.broadcast %broadcast_in_dim3A_171 : vector<1x64xf32> to vector<3328x64xf32>
    %select_n3A_173 = arith.select %gt3A_167, %broadcast_in_dim3A_172, %add3A_36 : vector<3328x64xi1>, vector<3328x64xf32>
    %swap3A = arith.constant 0 : index
    %swap3A_174 = arith.constant 0 : index
    %swap3A_175 = vector.load %arg10[%swap3A, %swap3A_174] : memref<3328x64xf32, #tpu.memory_space<vmem>>, vector<3328x64xf32>
    tpu.vector_store %arg10[%swap3A, %swap3A_174], %select_n3A_173 {strides = array<i32>} : memref<3328x64xf32, #tpu.memory_space<vmem>>, vector<3328x64xf32>,
    return
  }
  func.func @transform_0(%arg0: i32) -> (i32, i32) {
    %c0_i32 = arith.constant 0 : i32
    %c0_i32_0 = arith.constant 0 : i32
    return %arg0, %c0_i32 : i32, i32
  }
  func.func @transform_1(%arg0: i32) -> (i32, i32) {
    %c0_i32 = arith.constant 0 : i32
    %c0_i32_0 = arith.constant 0 : i32
    return %arg0, %c0_i32 : i32, i32
  }
  func.func @transform_2(%arg0: i32) -> (i32, i32) {
    %c0_i32 = arith.constant 0 : i32
    %c0_i32_0 = arith.constant 0 : i32
    %c0_i32_1 = arith.constant 0 : i32
    return %c0_i32, %c0_i32_0 : i32, i32
  }
  func.func @transform_3(%arg0: i32) -> (i32, i32) {
    %c0_i32 = arith.constant 0 : i32
    %c0_i32_0 = arith.constant 0 : i32
    %c0_i32_1 = arith.constant 0 : i32
    return %c0_i32, %c0_i32_0 : i32, i32
  }
  func.func @transform_4(%arg0: i32) -> (i32, i32) {
    %c0_i32 = arith.constant 0 : i32
    %c0_i32_0 = arith.constant 0 : i32
    %c0_i32_1 = arith.constant 0 : i32
    return %c0_i32, %c0_i32_0 : i32, i32
  }
  func.func @transform_5(%arg0: i32) -> (i32, i32) {
    %c0_i32 = arith.constant 0 : i32
    %c0_i32_0 = arith.constant 0 : i32
    %c0_i32_1 = arith.constant 0 : i32
    return %c0_i32, %c0_i32_0 : i32, i32
  }
  func.func @transform_6(%arg0: i32) -> (i32, i32) {
    %c0_i32 = arith.constant 0 : i32
    %c0_i32_0 = arith.constant 0 : i32
    %c0_i32_1 = arith.constant 0 : i32
    return %c0_i32, %c0_i32_0 : i32, i32
  }
  func.func @transform_7(%arg0: i32) -> (i32, i32) {
    %c0_i32 = arith.constant 0 : i32
    %c0_i32_0 = arith.constant 0 : i32
    %c0_i32_1 = arith.constant 0 : i32
    return %c0_i32, %c0_i32_0 : i32, i32
  }
  func.func @transform_8(%arg0: i32) -> (i32, i32) {
    %c0_i32 = arith.constant 0 : i32
    %c0_i32_0 = arith.constant 0 : i32
    %c0_i32_1 = arith.constant 0 : i32
    return %c0_i32, %c0_i32_0 : i32, i32
  }
  func.func @transform_9(%arg0: i32) -> (i32, i32) {
    %c0_i32 = arith.constant 0 : i32
    %c0_i32_0 = arith.constant 0 : i32
    return %arg0, %c0_i32 : i32, i32
  }
}

</mosaic_0001>

<sc_bundles>
// kernel: kernel.4.cloned.1.call-start
scs
__scs_entry_jumppad:
0x0: {  	(pc) =	sbr.rel $0x88, $3  }
0x1: {  	(tag) =	ssettag $0x0;
	lr =	simm.s32 $0x1  }
0x2: {  	[smem:$0x3F98] =	sst lr;
	_ =	strace $0xD0000000  }
0x3: {  	_ = 	snop  }
0x4: {  	_ = 	snop  }
0x5: {  	_ = 	snop  }
0x6: {  	_ = 	snop  }
0x7: {  	_ = 	snop  }
__scs_overlays_trampoline_lowered:
0x8: {  	[smem:$0x3FA7] =	sst s0  }
0x9: {  	[smem:$0x3FA8] =	sst s1  }
0xa: {  	[smem:$0x3FA9] =	sst s2  }
0xb: {  	[smem:$0x3FAA] =	sst s3  }
0xc: {  	[smem:$0x3FAB] =	sst s4  }
0xd: {  	[smem:$0x3FAC] =	sst s5  }
0xe: {  	[smem:$0x3FAD] =	sst s6  }
0xf: {  	[smem:$0x3FAE] =	sst s7  }
0x10: {  	[smem:$0x3FAF] =	sst s8  }
0x11: {  	[smem:$0x3FB0] =	sst s9;
	s0 =	simm.s32 @!p0 $0x0  }
0x12: {  	s1 =	sld [smem:$0x3F96];
	s0 =	simm.s32 @p0 $0x1  }
0x13: {  	[smem:$0x3FB1] =	sst s0;
	s0 =	simm.s32 @!p1 $0x0  }
0x14: {  	s2 =	sld [smem:$0x3F95];
	s0 =	simm.s32 @p1 $0x1  }
0x15: {  	[smem:$0x3FB2] =	sst s0;
	s0 =	simm.s32 @!p2 $0x0  }
0x16: {  	s3 =	sld [smem:$0x3FDB];
	s0 =	simm.s32 @p2 $0x1  }
0x17: {  	s4 =	simm.s32 $0x1BF5;
	[smem:$0x3FB4] =	sst s0  }
0x18: {  	s0 =	sld [smem:$0x3F97];
	_ =	swait.ge [sflag:s4], $0x0  }
0x19: {  	s7 =	sld [smem:$0x3F98]  }
0x1a: {  	s8 =	sadd.s32 $0xFFFFE003, lr  }
0x1b: {  	s9 =	sadd.s32 $0xFFFFFEF7, lr;
	s5 =	simm.s32 $0xFFFFFFFF;
	p2 =	slt.u32 s8, $0xFFFFF086  }
0x1c: {  	p1 =	slt.u32 s9, $0xF7A;
	s5 =	simm.s32 @!p2 $0x0  }
0x1d: {  	s5 =	simm.s32 @p1 $0x1;
	p0 =	seq.s32 s7, s2  }
0x1e: {  	s7 =	smul.u32 @!p0 $0xF7A, s2;
	p2 =	seq.s32 @!p0 s5, $0x0  }
0x1f: {  	s9 =	smul.u32 $0xF7A, s1;
	s8 =	simm.s32 @!p0 $0x1BF5;
	p2 =	por !p2, p0  }
0x20: {  	[sflag:s8] =	ssyncset.s32 @!p0 $0xFFFFF086;
	s6 =	sadd.s32 @!p0 s3, s7;
	s7 =	simm.s32 @!p0 $0x108  }
0x21: {  	s3 =	sadd.s32 s3, s9;
	s6 =	sadd.s32 @!p0 $0x88, s6;
	s7 =	simm.s32 @p2 $0x1082  }
0x22: {  	[simem:s7], [sflag:s8] =	dma.local @!p0 [hbm:s6], $0xF7A  }
0x23: {  	s9 =	sor.u32 $0xD0000000, s2;
	s6 =	simm.s32 $0x108;
	_ =	swait.ge @!p0 [sflag:s8], $0x0  }
0x24: {  	s3 =	sadd.s32 $0x88, s3;
	s6 =	simm.s32 @!p1 $0x1082;
	[sflag:s4] =	ssyncset.s32 $0xFFFFF086  }
0x25: {  	[simem:s6], [sflag:s4] =	dma.local [hbm:s3], $0xF7A  }
0x26: {  	[smem:$0x3F98] =	sst s1;
	(tag) =	ssettag s2;
	_ =	strace s9  }
0x27: {  	s1 =	sld [smem:$0x3FA8]  }
0x28: {  	s2 =	sld [smem:$0x3FA9]  }
0x29: {  	s4 =	sld [smem:$0x3FAB]  }
0x2a: {  	p0 =	seq.s32 s5, $0x0;
	s5 =	sld [smem:$0x3FAC]  }
0x2b: {  	s6 =	sld [smem:$0x3FAD]  }
0x2c: {  	s7 =	sld [smem:$0x3FAE]  }
0x2d: {  	s3 =	simm.s32 $0x108;
	s8 =	sld [smem:$0x3FAF]  }
0x2e: {  	s3 =	simm.s32 @!p0 $0x1082;
	s9 =	sld [smem:$0x3FB0]  }
0x2f: {  	lr =	sadd.s32 s0, s3;
	s0 =	sld [smem:$0x3FA7]  }
0x30: {  	s3 =	sld [smem:$0x3FAA]  }
0x31: {  	[smem:$0x3FB3] =	sst s10  }
0x32: {  	s10 =	sld [smem:$0x3FB1];
	_ =	sdelay $0x3  }
0x33: {  	p0 =	seq.s32 s10, $0x1;
	s10 =	sld [smem:$0x3FB3];
	_ =	sdelay $0x3  }
0x34: {  	[smem:$0x3FB3] =	sst s10  }
0x35: {  	s10 =	sld [smem:$0x3FB2];
	_ =	sdelay $0x3  }
0x36: {  	p1 =	seq.s32 s10, $0x1;
	s10 =	sld [smem:$0x3FB3];
	_ =	sdelay $0x3  }
0x37: {  	[smem:$0x3FB3] =	sst s10  }
0x38: {  	s10 =	sld [smem:$0x3FB4]  }
0x39: {  	_ = 	snop;
	(pc) =	sbr.ind lr, $3  }
0x3a: {  	_ = 	snop  }
0x3b: {  	_ = 	snop  }
0x3c: {  	p2 =	seq.s32 s10, $0x1;
	s10 =	sld [smem:$0x3FB3]  }
0x3d: {  	_ =	shalt  }
0x3e: {  	_ =	shalt  }
0x3f: {  	_ =	shalt  }
0x40: {  	_ =	shalt  }
0x41: {  	_ =	shalt  }
0x42: {  	_ =	shalt  }
0x43: {  	_ =	shalt  }
0x44: {  	_ =	shalt  }
0x45: {  	_ =	shalt  }
0x46: {  	_ =	shalt  }
0x47: {  	_ =	shalt  }
0x48: {  	_ =	shalt  }
0x49: {  	_ =	shalt  }
0x4a: {  	_ =	shalt  }
0x4b: {  	_ =	shalt  }
0x4c: {  	_ =	shalt  }
0x4d: {  	_ =	shalt  }
0x4e: {  	_ =	shalt  }
0x4f: {  	_ =	shalt  }
0x50: {  	_ =	shalt  }
0x51: {  	_ =	shalt  }
0x52: {  	_ =	shalt  }
0x53: {  	_ =	shalt  }
0x54: {  	_ =	shalt  }
0x55: {  	_ =	shalt  }
0x56: {  	_ =	shalt  }
0x57: {  	_ =	shalt  }
0x58: {  	_ =	shalt  }
0x59: {  	_ =	shalt  }
0x5a: {  	_ =	shalt  }
0x5b: {  	_ =	shalt  }
0x5c: {  	_ =	shalt  }
0x5d: {  	_ =	shalt  }
0x5e: {  	_ =	shalt  }
0x5f: {  	_ =	shalt  }
0x60: {  	_ =	shalt  }
0x61: {  	_ =	shalt  }
0x62: {  	_ =	shalt  }
0x63: {  	_ =	shalt  }
0x64: {  	_ =	shalt  }
0x65: {  	_ =	shalt  }
0x66: {  	_ =	shalt  }
0x67: {  	_ =	shalt  }
0x68: {  	_ =	shalt  }
0x69: {  	_ =	shalt  }
0x6a: {  	_ =	shalt  }
0x6b: {  	_ =	shalt  }
0x6c: {  	_ =	shalt  }
0x6d: {  	_ =	shalt  }
0x6e: {  	_ =	shalt  }
0x6f: {  	_ =	shalt  }
0x70: {  	_ =	shalt  }
0x71: {  	_ =	shalt  }
0x72: {  	_ =	shalt  }
0x73: {  	_ =	shalt  }
0x74: {  	_ =	shalt  }
0x75: {  	_ =	shalt  }
0x76: {  	_ =	shalt  }
0x77: {  	_ =	shalt  }
0x78: {  	_ =	shalt  }
0x79: {  	_ =	shalt  }
0x7a: {  	_ =	shalt  }
0x7b: {  	_ =	shalt  }
0x7c: {  	_ =	shalt  }
0x7d: {  	_ =	shalt  }
0x7e: {  	_ =	shalt  }
0x7f: {  	_ =	shalt  }
0x80: {  	_ =	shalt  }
0x81: {  	_ =	shalt  }
0x82: {  	_ =	shalt  }
0x83: {  	_ =	shalt  }
0x84: {  	_ =	shalt  }
0x85: {  	_ =	shalt  }
0x86: {  	_ =	shalt  }
0x87: {  	_ =	shalt  }
.Lfunc_end0:
.L_simem_size_0:
called_computation_lowered:
.L_overlay_start_0:
0x88: {  	s2 =	sld [smem:$0x3FD9]  }
0x89: {  	s3 =	sld [smem:$0x3FFE];
	_ =	sdelay $0x1  }
0x8a: {  	s1 =	srdreg.scid  }
0x8b: {  	s0 =	sand.u32 $0x1, s1  }
0x8c: {  	s17 =	sshll.u32 s0, $0xA;
	s2 =	sadd.s32 s3, s2  }
0x8d: {  	s2 =	sadd.s32 s2, s17  }
0x8e: {  	[smem:$0x3FBF] =	sst s2  }
0x8f: {  	_ = 	snop  }
0x90: {  	s2 =	sld [smem:$0x3FD0];
	(tm) =	ssettm $0x1  }
0x91: {  	s18 =	sld [smem:$0x3FFB];
	_ =	sdelay $0x3  }
0x92: {  	_ =	strace s18  }
0x93: {  	s3 =	sld [smem:$0x3FFC];
	_ =	sdelay $0x3  }
0x94: {  	_ =	strace s3  }
0x95: {  	s3 =	sld [smem:$0x3FFD];
	_ =	sdelay $0x3  }
0x96: {  	_ =	strace s3  }
0x97: {  	_ =	strace $0x8FFFFFFF  }
0x98: {  	s19 =	sld [smem:$0x3FDB];
	_ =	sdelay $0x1  }
0x99: {  	s4 =	simm.s32 $_scs_section_size  }
0x9a: {  	s5 =	simm.s32 $_size__tile_overlayer_lowered;
	s6 =	simm.s32 $_tile_overlayer_lowered  }
0x9b: {  	s22 =	simm.s32 $0x1BFF;
	s21 =	sshll.u32 s6, $0x1;
	s3 =	sadd.s32 s4, s19  }
0x9c: {  	s7 =	simm.s32 $0x0;
	s20 =	sshll.u32 s5, $0x1;
	s5 =	sadd.s32 s21, s3  }
0x9d: {  	[timem:s7], [sflag:s22] =	dma.local [hbm:s5], s20  }
0x9e: {  	_ =	swait.ge [sflag:s22], s20  }
0x9f: {  	s4 =	ssub.s32 $0x0, s20;
	[sflag:s22] =	ssyncset.done $0x0  }
0xa0: {  	[sflag:s22] =	ssyncadd.s32 s4;
	_ =	sdelay $0x1  }
0xa1: {  	s23 =	simm.s32 $0x1B8B  }
0xa2: {  	_ =	swait.ge [sflag:s23], $0x1  }
0xa3: {  	[sflag:s23] =	ssyncset.done $0x0  }
0xa4: {  	s25 =	simm.s32 $0x1B8E;
	s24 =	sld [smem:$0x3FFE];
	[sflag:s23] =	ssyncadd.s32 $0xFFFFFFFF  }
0xa5: {  	s26 =	simm.s32 $execute0_lowered;
	[smem:$0x3FD2] =	sst s25  }
0xa6: {  	s5 =	sshll.u32 s26, $0x1;
	_ =	strace $0x80000046;
	[dreg:$0x1] =	wrdreg $0xFFFFFFFF  }
0xa7: {  	s28 =	simm.s32 $_size_execute0_lowered;
	s3 =	sadd.s32 s3, s5;
	[dreg:$0x0] =	wrdreg $0x0  }
0xa8: {  	s5 =	sshll.u32 s28, $0x1;
	[dreg:$0x2] =	wrdreg s3  }
0xa9: {  	[dreg:$0x3] =	wrdreg s5  }
0xaa: {  	[dreg:$0x4] =	wrdreg $0xC0  }
0xab: {  	_ =	task [dreg:s7], $0x5FFFF  }
0xac: {  	[dreg:$0x1] =	wrdreg $0xFFFFFFFF  }
0xad: {  	[dreg:$0x0] =	wrdreg $0x60  }
0xae: {  	[dreg:$0x2] =	wrdreg s24  }
0xaf: {  	[dreg:$0x3] =	wrdreg s2  }
0xb0: {  	[dreg:$0x4] =	wrdreg $0x9  }
0xb1: {  	_ =	task.clear_ibuf [dreg:s7], $0x5FFFF;
	_ =	strace $0x90000046  }
0xb2: {  	s29 =	simm.s32 $0x9;
	_ =	strace $0x80000048  }
0xb3: {  	_ =	swait.ge [sflag:s29], $0x1  }
0xb4: {  	[sflag:s29] =	ssyncadd.s32 $0xFFFFFFFF  }
0xb5: {  	_ =	strace $0x90000048  }
0xb6: {  	_ =	sfence  }
0xb7: {  	s30 =	sld [smem:$0x0];
	_ =	sdelay $0x2  }
0xb8: {  	s31 =	sshll.u32 s1, $0xD;
	s1 =	sshrl.u32 s1, $0x2  }
0xb9: {  	s3 =	sand.u32 $0x4000, s31;
	s1 =	sadd.s32 s1, s30  }
0xba: {  	s0 =	sor.u32 s3, s0;
	s1 =	sshll.u32 s1, $0x11  }
0xbb: {  	s0 =	sor.u32 s1, s0  }
0xbc: {  	s0 =	sadd.s32 $0x8F2B, s0  }
0xbd: {  	[sflag:s0] =	ssyncadd.remote.s32 $0x1  }
0xbe: {  	_ =	sfence.sel $0xFFFF  }
0xbf: {  	[dreg:$0x0] =	wrdreg $0xFFFFFFFF;
	(pc) =	sbr.abs _section_cstart, $3  }
0xc0: {  	[dreg:$0x1] =	wrdreg $0xFFFFFFFF  }
0xc1: {  	_ =	task.clear_ibuf [dreg:s7], $0x2FFFF;
	_ =	strace $0x9FFFFFFF  }
0xc2: {  	(tm) =	ssettm $0x7FFFFFFF  }
0xc3: {  	_ =	shalt  }
tec
execute0_lowered:
.L_overlay_start_1:
0x0: {  	(tag) =	ssettag $0x1  }
0x1: {  	s4 =	rddreg [dreg:$0x0];
	s1 =	srdreg.scid  }
0x2: {  	s0 =	stileid.u32;
	s7 =	rddreg [dreg:$0x1]  }
0x3: {  	s2 =	simm.s32 $0x0;
	s11 =	simm.s32 $0x1800;
	s12 =	simm.s32 $0x100  }
0x4: {  	s13 =	simm.s32 $0x2800;
	s14 =	simm.s32 $0x180;
	s15 =	simm.s32 $0x3800  }
0x5: {  	s16 =	simm.s32 $0x200;
	s17 =	simm.s32 $0x4800;
	s18 =	simm.s32 $0x280  }
0x6: {  	s19 =	simm.s32 $0x5800;
	s20 =	simm.s32 $0x300;
	s21 =	simm.s32 $0x6800  }
0x7: {  	s22 =	simm.s32 $0x380;
	s23 =	simm.s32 $0x7800;
	s6 =	smul.u32 $0xD0000, s0  }
0x8: {  	s24 =	simm.s32 $0x1;
	s5 =	sand.u32 $0x1, s1;
	s9 =	smul.u32 $0x6800, s0  }
0x9: {  	s25 =	simm.s32 $0x400;
	s1 =	rddreg [dreg:$0x2];
	s8 =	smul.u32 $0x68000, s5  }
0xa: {  	s26 =	simm.s32 $0x0;
	[smem:$0x7FF] =	sst s2;
	s10 =	smul.u32 $0x3400, s5  }
0xb: {  	s3 =	sadd.s32 $0xF43A00, s4;
	_ =	strace $0x80000047;
	s5 =	ssub.s32 $0x2, s5  }
0xc: {  	s30 =	sshrl.u32 s5, $0x1;
	s6 =	sadd.s32 s8, s6;
	s29 =	sadd.s32 s10, s9  }
0xd: {  	s5 =	ssub.s32 s5, s30;
	s9 =	simm.s32 $0x80;
	s6 =	sshrl.u32 s6, $0x3  }
0xe: {  	s10 =	simm.s32 $0x800;
	s8 =	sshrl.u32 s29, $0x3;
	s6 =	sadd.s32 s6, s4  }
0xf: {  	s31 =	sadd.s32 s8, s4;
	s4 =	smax.u32 s5, $0x1;
	s7 =	sadd.s32 s8, s7  }
0x10: {  	v0 =	vimm.f32 $0.0e+00;
	s8 =	simm.s32 $0x2;
	s5 =	sadd.s32 $0xE600, s6;
	s6 =	sadd.s32 $0x1600, s31  }
.LBB2_1:
0x11: {  	s28 =	simm.s32 $0x0;
	s29 =	smov.u32 s5  }
.LBB2_2:
0x12: {  	s30 =	sadd.s32 s28, s7  }
0x13: {  	[tilespmem:s2], [sflag:$0x2] =	stream.linear.gather [hbm4b:s30+s2], $0x400, $0x38;
	[tilespmem:$0x8800] =	vst v63  }
0x14: {  	_ =	swait.ge [sflag:s8], $0x400  }
0x15: {  	[sflag:s8] =	ssyncset.done $0x0  }
0x16: {  	[sflag:s8] =	ssyncadd.s32 $0xFFFFFC00  }
0x17: {  	v1 =	vld [tilespmem:$0x0];
	_ =	sdelay $0x1  }
0x18: {  	v2 =	vld [tilespmem:$0x10];
	_ =	sdelay $0x1  }
0x19: {  	v3 =	vld [tilespmem:$0x20]  }
0x1a: {  	vm0 =	vlt.s32 v1, $0x1;
	v1 =	vadd.s32 $0xFFFFFFFF, v1  }
0x1b: {  	v5 =	vld [tilespmem:$0x30];
	v4 =	vsel vm0, $0x3F800000, v0;
	vm9 =	vgt.s32 v1, $0x0  }
0x1c: {  	vm10 =	vlt.s32 v2, $0x1;
	v2 =	vadd.s32 $0xFFFFFFFF, v2;
	[tilespmem:$0x400] =	vst v4;
	v1 =	vnsel vm9, $0x0, v1  }
0x1d: {  	v24 =	vld [tilespmem:$0x40];
	vm11 =	vgt.s32 v2, $0x0;
	[tilespmem:$0x0] =	vst v1;
	v1 =	vsel vm10, $0x3F800000, v0  }
0x1e: {  	vm12 =	vlt.s32 v3, $0x1;
	[tilespmem:$0x410] =	vst v1;
	v1 =	vnsel vm11, $0x0, v2;
	v2 =	vadd.s32 $0xFFFFFFFF, v3  }
0x1f: {  	v3 =	vld [tilespmem:$0x50];
	[tilespmem:$0x10] =	vst v1;
	v1 =	vsel vm12, $0x3F800000, v0;
	vm13 =	vgt.s32 v2, $0x0  }
0x20: {  	vm14 =	vlt.s32 v5, $0x1;
	[tilespmem:$0x420] =	vst v1;
	v1 =	vnsel vm13, $0x0, v2;
	v2 =	vadd.s32 $0xFFFFFFFF, v5  }
0x21: {  	v25 =	vld [tilespmem:$0x60];
	[tilespmem:$0x20] =	vst v1;
	v1 =	vsel vm14, $0x3F800000, v0;
	vm15 =	vgt.s32 v2, $0x0  }
0x22: {  	vm4 =	vlt.s32 v24, $0x1;
	[tilespmem:$0x430] =	vst v1;
	v1 =	vnsel vm15, $0x0, v2;
	v2 =	vadd.s32 $0xFFFFFFFF, v24  }
0x23: {  	v26 =	vld [tilespmem:$0x70];
	[tilespmem:$0x30] =	vst v1;
	v1 =	vsel vm4, $0x3F800000, v0;
	vm5 =	vgt.s32 v2, $0x0  }
0x24: {  	vm6 =	vlt.s32 v3, $0x1;
	[tilespmem:$0x440] =	vst v1;
	v1 =	vnsel vm5, $0x0, v2;
	v2 =	vadd.s32 $0xFFFFFFFF, v3  }
0x25: {  	v3 =	vld [tilespmem:$0x80];
	[tilespmem:$0x40] =	vst v1;
	v1 =	vsel vm6, $0x3F800000, v0;
	vm7 =	vgt.s32 v2, $0x0  }
0x26: {  	vm8 =	vlt.s32 v25, $0x1;
	[tilespmem:$0x450] =	vst v1;
	v1 =	vnsel vm7, $0x0, v2;
	v2 =	vadd.s32 $0xFFFFFFFF, v25  }
0x27: {  	v27 =	vld [tilespmem:$0x90];
	[tilespmem:$0x50] =	vst v1;
	v1 =	vsel vm8, $0x3F800000, v0;
	vm9 =	vgt.s32 v2, $0x0  }
0x28: {  	vm10 =	vlt.s32 v26, $0x1;
	[tilespmem:$0x460] =	vst v1;
	v1 =	vnsel vm9, $0x0, v2;
	v2 =	vadd.s32 $0xFFFFFFFF, v26  }
0x29: {  	v28 =	vld [tilespmem:$0xA0];
	[tilespmem:$0x60] =	vst v1;
	v1 =	vsel vm10, $0x3F800000, v0;
	vm11 =	vgt.s32 v2, $0x0  }
0x2a: {  	vm12 =	vlt.s32 v3, $0x1;
	[tilespmem:$0x470] =	vst v1;
	v1 =	vnsel vm11, $0x0, v2;
	v2 =	vadd.s32 $0xFFFFFFFF, v3  }
0x2b: {  	v3 =	vld [tilespmem:$0xB0];
	[tilespmem:$0x70] =	vst v1;
	v1 =	vsel vm12, $0x3F800000, v0;
	vm13 =	vgt.s32 v2, $0x0  }
0x2c: {  	vm14 =	vlt.s32 v27, $0x1;
	[tilespmem:$0x480] =	vst v1;
	v1 =	vnsel vm13, $0x0, v2;
	v2 =	vadd.s32 $0xFFFFFFFF, v27  }
0x2d: {  	v29 =	vld [tilespmem:$0xC0];
	[tilespmem:$0x80] =	vst v1;
	v1 =	vsel vm14, $0x3F800000, v0;
	vm15 =	vgt.s32 v2, $0x0  }
0x2e: {  	vm4 =	vlt.s32 v28, $0x1;
	[tilespmem:$0x490] =	vst v1;
	v1 =	vnsel vm15, $0x0, v2;
	v2 =	vadd.s32 $0xFFFFFFFF, v28  }
0x2f: {  	v30 =	vld [tilespmem:$0xD0];
	[tilespmem:$0x90] =	vst v1;
	v1 =	vsel vm4, $0x3F800000, v0;
	vm5 =	vgt.s32 v2, $0x0  }
0x30: {  	vm6 =	vlt.s32 v3, $0x1;
	[tilespmem:$0x4A0] =	vst v1;
	v1 =	vnsel vm5, $0x0, v2;
	v2 =	vadd.s32 $0xFFFFFFFF, v3  }
0x31: {  	v3 =	vld [tilespmem:$0xE0];
	[tilespmem:$0xA0] =	vst v1;
	v1 =	vsel vm6, $0x3F800000, v0;
	vm7 =	vgt.s32 v2, $0x0  }
0x32: {  	vm8 =	vlt.s32 v29, $0x1;
	[tilespmem:$0x4B0] =	vst v1;
	v1 =	vnsel vm7, $0x0, v2;
	v2 =	vadd.s32 $0xFFFFFFFF, v29  }
0x33: {  	v31 =	vld [tilespmem:$0xF0];
	[tilespmem:$0xB0] =	vst v1;
	v1 =	vsel vm8, $0x3F800000, v0;
	vm9 =	vgt.s32 v2, $0x0  }
0x34: {  	vm10 =	vlt.s32 v30, $0x1;
	[tilespmem:$0x4C0] =	vst v1;
	v1 =	vnsel vm9, $0x0, v2;
	v2 =	vadd.s32 $0xFFFFFFFF, v30  }
0x35: {  	v32 =	vld [tilespmem:$0x100];
	[tilespmem:$0xC0] =	vst v1;
	v1 =	vsel vm10, $0x3F800000, v0;
	vm11 =	vgt.s32 v2, $0x0  }
0x36: {  	vm12 =	vlt.s32 v3, $0x1;
	[tilespmem:$0x4D0] =	vst v1;
	v1 =	vnsel vm11, $0x0, v2;
	v2 =	vadd.s32 $0xFFFFFFFF, v3  }
0x37: {  	v3 =	vld [tilespmem:$0x110];
	[tilespmem:$0xD0] =	vst v1;
	v1 =	vsel vm12, $0x3F800000, v0;
	vm13 =	vgt.s32 v2, $0x0  }
0x38: {  	vm14 =	vlt.s32 v31, $0x1;
	[tilespmem:$0x4E0] =	vst v1;
	v1 =	vnsel vm13, $0x0, v2;
	v2 =	vadd.s32 $0xFFFFFFFF, v31  }
0x39: {  	v33 =	vld [tilespmem:$0x120];
	[tilespmem:$0xE0] =	vst v1;
	v1 =	vsel vm14, $0x3F800000, v0;
	vm15 =	vgt.s32 v2, $0x0  }
0x3a: {  	vm4 =	vlt.s32 v32, $0x1;
	[tilespmem:$0x4F0] =	vst v1;
	v1 =	vnsel vm15, $0x0, v2;
	v2 =	vadd.s32 $0xFFFFFFFF, v32  }
0x3b: {  	v34 =	vld [tilespmem:$0x130];
	[tilespmem:$0xF0] =	vst v1;
	v1 =	vsel vm4, $0x3F800000, v0;
	vm5 =	vgt.s32 v2, $0x0  }
0x3c: {  	vm6 =	vlt.s32 v3, $0x1;
	[tilespmem:$0x500] =	vst v1;
	v1 =	vnsel vm5, $0x0, v2;
	v2 =	vadd.s32 $0xFFFFFFFF, v3  }
0x3d: {  	v3 =	vld [tilespmem:$0x140];
	[tilespmem:$0x100] =	vst v1;
	v1 =	vsel vm6, $0x3F800000, v0;
	vm7 =	vgt.s32 v2, $0x0  }
0x3e: {  	vm8 =	vlt.s32 v33, $0x1;
	[tilespmem:$0x510] =	vst v1;
	v1 =	vnsel vm7, $0x0, v2;
	v2 =	vadd.s32 $0xFFFFFFFF, v33  }
0x3f: {  	v35 =	vld [tilespmem:$0x150];
	[tilespmem:$0x110] =	vst v1;
	v1 =	vsel vm8, $0x3F800000, v0;
	vm9 =	vgt.s32 v2, $0x0  }
0x40: {  	vm10 =	vlt.s32 v34, $0x1;
	[tilespmem:$0x520] =	vst v1;
	v1 =	vnsel vm9, $0x0, v2;
	v2 =	vadd.s32 $0xFFFFFFFF, v34  }
0x41: {  	v36 =	vld [tilespmem:$0x160];
	[tilespmem:$0x120] =	vst v1;
	v1 =	vsel vm10, $0x3F800000, v0;
	vm11 =	vgt.s32 v2, $0x0  }
0x42: {  	vm12 =	vlt.s32 v3, $0x1;
	[tilespmem:$0x530] =	vst v1;
	v1 =	vnsel vm11, $0x0, v2;
	v2 =	vadd.s32 $0xFFFFFFFF, v3  }
0x43: {  	v3 =	vld [tilespmem:$0x170];
	[tilespmem:$0x130] =	vst v1;
	v1 =	vsel vm12, $0x3F800000, v0;
	vm13 =	vgt.s32 v2, $0x0  }
0x44: {  	vm14 =	vlt.s32 v35, $0x1;
	[tilespmem:$0x540] =	vst v1;
	v1 =	vnsel vm13, $0x0, v2;
	v2 =	vadd.s32 $0xFFFFFFFF, v35  }
0x45: {  	v37 =	vld [tilespmem:$0x180];
	[tilespmem:$0x140] =	vst v1;
	v1 =	vsel vm14, $0x3F800000, v0;
	vm15 =	vgt.s32 v2, $0x0  }
0x46: {  	vm4 =	vlt.s32 v36, $0x1;
	[tilespmem:$0x550] =	vst v1;
	v1 =	vnsel vm15, $0x0, v2;
	v2 =	vadd.s32 $0xFFFFFFFF, v36  }
0x47: {  	v38 =	vld [tilespmem:$0x190];
	[tilespmem:$0x150] =	vst v1;
	v1 =	vsel vm4, $0x3F800000, v0;
	vm5 =	vgt.s32 v2, $0x0  }
0x48: {  	vm6 =	vlt.s32 v3, $0x1;
	[tilespmem:$0x560] =	vst v1;
	v1 =	vnsel vm5, $0x0, v2;
	v2 =	vadd.s32 $0xFFFFFFFF, v3  }
0x49: {  	v3 =	vld [tilespmem:$0x1A0];
	[tilespmem:$0x160] =	vst v1;
	v1 =	vsel vm6, $0x3F800000, v0;
	vm7 =	vgt.s32 v2, $0x0  }
0x4a: {  	vm8 =	vlt.s32 v37, $0x1;
	[tilespmem:$0x570] =	vst v1;
	v1 =	vnsel vm7, $0x0, v2;
	v2 =	vadd.s32 $0xFFFFFFFF, v37  }
0x4b: {  	v39 =	vld [tilespmem:$0x1B0];
	[tilespmem:$0x170] =	vst v1;
	v1 =	vsel vm8, $0x3F800000, v0;
	vm9 =	vgt.s32 v2, $0x0  }
0x4c: {  	vm10 =	vlt.s32 v38, $0x1;
	[tilespmem:$0x580] =	vst v1;
	v1 =	vnsel vm9, $0x0, v2;
	v2 =	vadd.s32 $0xFFFFFFFF, v38  }
0x4d: {  	v40 =	vld [tilespmem:$0x1C0];
	[tilespmem:$0x180] =	vst v1;
	v1 =	vsel vm10, $0x3F800000, v0;
	vm11 =	vgt.s32 v2, $0x0  }
0x4e: {  	vm12 =	vlt.s32 v3, $0x1;
	[tilespmem:$0x590] =	vst v1;
	v1 =	vnsel vm11, $0x0, v2;
	v2 =	vadd.s32 $0xFFFFFFFF, v3  }
0x4f: {  	v3 =	vld [tilespmem:$0x1D0];
	[tilespmem:$0x190] =	vst v1;
	v1 =	vsel vm12, $0x3F800000, v0;
	vm13 =	vgt.s32 v2, $0x0  }
0x50: {  	vm14 =	vlt.s32 v39, $0x1;
	[tilespmem:$0x5A0] =	vst v1;
	v1 =	vnsel vm13, $0x0, v2;
	v2 =	vadd.s32 $0xFFFFFFFF, v39  }
0x51: {  	v41 =	vld [tilespmem:$0x1E0];
	[tilespmem:$0x1A0] =	vst v1;
	v1 =	vsel vm14, $0x3F800000, v0;
	vm15 =	vgt.s32 v2, $0x0  }
0x52: {  	vm4 =	vlt.s32 v40, $0x1;
	[tilespmem:$0x5B0] =	vst v1;
	v1 =	vnsel vm15, $0x0, v2;
	v2 =	vadd.s32 $0xFFFFFFFF, v40  }
0x53: {  	v42 =	vld [tilespmem:$0x1F0];
	[tilespmem:$0x1B0] =	vst v1;
	v1 =	vsel vm4, $0x3F800000, v0;
	vm5 =	vgt.s32 v2, $0x0  }
0x54: {  	vm6 =	vlt.s32 v3, $0x1;
	[tilespmem:$0x5C0] =	vst v1;
	v1 =	vnsel vm5, $0x0, v2;
	v2 =	vadd.s32 $0xFFFFFFFF, v3  }
0x55: {  	v3 =	vld [tilespmem:$0x200];
	[tilespmem:$0x1C0] =	vst v1;
	v1 =	vsel vm6, $0x3F800000, v0;
	vm7 =	vgt.s32 v2, $0x0  }
0x56: {  	vm8 =	vlt.s32 v41, $0x1;
	[tilespmem:$0x5D0] =	vst v1;
	v1 =	vnsel vm7, $0x0, v2;
	v2 =	vadd.s32 $0xFFFFFFFF, v41  }
0x57: {  	v43 =	vld [tilespmem:$0x210];
	[tilespmem:$0x1D0] =	vst v1;
	v1 =	vsel vm8, $0x3F800000, v0;
	vm9 =	vgt.s32 v2, $0x0  }
0x58: {  	vm10 =	vlt.s32 v42, $0x1;
	[tilespmem:$0x5E0] =	vst v1;
	v1 =	vnsel vm9, $0x0, v2;
	v2 =	vadd.s32 $0xFFFFFFFF, v42  }
0x59: {  	v44 =	vld [tilespmem:$0x220];
	[tilespmem:$0x1E0] =	vst v1;
	v1 =	vsel vm10, $0x3F800000, v0;
	vm11 =	vgt.s32 v2, $0x0  }
0x5a: {  	vm12 =	vlt.s32 v3, $0x1;
	[tilespmem:$0x5F0] =	vst v1;
	v1 =	vnsel vm11, $0x0, v2;
	v2 =	vadd.s32 $0xFFFFFFFF, v3  }
0x5b: {  	v3 =	vld [tilespmem:$0x230];
	[tilespmem:$0x1F0] =	vst v1;
	v1 =	vsel vm12, $0x3F800000, v0;
	vm13 =	vgt.s32 v2, $0x0  }
0x5c: {  	vm14 =	vlt.s32 v43, $0x1;
	[tilespmem:$0x600] =	vst v1;
	v1 =	vnsel vm13, $0x0, v2;
	v2 =	vadd.s32 $0xFFFFFFFF, v43  }
0x5d: {  	v45 =	vld [tilespmem:$0x240];
	[tilespmem:$0x200] =	vst v1;
	v1 =	vsel vm14, $0x3F800000, v0;
	vm15 =	vgt.s32 v2, $0x0  }
0x5e: {  	vm4 =	vlt.s32 v44, $0x1;
	[tilespmem:$0x610] =	vst v1;
	v1 =	vnsel vm15, $0x0, v2;
	v2 =	vadd.s32 $0xFFFFFFFF, v44  }
0x5f: {  	v46 =	vld [tilespmem:$0x250];
	[tilespmem:$0x210] =	vst v1;
	v1 =	vsel vm4, $0x3F800000, v0;
	vm5 =	vgt.s32 v2, $0x0  }
0x60: {  	vm6 =	vlt.s32 v3, $0x1;
	[tilespmem:$0x620] =	vst v1;
	v1 =	vnsel vm5, $0x0, v2;
	v2 =	vadd.s32 $0xFFFFFFFF, v3  }
0x61: {  	v3 =	vld [tilespmem:$0x260];
	[tilespmem:$0x220] =	vst v1;
	v1 =	vsel vm6, $0x3F800000, v0;
	vm7 =	vgt.s32 v2, $0x0  }
0x62: {  	vm8 =	vlt.s32 v45, $0x1;
	[tilespmem:$0x630] =	vst v1;
	v1 =	vnsel vm7, $0x0, v2;
	v2 =	vadd.s32 $0xFFFFFFFF, v45  }
0x63: {  	v47 =	vld [tilespmem:$0x270];
	[tilespmem:$0x230] =	vst v1;
	v1 =	vsel vm8, $0x3F800000, v0;
	vm9 =	vgt.s32 v2, $0x0  }
0x64: {  	vm10 =	vlt.s32 v46, $0x1;
	[tilespmem:$0x640] =	vst v1;
	v1 =	vnsel vm9, $0x0, v2;
	v2 =	vadd.s32 $0xFFFFFFFF, v46  }
0x65: {  	v48 =	vld [tilespmem:$0x280];
	[tilespmem:$0x240] =	vst v1;
	v1 =	vsel vm10, $0x3F800000, v0;
	vm11 =	vgt.s32 v2, $0x0  }
0x66: {  	vm12 =	vlt.s32 v3, $0x1;
	[tilespmem:$0x650] =	vst v1;
	v1 =	vnsel vm11, $0x0, v2;
	v2 =	vadd.s32 $0xFFFFFFFF, v3  }
0x67: {  	v3 =	vld [tilespmem:$0x290];
	[tilespmem:$0x250] =	vst v1;
	v1 =	vsel vm12, $0x3F800000, v0;
	vm13 =	vgt.s32 v2, $0x0  }
0x68: {  	vm14 =	vlt.s32 v47, $0x1;
	[tilespmem:$0x660] =	vst v1;
	v1 =	vnsel vm13, $0x0, v2;
	v2 =	vadd.s32 $0xFFFFFFFF, v47  }
0x69: {  	v49 =	vld [tilespmem:$0x2A0];
	[tilespmem:$0x260] =	vst v1;
	v1 =	vsel vm14, $0x3F800000, v0;
	vm15 =	vgt.s32 v2, $0x0  }
0x6a: {  	vm4 =	vlt.s32 v48, $0x1;
	[tilespmem:$0x670] =	vst v1;
	v1 =	vnsel vm15, $0x0, v2;
	v2 =	vadd.s32 $0xFFFFFFFF, v48  }
0x6b: {  	v50 =	vld [tilespmem:$0x2B0];
	[tilespmem:$0x270] =	vst v1;
	v1 =	vsel vm4, $0x3F800000, v0;
	vm5 =	vgt.s32 v2, $0x0  }
0x6c: {  	vm6 =	vlt.s32 v3, $0x1;
	[tilespmem:$0x680] =	vst v1;
	v1 =	vnsel vm5, $0x0, v2;
	v2 =	vadd.s32 $0xFFFFFFFF, v3  }
0x6d: {  	v3 =	vld [tilespmem:$0x2C0];
	[tilespmem:$0x280] =	vst v1;
	v1 =	vsel vm6, $0x3F800000, v0;
	vm7 =	vgt.s32 v2, $0x0  }
0x6e: {  	vm8 =	vlt.s32 v49, $0x1;
	[tilespmem:$0x690] =	vst v1;
	v1 =	vnsel vm7, $0x0, v2;
	v2 =	vadd.s32 $0xFFFFFFFF, v49  }
0x6f: {  	v51 =	vld [tilespmem:$0x2D0];
	[tilespmem:$0x290] =	vst v1;
	v1 =	vsel vm8, $0x3F800000, v0;
	vm9 =	vgt.s32 v2, $0x0  }
0x70: {  	vm10 =	vlt.s32 v50, $0x1;
	[tilespmem:$0x6A0] =	vst v1;
	v1 =	vnsel vm9, $0x0, v2;
	v2 =	vadd.s32 $0xFFFFFFFF, v50  }
0x71: {  	v52 =	vld [tilespmem:$0x2E0];
	[tilespmem:$0x2A0] =	vst v1;
	v1 =	vsel vm10, $0x3F800000, v0;
	vm11 =	vgt.s32 v2, $0x0  }
0x72: {  	vm12 =	vlt.s32 v3, $0x1;
	[tilespmem:$0x6B0] =	vst v1;
	v1 =	vnsel vm11, $0x0, v2;
	v2 =	vadd.s32 $0xFFFFFFFF, v3  }
0x73: {  	v3 =	vld [tilespmem:$0x2F0];
	[tilespmem:$0x2B0] =	vst v1;
	v1 =	vsel vm12, $0x3F800000, v0;
	vm13 =	vgt.s32 v2, $0x0  }
0x74: {  	vm14 =	vlt.s32 v51, $0x1;
	[tilespmem:$0x6C0] =	vst v1;
	v1 =	vnsel vm13, $0x0, v2;
	v2 =	vadd.s32 $0xFFFFFFFF, v51  }
0x75: {  	v53 =	vld [tilespmem:$0x300];
	[tilespmem:$0x2C0] =	vst v1;
	v1 =	vsel vm14, $0x3F800000, v0;
	vm15 =	vgt.s32 v2, $0x0  }
0x76: {  	vm4 =	vlt.s32 v52, $0x1;
	[tilespmem:$0x6D0] =	vst v1;
	v1 =	vnsel vm15, $0x0, v2;
	v2 =	vadd.s32 $0xFFFFFFFF, v52  }
0x77: {  	v54 =	vld [tilespmem:$0x310];
	[tilespmem:$0x2D0] =	vst v1;
	v1 =	vsel vm4, $0x3F800000, v0;
	vm5 =	vgt.s32 v2, $0x0  }
0x78: {  	vm6 =	vlt.s32 v3, $0x1;
	[tilespmem:$0x6E0] =	vst v1;
	v1 =	vnsel vm5, $0x0, v2;
	v2 =	vadd.s32 $0xFFFFFFFF, v3  }
0x79: {  	v3 =	vld [tilespmem:$0x320];
	[tilespmem:$0x2E0] =	vst v1;
	v1 =	vsel vm6, $0x3F800000, v0;
	vm7 =	vgt.s32 v2, $0x0  }
0x7a: {  	vm8 =	vlt.s32 v53, $0x1;
	[tilespmem:$0x6F0] =	vst v1;
	v1 =	vnsel vm7, $0x0, v2;
	v2 =	vadd.s32 $0xFFFFFFFF, v53  }
0x7b: {  	v55 =	vld [tilespmem:$0x330];
	[tilespmem:$0x2F0] =	vst v1;
	v1 =	vsel vm8, $0x3F800000, v0;
	vm9 =	vgt.s32 v2, $0x0  }
0x7c: {  	vm10 =	vlt.s32 v54, $0x1;
	[tilespmem:$0x700] =	vst v1;
	v1 =	vnsel vm9, $0x0, v2;
	v2 =	vadd.s32 $0xFFFFFFFF, v54  }
0x7d: {  	v56 =	vld [tilespmem:$0x340];
	[tilespmem:$0x300] =	vst v1;
	v1 =	vsel vm10, $0x3F800000, v0;
	vm11 =	vgt.s32 v2, $0x0  }
0x7e: {  	vm12 =	vlt.s32 v3, $0x1;
	[tilespmem:$0x710] =	vst v1;
	v1 =	vnsel vm11, $0x0, v2;
	v2 =	vadd.s32 $0xFFFFFFFF, v3  }
0x7f: {  	v3 =	vld [tilespmem:$0x350];
	[tilespmem:$0x310] =	vst v1;
	v1 =	vsel vm12, $0x3F800000, v0;
	vm13 =	vgt.s32 v2, $0x0  }
0x80: {  	vm14 =	vlt.s32 v55, $0x1;
	[tilespmem:$0x720] =	vst v1;
	v1 =	vnsel vm13, $0x0, v2;
	v2 =	vadd.s32 $0xFFFFFFFF, v55  }
0x81: {  	v57 =	vld [tilespmem:$0x360];
	[tilespmem:$0x320] =	vst v1;
	v1 =	vsel vm14, $0x3F800000, v0;
	vm15 =	vgt.s32 v2, $0x0  }
0x82: {  	vm4 =	vlt.s32 v56, $0x1;
	[tilespmem:$0x730] =	vst v1;
	v1 =	vnsel vm15, $0x0, v2;
	v2 =	vadd.s32 $0xFFFFFFFF, v56  }
0x83: {  	v58 =	vld [tilespmem:$0x370];
	[tilespmem:$0x330] =	vst v1;
	v1 =	vsel vm4, $0x3F800000, v0;
	vm5 =	vgt.s32 v2, $0x0  }
0x84: {  	vm6 =	vlt.s32 v3, $0x1;
	[tilespmem:$0x740] =	vst v1;
	v1 =	vnsel vm5, $0x0, v2;
	v2 =	vadd.s32 $0xFFFFFFFF, v3  }
0x85: {  	v3 =	vld [tilespmem:$0x380];
	[tilespmem:$0x340] =	vst v1;
	v1 =	vsel vm6, $0x3F800000, v0;
	vm7 =	vgt.s32 v2, $0x0  }
0x86: {  	vm8 =	vlt.s32 v57, $0x1;
	[tilespmem:$0x750] =	vst v1;
	v1 =	vnsel vm7, $0x0, v2;
	v2 =	vadd.s32 $0xFFFFFFFF, v57  }
0x87: {  	v59 =	vld [tilespmem:$0x390];
	[tilespmem:$0x350] =	vst v1;
	v1 =	vsel vm8, $0x3F800000, v0;
	vm9 =	vgt.s32 v2, $0x0  }
0x88: {  	vm10 =	vlt.s32 v58, $0x1;
	[tilespmem:$0x760] =	vst v1;
	v1 =	vnsel vm9, $0x0, v2;
	v2 =	vadd.s32 $0xFFFFFFFF, v58  }
0x89: {  	v60 =	vld [tilespmem:$0x3A0];
	[tilespmem:$0x360] =	vst v1;
	v1 =	vsel vm10, $0x3F800000, v0;
	vm11 =	vgt.s32 v2, $0x0  }
0x8a: {  	vm12 =	vlt.s32 v3, $0x1;
	[tilespmem:$0x770] =	vst v1;
	v1 =	vnsel vm11, $0x0, v2;
	v2 =	vadd.s32 $0xFFFFFFFF, v3  }
0x8b: {  	v3 =	vld [tilespmem:$0x3B0];
	[tilespmem:$0x370] =	vst v1;
	v1 =	vsel vm12, $0x3F800000, v0;
	vm13 =	vgt.s32 v2, $0x0  }
0x8c: {  	vm14 =	vlt.s32 v59, $0x1;
	[tilespmem:$0x780] =	vst v1;
	v1 =	vnsel vm13, $0x0, v2;
	v2 =	vadd.s32 $0xFFFFFFFF, v59  }
0x8d: {  	v61 =	vld [tilespmem:$0x3C0];
	[tilespmem:$0x380] =	vst v1;
	v1 =	vsel vm14, $0x3F800000, v0;
	vm15 =	vgt.s32 v2, $0x0  }
0x8e: {  	vm4 =	vlt.s32 v60, $0x1;
	[tilespmem:$0x790] =	vst v1;
	v1 =	vnsel vm15, $0x0, v2;
	v2 =	vadd.s32 $0xFFFFFFFF, v60  }
0x8f: {  	v62 =	vld [tilespmem:$0x3D0];
	[tilespmem:$0x390] =	vst v1;
	v1 =	vsel vm4, $0x3F800000, v0;
	vm5 =	vgt.s32 v2, $0x0  }
0x90: {  	vm6 =	vlt.s32 v3, $0x1;
	[tilespmem:$0x7A0] =	vst v1;
	v1 =	vnsel vm5, $0x0, v2;
	v2 =	vadd.s32 $0xFFFFFFFF, v3  }
0x91: {  	v3 =	vld [tilespmem:$0x3E0];
	[tilespmem:$0x3A0] =	vst v1;
	v1 =	vsel vm6, $0x3F800000, v0;
	vm7 =	vgt.s32 v2, $0x0  }
0x92: {  	vm8 =	vlt.s32 v61, $0x1;
	[tilespmem:$0x7B0] =	vst v1;
	v1 =	vnsel vm7, $0x0, v2;
	v2 =	vadd.s32 $0xFFFFFFFF, v61  }
0x93: {  	v63 =	vld [tilespmem:$0x3F0];
	[tilespmem:$0x3B0] =	vst v1;
	v1 =	vsel vm8, $0x3F800000, v0;
	vm9 =	vgt.s32 v2, $0x0  }
0x94: {  	vm10 =	vlt.s32 v62, $0x1;
	[tilespmem:$0x7C0] =	vst v1;
	v1 =	vnsel vm9, $0x0, v2;
	v2 =	vadd.s32 $0xFFFFFFFF, v62  }
0x95: {  	[tilespmem:$0x3C0] =	vst v1;
	v1 =	vsel vm10, $0x3F800000, v0;
	vm11 =	vgt.s32 v2, $0x0  }
0x96: {  	vm12 =	vlt.s32 v3, $0x1;
	[tilespmem:$0x7D0] =	vst v1;
	v1 =	vnsel vm11, $0x0, v2;
	v2 =	vadd.s32 $0xFFFFFFFF, v3  }
0x97: {  	[tilespmem:$0x3D0] =	vst v1;
	v1 =	vsel vm12, $0x3F800000, v0;
	vm13 =	vgt.s32 v2, $0x0  }
0x98: {  	vm14 =	vlt.s32 v63, $0x1;
	[tilespmem:$0x7E0] =	vst v1;
	v1 =	vnsel vm13, $0x0, v2;
	v2 =	vadd.s32 $0xFFFFFFFF, v63  }
0x99: {  	[tilespmem:$0x3E0] =	vst v1;
	v1 =	vsel vm14, $0x3F800000, v0;
	vm15 =	vgt.s32 v2, $0x0  }
0x9a: {  	[tilespmem:$0x7F0] =	vst v1;
	v1 =	vnsel vm15, $0x0, v2  }
0x9b: {  	[tilespmem:$0x3F0] =	vst v1  }
0x9c: {  	[tilespmem:s10], [sflag:$0x1] =	stream.indirect.gather [hbm4b:s3+s9], $0x20, s2, s9, $0xb8;
	[tilespmem:$0x8800] =	vst v63  }
0x9d: {  	_ = 	snop  }
0x9e: {  	[tilespmem:s11], [sflag:$0x1] =	stream.indirect.gather [hbm4b:s3+s9], $0x20, s9, s9, $0xb8;
	[tilespmem:$0x8800] =	vst v63  }
0x9f: {  	_ = 	snop  }
0xa0: {  	[tilespmem:s13], [sflag:$0x1] =	stream.indirect.gather [hbm4b:s3+s9], $0x20, s12, s9, $0xb8;
	[tilespmem:$0x8800] =	vst v63  }
0xa1: {  	_ = 	snop  }
0xa2: {  	[tilespmem:s15], [sflag:$0x1] =	stream.indirect.gather [hbm4b:s3+s9], $0x20, s14, s9, $0xb8;
	[tilespmem:$0x8800] =	vst v63  }
0xa3: {  	_ = 	snop  }
0xa4: {  	[tilespmem:s17], [sflag:$0x1] =	stream.indirect.gather [hbm4b:s3+s9], $0x20, s16, s9, $0xb8;
	[tilespmem:$0x8800] =	vst v63  }
0xa5: {  	_ = 	snop  }
0xa6: {  	[tilespmem:s19], [sflag:$0x1] =	stream.indirect.gather [hbm4b:s3+s9], $0x20, s18, s9, $0xb8;
	[tilespmem:$0x8800] =	vst v63  }
0xa7: {  	_ = 	snop  }
0xa8: {  	[tilespmem:s21], [sflag:$0x1] =	stream.indirect.gather [hbm4b:s3+s9], $0x20, s20, s9, $0xb8;
	[tilespmem:$0x8800] =	vst v63  }
0xa9: {  	_ = 	snop  }
0xaa: {  	[tilespmem:s23], [sflag:$0x1] =	stream.indirect.gather [hbm4b:s3+s9], $0x20, s22, s9, $0xb8;
	[tilespmem:$0x8800] =	vst v63  }
0xab: {  	_ =	swait.ge [sflag:s24], $0x1000  }
0xac: {  	[sflag:s24] =	ssyncset.done $0x0  }
0xad: {  	[sflag:s24] =	ssyncadd.s32 $0xFFFFF000  }
0xae: {  	_ =	swait.ge [sflag:s24], $0x1000  }
0xaf: {  	[sflag:s24] =	ssyncset.done $0x0  }
0xb0: {  	[sflag:s24] =	ssyncadd.s32 $0xFFFFF000  }
0xb1: {  	_ =	swait.ge [sflag:s24], $0x1000  }
0xb2: {  	[sflag:s24] =	ssyncset.done $0x0  }
0xb3: {  	[sflag:s24] =	ssyncadd.s32 $0xFFFFF000  }
0xb4: {  	_ =	swait.ge [sflag:s24], $0x1000  }
0xb5: {  	[sflag:s24] =	ssyncset.done $0x0  }
0xb6: {  	[sflag:s24] =	ssyncadd.s32 $0xFFFFF000  }
0xb7: {  	_ =	swait.ge [sflag:s24], $0x1000  }
0xb8: {  	[sflag:s24] =	ssyncset.done $0x0  }
0xb9: {  	[sflag:s24] =	ssyncadd.s32 $0xFFFFF000  }
0xba: {  	_ =	swait.ge [sflag:s24], $0x1000  }
0xbb: {  	[sflag:s24] =	ssyncset.done $0x0  }
0xbc: {  	[sflag:s24] =	ssyncadd.s32 $0xFFFFF000  }
0xbd: {  	_ =	swait.ge [sflag:s24], $0x1000  }
0xbe: {  	[sflag:s24] =	ssyncset.done $0x0  }
0xbf: {  	[sflag:s24] =	ssyncadd.s32 $0xFFFFF000  }
0xc0: {  	_ =	swait.ge [sflag:s24], $0x1000  }
0xc1: {  	[sflag:s24] =	ssyncset.done $0x0  }
0xc2: {  	[sflag:s24] =	ssyncadd.s32 $0xFFFFF000  }
0xc3: {  	[hbm4b:s29+s2] =	stream.linear.scatter [tilespmem:s10], [sflag:$0x2], $0x8000, $0x38;
	[tilespmem:$0x8800] =	vst v63  }
0xc4: {  	_ =	swait.ge [sflag:s8], $0x8000  }
0xc5: {  	p0 =	sne.s32 s28, $0x600;
	[sflag:s8] =	ssyncset.done $0x0  }
.Ltmp0:
0xc6: {  	s31 =	sadd.s32 s28, s6;
	[sflag:s8] =	ssyncadd.s32 $0xFFFF8000;
	(pc) =	sbr.rel @p0 .LBB2_2-.Ltmp0, $4  }
0xc7: {  	[hbm4b:s31+s2] =	stream.linear.scatter [tilespmem:s25], [sflag:$0x2], $0x400, $0x38;
	[tilespmem:$0x8800] =	vst v63  }
0xc8: {  	_ =	swait.ge [sflag:s8], $0x400  }
0xc9: {  	[sflag:s8] =	ssyncset.done $0x0  }
0xca: {  	s28 =	sadd.s32 $0x80, s28;
	s29 =	sadd.s32 $0x1000, s29;
	[sflag:s8] =	ssyncadd.s32 $0xFFFFFC00  }
0xcb: {  	s26 =	sadd.s32 $0x1, s26  }
0xcc: {  	p0 =	sne.s32 s26, s4  }
.Ltmp1:
0xcd: {  	_ = 	snop;
	(pc) =	sbr.rel @p0 .LBB2_1-.Ltmp1, $1  }
0xce: {  	_ =	sdelay $0x3  }
0xcf: {  	_ =	sfence.sel $0x180000  }
0xd0: {  	[bflag:$0x0] =	sbarrier.arrive $0xFFFF  }
0xd1: {  	p0 =	sne.s32 s0, $0x0;
	_ =	strace $0x90000047  }
0xd2: {  	s0 =	sadd.s32 @!p0 $0x100000, s1;
	[bflag:$0x2] =	sbarrier.arrive $0xFFFF  }
0xd3: {  	[sflag:s0] =	ssyncadd.tile.s32 @!p0 $0x1;
	_ =	shalt  }
.Lfunc_end2:
_tile_overlayer_lowered:
.L_overlay_start_2:
0xd4: {  	(tag) =	ssettag $0x2  }
0xd5: {  	s0 =	rddreg [dreg:$0x0];
	s2 =	stileid.u32  }
0xd6: {  	s1 =	rddreg [dreg:$0x1];
	p0 =	sne.s32 s2, $0x0  }
0xd7: {  	s3 =	rddreg [dreg:$0x2];
	[bflag:$0x3] =	sbarrier.arrive $0xFFFF;
	s2 =	simm.s32 @!p0 $0x1C02  }
0xd8: {  	[timem:s3], [sflag:s2] =	dma.local @!p0 [hbm:s0], s1  }
0xd9: {  	s0 =	simm.s32 @!p0 $0x2  }
0xda: {  	_ =	swait.ge @!p0 [sflag:s0], s1  }
0xdb: {  	s1 =	ssub.s32 @!p0 $0x0, s1;
	[sflag:s0] =	ssyncset.done @!p0 $0x0  }
0xdc: {  	[sflag:s0] =	ssyncadd.s32 @!p0 s1  }
0xdd: {  	[bflag:$0x3] =	sbarrier.arrive $0xFFFF  }
0xde: {  	_ =	shalt  }

</sc_bundles>
